<compile_context>
chip_gen: v7x
topology: tpu7x:2x2x1
jax: 0.10.2.dev20260603
libtpu: 0.0.44.dev20260713+nightly
codegen_flags: <defaults>
</compile_context>

<pallas_src>
import functools

import jax
import jax.numpy as jnp
from jax import lax
from jax.experimental import pallas as pl
from jax.experimental.pallas import tpu as pltpu
from jax.experimental.pallas import tpu_sc as plsc

_B = 8
_N = 5000
_NP = 5008
_C = 81
_NSLOT = 6656
_NCH = _NSLOT // 16
_OW = 800
_SCORE_T = 0.05
_IOU_T = 0.3
_MPC = 100
_MT = 100
_CH = 250


def _prep_body(lg_ref, dT_ref, aT_ref, sc_ref, id_ref, bT_ref,
               pf_ref, cnt_ref):
    lg = lg_ref[0]
    m = jnp.max(lg, axis=1, keepdims=True)
    ssum = jnp.sum(jnp.exp(lg - m), axis=1)
    score = 1.0 / ssum
    iota = lax.broadcasted_iota(jnp.int32, (_N, _C), 1)
    ids = jnp.min(jnp.where(lg == m, iota, _C), axis=1)
    valid = (ids > 0) & (score >= _SCORE_T)
    ids = jnp.where(valid, ids, 0)
    sc_ref[0, 0, :] = score
    id_ref[0, 0, :] = ids

    tri = (lax.broadcasted_iota(jnp.int32, (_CH, _CH), 0)
           > lax.broadcasted_iota(jnp.int32, (_CH, _CH), 1)).astype(jnp.bfloat16)
    iota_c = lax.broadcasted_iota(jnp.int32, (_CH, _C), 1)
    running = jnp.zeros((_C,), jnp.float32)
    for k in range(_N // _CH):
        idc = lax.slice(ids, (k * _CH,), ((k + 1) * _CH,))
        hot = idc[:, None] == iota_c
        onehot = hot.astype(jnp.float32)
        mm = jax.lax.dot(tri, hot.astype(jnp.bfloat16),
                         preferred_element_type=jnp.float32)
        within = jnp.sum(mm * onehot, axis=1)
        base = jnp.sum(onehot * running[None, :], axis=1)
        pf_ref[0, 0, k * _CH:(k + 1) * _CH] = (base + within).astype(jnp.int32)
        running = running + jnp.sum(onehot, axis=0)
    cnt_ref[0, 0, 0:_C] = running.astype(jnp.int32)
    cnt_ref[0, 0, _C:88] = jnp.zeros((88 - _C,), jnp.int32)

    aT = aT_ref[...]
    ah = aT[2] - aT[0]
    aw = aT[3] - aT[1]
    acy = (aT[2] + aT[0]) * 0.5
    acx = (aT[3] + aT[1]) * 0.5
    dT = dT_ref[0]
    cy = acy + dT[0] * 0.1 * ah
    cx = acx + dT[1] * 0.1 * aw
    hh = ah * jnp.exp(dT[2] * 0.2)
    ww = aw * jnp.exp(dT[3] * 0.2)
    y1 = cy - hh * 0.5
    x1 = cx - ww * 0.5
    y2 = cy + hh * 0.5
    x2 = cx + ww * 0.5
    bT_ref[0, 0, :] = y1
    bT_ref[0, 1, :] = x1
    bT_ref[0, 2, :] = y2
    bT_ref[0, 3, :] = x2


_mesh = plsc.VectorSubcoreMesh(core_axis_name="c", subcore_axis_name="s")


@functools.partial(
    pl.kernel,
    out_type=(
        jax.ShapeDtypeStruct((_B, _OW), jnp.float32),
        jax.ShapeDtypeStruct((_B, _OW), jnp.float32),
        jax.ShapeDtypeStruct((_B, _OW), jnp.int32),
    ),
    mesh=_mesh,
    compiler_params=pltpu.CompilerParams(
        needs_layout_passes=False, use_tc_tiling_on_sc=False),
    scratch_types=[
        pltpu.VMEM((_NP,), jnp.float32),
        pltpu.VMEM((_NP,), jnp.int32),
        pltpu.VMEM((_NP,), jnp.float32),
        pltpu.VMEM((_NP,), jnp.float32),
        pltpu.VMEM((_NP,), jnp.float32),
        pltpu.VMEM((_NP,), jnp.float32),
        pltpu.VMEM((_NP,), jnp.int32),
        pltpu.VMEM((88,), jnp.int32),
        pltpu.VMEM((96,), jnp.int32),
        pltpu.VMEM((_NSLOT,), jnp.float32),
        pltpu.VMEM((_NSLOT,), jnp.int32),
        pltpu.VMEM((_NSLOT,), jnp.float32),
        pltpu.VMEM((_NSLOT,), jnp.float32),
        pltpu.VMEM((_NSLOT,), jnp.float32),
        pltpu.VMEM((_NSLOT,), jnp.float32),
        pltpu.VMEM((_NSLOT,), jnp.float32),
        pltpu.VMEM((_NCH,), jnp.float32),
        pltpu.VMEM((_OW,), jnp.float32),
        pltpu.VMEM((4 * _OW,), jnp.float32),
        pltpu.VMEM((_OW,), jnp.float32),
        pltpu.VMEM((_OW,), jnp.float32),
        pltpu.VMEM((_OW,), jnp.int32),
        pltpu.VMEM_SHARED((16, _OW), jnp.float32),
        pltpu.SMEM((96,), jnp.int32),
        pltpu.SMEM((96,), jnp.int32),
    ],
)
def _sc_kernel(sc_hbm, id_hbm, bT_hbm, pf_hbm, cnt_hbm,
               ob_hbm, os_hbm, oc_hbm,
               sc_in, id_in, y1_in, x1_in, y2_in, x2_in, pf_in,
               cnt_vm, offp_vm,
               ssc, scls, sy1, sx1, sy2, sx2, ksc, cmax_v,
               rows_v, mg_v, ob_v, os_v, oc_v, shared, cnts, offp):
    cid = lax.axis_index("c")
    sid = lax.axis_index("s")
    b = cid * 4 + sid // 4
    wq = sid % 4

    f0 = jnp.float32(0.0)
    f1 = jnp.float32(1.0)
    fneg1 = jnp.float32(-1.0)
    big = jnp.int32(2 ** 30)
    iota16 = lax.broadcasted_iota(jnp.int32, (16,), 0)
    neg16 = jnp.full((16,), -1.0, dtype=jnp.float32)
    lane0 = iota16 == 0
    lo8 = iota16 < 8

    def sstore_f(ref, idx, val):
        plsc.store_scatter(ref, [iota16 * 0 + idx],
                           jnp.zeros((16,), jnp.float32) + val, mask=lane0)

    def sstore_i(ref, idx, val):
        plsc.store_scatter(ref, [iota16 * 0 + idx],
                           jnp.zeros((16,), jnp.int32) + val, mask=lane0)

    def sload(ref, idx):
        return plsc.load_gather(ref, [iota16 * 0 + idx])[0]

    pltpu.sync_copy(sc_hbm.at[b, 0], sc_in.at[pl.ds(0, _N)])
    pltpu.sync_copy(id_hbm.at[b, 0], id_in.at[pl.ds(0, _N)])
    pltpu.sync_copy(bT_hbm.at[b, 0], y1_in.at[pl.ds(0, _N)])
    pltpu.sync_copy(bT_hbm.at[b, 1], x1_in.at[pl.ds(0, _N)])
    pltpu.sync_copy(bT_hbm.at[b, 2], y2_in.at[pl.ds(0, _N)])
    pltpu.sync_copy(bT_hbm.at[b, 3], x2_in.at[pl.ds(0, _N)])
    pltpu.sync_copy(pf_hbm.at[b, 0], pf_in.at[pl.ds(0, _N)])
    pltpu.sync_copy(cnt_hbm.at[b, 0], cnt_vm)

    tl = pl.ds((_NP // 16 - 1) * 16, 16)
    real = iota16 < (_N % 16)
    cnt0 = sload(cnt_vm, 0)
    id_in[tl] = jnp.where(real, id_in[tl], 0)
    sc_in[tl] = jnp.where(real, sc_in[tl], fneg1)
    y1_in[tl] = jnp.where(real, y1_in[tl], f0)
    x1_in[tl] = jnp.where(real, x1_in[tl], f0)
    y2_in[tl] = jnp.where(real, y2_in[tl], f0)
    x2_in[tl] = jnp.where(real, x2_in[tl], f0)
    pf_in[tl] = jnp.where(real, pf_in[tl], cnt0 + iota16 - (_N % 16))

    def ofb(c, run):
        cnt = sload(cnt_vm, c) + jnp.where(c == 0, _NP - _N, 0)
        cnts[c] = cnt
        offp[c] = run
        sstore_i(offp_vm, c, run)
        return run + ((cnt + 15) // 16) * 16
    lax.fori_loop(0, _C, ofb, jnp.int32(0))

    def ib(j, t):
        ssc[pl.ds(j * 16, 16)] = neg16
        ksc[pl.ds(j * 16, 16)] = neg16
        return t
    lax.fori_loop(0, _NCH, ib, 0)

    def sb(j, t):
        sl = pl.ds(j * 16, 16)
        pv = plsc.load_gather(offp_vm, [id_in[sl]]) + pf_in[sl]
        plsc.store_scatter(ssc, [pv], sc_in[sl])
        plsc.store_scatter(scls, [pv], id_in[sl])
        plsc.store_scatter(sy1, [pv], y1_in[sl])
        plsc.store_scatter(sx1, [pv], x1_in[sl])
        plsc.store_scatter(sy2, [pv], y2_in[sl])
        plsc.store_scatter(sx2, [pv], x2_in[sl])
        return t
    lax.fori_loop(0, _NP // 16, sb, 0)

    def clsb(c, t):
        @pl.when(c % 4 == wq)
        def _():
            s0 = offp[c]
            cnt = cnts[c]
            j0 = s0 // 16
            nch = (cnt + 15) // 16

            def wcond(st):
                kc = st[0]
                alive = st[6]
                return alive & (kc < _MPC)

            def wbody(st):
                kc, by1, bx1, by2, bx2, bar, _ = st

                def sweep(jj, carry):
                    bs, bc = carry
                    sl = pl.ds((j0 + jj) * 16, 16)
                    vs = ssc[sl]
                    cy1 = sy1[sl]
                    cx1 = sx1[sl]
                    cy2 = sy2[sl]
                    cx2 = sx2[sl]
                    yy1 = jnp.maximum(by1, cy1)
                    xx1 = jnp.maximum(bx1, cx1)
                    yy2 = jnp.minimum(by2, cy2)
                    xx2 = jnp.minimum(bx2, cx2)
                    inter = (jnp.maximum(yy2 - yy1, f0)
                             * jnp.maximum(xx2 - xx1, f0))
                    car = (cy2 - cy1) * (cx2 - cx1)
                    denom = jnp.maximum(bar + car - inter,
                                        jnp.float32(1e-8))
                    keepm = inter <= jnp.float32(_IOU_T) * denom
                    vs = jnp.where(keepm, vs, fneg1)
                    ssc[sl] = vs
                    nm = vs > bs
                    bs = jnp.where(nm, vs, bs)
                    bc = jnp.where(nm, jj, bc)
                    return bs, bc

                bs0 = jnp.full((16,), -1.0, dtype=jnp.float32)
                bc0 = jnp.zeros((16,), dtype=jnp.int32)
                bs, bc = lax.fori_loop(0, nch, sweep, (bs0, bc0))
                m = jnp.max(bs, axis=0)
                found = m > f0
                slotv = jnp.where(bs == m, (j0 + bc) * 16 + iota16, big)
                slot = jnp.minimum(jnp.min(slotv, axis=0),
                                   jnp.int32(_NSLOT - 1))

                @pl.when(found)
                def _():
                    sstore_f(ksc, slot, m)
                    sstore_f(ssc, slot, fneg1)

                nby1 = sload(sy1, slot)
                nbx1 = sload(sx1, slot)
                nby2 = sload(sy2, slot)
                nbx2 = sload(sx2, slot)
                nbar = (nby2 - nby1) * (nbx2 - nbx1)
                return (kc + found.astype(jnp.int32),
                        nby1, nbx1, nby2, nbx2, nbar, found)

            st0 = (jnp.int32(0), f0, f0, f0, f0, f0, jnp.bool_(True))
            lax.while_loop(wcond, wbody, st0)
        return t
    lax.fori_loop(1, _C, clsb, 0)

    def cmb(j, t):
        sstore_f(cmax_v, j, jnp.max(ksc[pl.ds(j * 16, 16)], axis=0))
        return t
    lax.fori_loop(0, _NCH, cmb, 0)

    z16f = jnp.zeros((16,), jnp.float32)

    def rzb(j, t):
        rows_v[pl.ds(j * 16, 16)] = z16f
        return t
    lax.fori_loop(0, _OW // 16, rzb, 0)

    def topb(r, t):
        def scn(j, carry):
            bs, bc = carry
            v = cmax_v[pl.ds(j * 16, 16)]
            nm = v > bs
            return jnp.where(nm, v, bs), jnp.where(nm, j, bc)
        bs, bc = lax.fori_loop(0, _NCH // 16, scn,
                               (jnp.full((16,), -1.0, jnp.float32),
                                jnp.zeros((16,), jnp.int32)))
        m = jnp.max(bs, axis=0)
        found = m > f0
        civ = jnp.where(bs == m, bc * 16 + iota16, big)
        ci = jnp.minimum(jnp.min(civ, axis=0), jnp.int32(_NCH - 1))
        v = ksc[pl.ds(ci * 16, 16)]
        slotv = jnp.where(v == m, ci * 16 + iota16, big)
        slot = jnp.minimum(jnp.min(slotv, axis=0), jnp.int32(_NSLOT - 1))

        @pl.when(found)
        def _():
            vy1 = sload(sy1, slot)
            vx1 = sload(sx1, slot)
            vy2 = sload(sy2, slot)
            vx2 = sload(sx2, slot)
            vcl = sload(scls, slot)
            row = jnp.where(
                iota16 == 0, m,
                jnp.where(iota16 == 1, vy1,
                          jnp.where(iota16 == 2, vx1,
                                    jnp.where(iota16 == 3, vy2,
                                              jnp.where(iota16 == 4, vx2,
                                                        f0)))))
            row = jnp.where(iota16 == 5, vcl.astype(jnp.float32), row)
            row = jnp.where(iota16 == 6, slot.astype(jnp.float32), row)
            plsc.store_scatter(rows_v, [r * 8 + iota16], row, mask=lo8)
            sstore_f(ksc, slot, fneg1)
            cm = jnp.max(
                jnp.where((ci * 16 + iota16) == slot, fneg1,
                          ksc[pl.ds(ci * 16, 16)]), axis=0)
            sstore_f(cmax_v, ci, cm)
        return t
    lax.fori_loop(0, _MT, topb, 0)

    pltpu.sync_copy(rows_v, shared.at[sid])
    plsc.subcore_barrier()

    @pl.when(wq == 0)
    def _():
        for k in range(4):
            pltpu.sync_copy(shared.at[sid + k],
                            mg_v.at[pl.ds(k * _OW, _OW)])

        z16i = jnp.zeros((16,), jnp.int32)

        def ozb(j, t):
            ob_v[pl.ds(j * 16, 16)] = z16f
            os_v[pl.ds(j * 16, 16)] = z16f
            oc_v[pl.ds(j * 16, 16)] = z16i
            return t
        lax.fori_loop(0, _OW // 16, ozb, 0)

        def mrg(r, st):
            c0, c1, c2, c3 = st

            def head(k, ck):
                ckc = jnp.minimum(ck, _MT - 1)
                rw = plsc.load_gather(mg_v, [k * _OW + ckc * 8 + iota16])
                s = jnp.where(ck < _MT, rw[0], fneg1)
                sl = rw[6]
                return s, sl

            s0, l0 = head(0, c0)
            s1, l1 = head(1, c1)
            s2, l2 = head(2, c2)
            s3, l3 = head(3, c3)

            def beat(sa, la, sb, lb):
                return (sa > sb) | ((sa == sb) & (la < lb))

            b01 = beat(s0, l0, s1, l1)
            sa = jnp.where(b01, s0, s1)
            la = jnp.where(b01, l0, l1)
            ka = jnp.where(b01, 0, 1)
            b23 = beat(s2, l2, s3, l3)
            sb_ = jnp.where(b23, s2, s3)
            lb_ = jnp.where(b23, l2, l3)
            kb = jnp.where(b23, 2, 3)
            bab = beat(sa, la, sb_, lb_)
            sw = jnp.where(bab, sa, sb_)
            kw = jnp.where(bab, ka, kb)
            cw = jnp.where(kw == 0, c0,
                           jnp.where(kw == 1, c1,
                                     jnp.where(kw == 2, c2, c3)))
            found = sw > f0

            @pl.when(found)
            def _():
                rw = plsc.load_gather(mg_v, [kw * _OW + cw * 8 + iota16])
                rowb = jnp.where(
                    iota16 == 0, rw[1],
                    jnp.where(iota16 == 1, rw[2],
                              jnp.where(iota16 == 2, rw[3],
                                        jnp.where(iota16 == 3, rw[4],
                                                  jnp.where(iota16 == 4, f1,
                                                            f0)))))
                rows = jnp.where(iota16 == 0, rw[0],
                                 jnp.where(iota16 == 1, f1, f0))
                rowc = jnp.where(iota16 == 0, rw[5].astype(jnp.int32),
                                 jnp.where(iota16 == 1, 1, 0))
                plsc.store_scatter(ob_v, [r * 8 + iota16], rowb, mask=lo8)
                plsc.store_scatter(os_v, [r * 8 + iota16], rows, mask=lo8)
                plsc.store_scatter(oc_v, [r * 8 + iota16], rowc, mask=lo8)

            fi = found.astype(jnp.int32)
            return (c0 + fi * (kw == 0).astype(jnp.int32),
                    c1 + fi * (kw == 1).astype(jnp.int32),
                    c2 + fi * (kw == 2).astype(jnp.int32),
                    c3 + fi * (kw == 3).astype(jnp.int32))

        lax.fori_loop(0, _MT, mrg,
                      (jnp.int32(0), jnp.int32(0), jnp.int32(0), jnp.int32(0)))

        pltpu.sync_copy(ob_v, ob_hbm.at[b])
        pltpu.sync_copy(os_v, os_hbm.at[b])
        pltpu.sync_copy(oc_v, oc_hbm.at[b])


def kernel(deltas, class_logits, anchors):
    deltasT = jnp.transpose(deltas, (0, 2, 1))
    anchorsT = jnp.transpose(anchors, (1, 0))
    prep_out = pl.pallas_call(
        _prep_body,
        grid=(_B,),
        in_specs=[
            pl.BlockSpec((1, _N, _C), lambda b: (b, 0, 0)),
            pl.BlockSpec((1, 4, _N), lambda b: (b, 0, 0)),
            pl.BlockSpec((4, _N), lambda b: (0, 0)),
        ],
        out_specs=[
            pl.BlockSpec((1, 1, _N), lambda b: (b, 0, 0)),
            pl.BlockSpec((1, 1, _N), lambda b: (b, 0, 0)),
            pl.BlockSpec((1, 4, _N), lambda b: (b, 0, 0)),
            pl.BlockSpec((1, 1, _N), lambda b: (b, 0, 0)),
            pl.BlockSpec((1, 1, 88), lambda b: (b, 0, 0)),
        ],
        out_shape=[
            jax.ShapeDtypeStruct((_B, 1, _N), jnp.float32),
            jax.ShapeDtypeStruct((_B, 1, _N), jnp.int32),
            jax.ShapeDtypeStruct((_B, 4, _N), jnp.float32),
            jax.ShapeDtypeStruct((_B, 1, _N), jnp.int32),
            jax.ShapeDtypeStruct((_B, 1, 88), jnp.int32),
        ],
    )(class_logits, deltasT, anchorsT)
    scores3, ids3, boxesT, prefix3, counts3 = prep_out
    ob, os_, oc = _sc_kernel(scores3, ids3, boxesT, prefix3, counts3)
    boxes_out = ob.reshape(_B, _MT, 8)[:, :, :5]
    scores_out = os_.reshape(_B, _MT, 8)[:, :, :2]
    ids_out = oc.reshape(_B, _MT, 8)[:, :, :2]
    return boxes_out, scores_out, ids_out

# --- scband reference (transcript-rebuilt; emitter-appended) ---
"""Pipeline reference for scband-detect-box-60962765799883 (READ-ONLY COPY).

The authoritative reference and input builder live on the scoring server;
editing this copy changes nothing except your own understanding.
"""

import jax, jax.numpy as jnp
import numpy as np

BATCH = 8
NUM_ANCHORS = 5000
NUM_CLASSES = 81
SCORE_THRESHOLD = 0.05
IOU_THRESHOLD = 0.3
MAX_PER_CLASS = 100
MAX_TOTAL = 100


def setup_inputs(seed: int = 0):
    key = jax.random.key(seed)
    k1, k2, k3, k4 = jax.random.split(key, 4)
    deltas = jax.random.normal(k1, (BATCH, NUM_ANCHORS, 4), dtype=jnp.float32)
    class_logits = jax.random.normal(k2, (BATCH, NUM_ANCHORS, NUM_CLASSES), dtype=jnp.float32) * 2.0
    ctr = jax.random.uniform(k3, (NUM_ANCHORS, 2), minval=0.1, maxval=0.9, dtype=jnp.float32)
    sz = jax.random.uniform(k4, (NUM_ANCHORS, 2), minval=0.05, maxval=0.2, dtype=jnp.float32)
    anchors = jnp.concatenate([ctr - sz * 0.5, ctr + sz * 0.5], axis=1)  # (y1,x1,y2,x2)
    return {"deltas": deltas, "class_logits": class_logits, "anchors": anchors}


def apply_regress(deltas, anchors):
    h = anchors[:, 2] - anchors[:, 0]
    w = anchors[:, 3] - anchors[:, 1]
    cy = (anchors[:, 2] + anchors[:, 0]) * 0.5
    cx = (anchors[:, 3] + anchors[:, 1]) * 0.5
    d = deltas * jnp.array([0.1, 0.1, 0.2, 0.2], dtype=deltas.dtype)
    dy, dx, dh, dw = d[:, 0], d[:, 1], d[:, 2], d[:, 3]
    cy = cy + dy * h
    cx = cx + dx * w
    h = h * jnp.exp(dh)
    w = w * jnp.exp(dw)
    return jnp.stack([cy - h * 0.5, cx - w * 0.5, cy + h * 0.5, cx + w * 0.5], axis=1)


def _select_fixed(boxes, scores, ids):
    # fixed-shape greedy per-class NMS + global top-MAX_TOTAL selection
    n = boxes.shape[0]
    valid = (ids > 0) & (scores >= SCORE_THRESHOLD)
    order = jnp.argsort(-scores)  # stable: ties broken by lower index
    y1, x1, y2, x2 = boxes[:, 0], boxes[:, 1], boxes[:, 2], boxes[:, 3]
    areas = (y2 - y1) * (x2 - x1)

    def body(t, state):
        keep, suppressed, counts = state
        i = order[t]
        ok = valid[i] & jnp.logical_not(suppressed[i]) & (counts[ids[i]] < MAX_PER_CLASS)
        yy1 = jnp.maximum(y1[i], y1)
        xx1 = jnp.maximum(x1[i], x1)
        yy2 = jnp.minimum(y2[i], y2)
        xx2 = jnp.minimum(x2[i], x2)
        inter = jnp.maximum(0.0, yy2 - yy1) * jnp.maximum(0.0, xx2 - xx1)
        iou = inter / jnp.maximum(areas[i] + areas - inter, 1e-8)
        sup = ok & valid & (ids == ids[i]) & (iou > IOU_THRESHOLD)
        sup = sup.at[i].set(False)
        keep = keep.at[i].set(ok)
        suppressed = suppressed | sup
        counts = counts.at[ids[i]].add(ok.astype(jnp.int32))
        return keep, suppressed, counts

    keep0 = jnp.zeros((n,), dtype=bool)
    sup0 = jnp.zeros((n,), dtype=bool)
    cnt0 = jnp.zeros((NUM_CLASSES,), dtype=jnp.int32)
    keep, _, _ = jax.lax.fori_loop(0, n, body, (keep0, sup0, cnt0))
    # final order: score desc, then class asc, then index asc (matches stable
    # class-grouped selection followed by stable global stable sort)
    neg = jnp.where(keep, -scores, jnp.inf)
    ranked = jnp.lexsort((jnp.arange(n), ids, neg))
    top = ranked[:MAX_TOTAL]
    real = jnp.arange(MAX_TOTAL) < jnp.sum(keep)
    return top, real


def _nms_indices(boxes, scores, max_out, iou_thr):
    # greedy NMS, equivalent to tf.image.non_max_suppression
    order = np.argsort(-scores, kind="stable")
    keep = []
    while order.size > 0 and len(keep) < max_out:
        i = int(order[0])
        keep.append(i)
        rest = order[1:]
        if rest.size == 0:
            break
        yy1 = np.maximum(boxes[i, 0], boxes[rest, 0])
        xx1 = np.maximum(boxes[i, 1], boxes[rest, 1])
        yy2 = np.minimum(boxes[i, 2], boxes[rest, 2])
        xx2 = np.minimum(boxes[i, 3], boxes[rest, 3])
        inter = np.maximum(0.0, yy2 - yy1) * np.maximum(0.0, xx2 - xx1)
        area_i = (boxes[i, 2] - boxes[i, 0]) * (boxes[i, 3] - boxes[i, 1])
        area_r = (boxes[rest, 2] - boxes[rest, 0]) * (boxes[rest, 3] - boxes[rest, 1])
        iou = inter / np.maximum(area_i + area_r - inter, 1e-8)
        order = rest[iou <= iou_thr]
    return np.asarray(keep, dtype=np.int64)


def _select_indices(boxes_np, scores_np, ids_np):
    keep_idx = np.where((ids_np > 0) & (scores_np >= SCORE_THRESHOLD))[0]
    sel = []
    for c in np.unique(ids_np[keep_idx]):
        cls_pos = keep_idx[ids_np[keep_idx] == c]
        k = _nms_indices(boxes_np[cls_pos], scores_np[cls_pos], MAX_PER_CLASS, IOU_THRESHOLD)
        sel.extend(cls_pos[k].tolist())
    sel = np.asarray(sel, dtype=np.int64)
    if sel.size > 0:
        top = np.argsort(-scores_np[sel], kind="stable")[:MAX_TOTAL]
        sel = sel[top]
    return sel


def _pad_to_fixed(arr, fixed):
    # append tag column of ones (real rows), then zero-pad rows to fixed size
    n = arr.shape[0]
    tag = jnp.ones((n, 1), dtype=arr.dtype)
    arr = jnp.concatenate([arr, tag], axis=1)
    return jnp.pad(arr, ((0, fixed - n), (0, 0)))


def reference(deltas, class_logits, anchors):
    out_b, out_s, out_c = [], [], []
    for b in range(deltas.shape[0]):
        boxes = apply_regress(deltas[b], anchors)
        probs = jax.nn.softmax(class_logits[b], axis=-1)
        scores = jnp.max(probs, axis=-1)
        ids = jnp.argmax(class_logits[b], axis=-1)
        top, real = _select_fixed(boxes, scores, ids)
        real_f = real.astype(boxes.dtype)[:, None]
        real_i = real.astype(jnp.int32)[:, None]
        b_rows = jnp.concatenate(
            [jnp.take(boxes, top, axis=0), jnp.ones((MAX_TOTAL, 1), boxes.dtype)], axis=1
        ) * real_f
        s_rows = jnp.concatenate(
            [jnp.take(scores, top)[:, None], jnp.ones((MAX_TOTAL, 1), scores.dtype)], axis=1
        ) * real_f
        c_rows = jnp.concatenate(
            [jnp.take(ids, top)[:, None].astype(jnp.int32), jnp.ones((MAX_TOTAL, 1), jnp.int32)], axis=1
        ) * real_i
        out_b.append(b_rows)
        out_s.append(s_rows)
        out_c.append(c_rows)
    return jnp.stack(out_b), jnp.stack(out_s), jnp.stack(out_c)

if __name__ == "__main__":
    import jax
    _d = setup_inputs()
    print(jax.jit(kernel)(*tuple(_d.values())))

</pallas_src>

<mosaic_0001>
#map = affine_map<(d0, d1) -> (0, 0, 0)>
#map1 = affine_map<(d0, d1) -> (0, 0)>
module attributes {stable_mosaic.version = 14 : i64} {
  func.func @_sc_kernel(%arg0: i32, %arg1: i32, %arg2: memref<8x1x5000xf32, #tpu.memory_space<hbm>>, %arg3: memref<8x1x5000xi32, #tpu.memory_space<hbm>>, %arg4: memref<8x4x5000xf32, #tpu.memory_space<hbm>>, %arg5: memref<8x1x5000xi32, #tpu.memory_space<hbm>>, %arg6: memref<8x1x88xi32, #tpu.memory_space<hbm>>, %arg7: memref<8x800xf32, #tpu.memory_space<hbm>>, %arg8: memref<8x800xf32, #tpu.memory_space<hbm>>, %arg9: memref<8x800xi32, #tpu.memory_space<hbm>>, %arg10: memref<5008xf32, #tpu.memory_space<vmem>>, %arg11: memref<5008xi32, #tpu.memory_space<vmem>>, %arg12: memref<5008xf32, #tpu.memory_space<vmem>>, %arg13: memref<5008xf32, #tpu.memory_space<vmem>>, %arg14: memref<5008xf32, #tpu.memory_space<vmem>>, %arg15: memref<5008xf32, #tpu.memory_space<vmem>>, %arg16: memref<5008xi32, #tpu.memory_space<vmem>>, %arg17: memref<88xi32, #tpu.memory_space<vmem>>, %arg18: memref<96xi32, #tpu.memory_space<vmem>>, %arg19: memref<6656xf32, #tpu.memory_space<vmem>>, %arg20: memref<6656xi32, #tpu.memory_space<vmem>>, %arg21: memref<6656xf32, #tpu.memory_space<vmem>>, %arg22: memref<6656xf32, #tpu.memory_space<vmem>>, %arg23: memref<6656xf32, #tpu.memory_space<vmem>>, %arg24: memref<6656xf32, #tpu.memory_space<vmem>>, %arg25: memref<6656xf32, #tpu.memory_space<vmem>>, %arg26: memref<416xf32, #tpu.memory_space<vmem>>, %arg27: memref<800xf32, #tpu.memory_space<vmem>>, %arg28: memref<3200xf32, #tpu.memory_space<vmem>>, %arg29: memref<800xf32, #tpu.memory_space<vmem>>, %arg30: memref<800xf32, #tpu.memory_space<vmem>>, %arg31: memref<800xi32, #tpu.memory_space<vmem>>, %arg32: memref<16x800xf32, #tpu.memory_space<vmem_shared>>, %arg33: memref<96xi32, #tpu.memory_space<smem>>, %arg34: memref<96xi32, #tpu.memory_space<smem>>) attributes {dimension_semantics = [#tpu.dimension_semantics<core_parallel>, #tpu.dimension_semantics<subcore_parallel>], iteration_bounds = array<i64: 2, 16>, scalar_prefetch = 0 : i64, scratch_operands = 25 : i64, tpu.core_type = #tpu.core_type<sc_vector_subcore>, window_params = [{transform_indices = #map}, {transform_indices = #map}, {transform_indices = #map}, {transform_indices = #map}, {transform_indices = #map}, {transform_indices = #map1}, {transform_indices = #map1}, {transform_indices = #map1}]} {
    %mul3A = arith.constant 4 : i32
    %mul3A_0 = arith.muli %arg0, %mul3A : i32
    %jit3A = arith.constant 4 : i32
    %div3A = arith.divsi %arg1, %jit3A : i32
    %sign3A = arith.constant 0 : i32
    %sign3A_1 = arith.cmpi sgt, %arg1, %sign3A : i32
    %sign3A_2 = arith.extui %sign3A_1 : i1 to i32
    %sign3A_3 = arith.constant 0 : i32
    %sign3A_4 = arith.cmpi slt, %arg1, %sign3A_3 : i32
    %sign3A_5 = arith.extui %sign3A_4 : i1 to i32
    %sign3A_6 = arith.subi %sign3A_2, %sign3A_5 : i32
    %sign3A_7 = arith.constant 0 : i32
    %sign3A_8 = arith.cmpi sgt, %jit3A, %sign3A_7 : i32
    %sign3A_9 = arith.extui %sign3A_8 : i1 to i32
    %sign3A_10 = arith.constant 0 : i32
    %sign3A_11 = arith.cmpi slt, %jit3A, %sign3A_10 : i32
    %sign3A_12 = arith.extui %sign3A_11 : i1 to i32
    %sign3A_13 = arith.subi %sign3A_9, %sign3A_12 : i32
    %ne3A = arith.cmpi ne, %sign3A_6, %sign3A_13 : i32
    %rem3A = arith.remsi %arg1, %jit3A : i32
    %ne3A_14 = arith.constant 0 : i32
    %ne3A_15 = arith.cmpi ne, %rem3A, %ne3A_14 : i32
    %and3A = arith.andi %ne3A, %ne3A_15 : i1
    %sub3A = arith.constant 1 : i32
    %sub3A_16 = arith.subi %div3A, %sub3A : i32
    %select_n3A = arith.select %and3A, %sub3A_16, %div3A : i32
    %add3A = arith.addi %mul3A_0, %select_n3A : i32
    %jit3A_17 = arith.constant 4 : i32
    %eq3A = arith.constant 0 : i32
    %eq3A_18 = arith.cmpi eq, %jit3A_17, %eq3A : i32
    %jit3A_19 = arith.constant 1 : i32
    %select_n3A_20 = arith.select %eq3A_18, %jit3A_19, %jit3A_17 : i32
    %rem3A_21 = arith.remsi %arg1, %select_n3A_20 : i32
    %ne3A_22 = arith.constant 0 : i32
    %ne3A_23 = arith.cmpi ne, %rem3A_21, %ne3A_22 : i32
    %lt3A = arith.constant 0 : i32
    %lt3A_24 = arith.cmpi slt, %rem3A_21, %lt3A : i32
    %lt3A_25 = arith.constant 0 : i32
    %lt3A_26 = arith.cmpi slt, %select_n3A_20, %lt3A_25 : i32
    %ne3A_27 = arith.xori %lt3A_24, %lt3A_26 : i1
    %and3A_28 = arith.andi %ne3A_27, %ne3A_23 : i1
    %add3A_29 = arith.addi %rem3A_21, %select_n3A_20 : i32
    %select_n3A_30 = arith.select %and3A_28, %add3A_29, %rem3A_21 : i32
    %iota3A = tpu.iota {dimensions = array<i32: 0>} : vector<16xi32>
    %broadcast_in_dim3A = arith.constant -1.000000e+00 : f32
    %broadcast_in_dim3A_31 = vector.broadcast %broadcast_in_dim3A : f32 to vector<16xf32>
    %eq3A_32 = arith.constant 0 : i32
    %eq3A_33 = vector.broadcast %eq3A_32 : i32 to vector<16xi32>
    %eq3A_34 = arith.cmpi eq, %iota3A, %eq3A_33 : vector<16xi32>
    %lt3A_35 = arith.constant 8 : i32
    %lt3A_36 = vector.broadcast %lt3A_35 : i32 to vector<16xi32>
    %lt3A_37 = arith.cmpi slt, %iota3A, %lt3A_36 : vector<16xi32>
    %run_scoped3A = arith.constant 0 : i32
    "tpu.region"() ({
      %run_scoped3A_160 = tpu.sem_alloc : memref<!tpu.dma_semaphore, #tpu.memory_space<semaphore_mem>>
      %dma_start3A = arith.constant 0 : i32
      %dma_start3A_161 = tpu.memref_slice %arg10[%dma_start3A] : memref<5008xf32, #tpu.memory_space<vmem>> -> memref<5000xf32, #tpu.memory_space<vmem>>
      %dma_start3A_162 = arith.constant 0 : i32
      %dma_start3A_163 = tpu.memref_slice %arg2[%add3A, %run_scoped3A, %dma_start3A_162] : memref<8x1x5000xf32, #tpu.memory_space<hbm>> -> memref<1x1x5000xf32, #tpu.memory_space<hbm>>
      %dma_start3A_164 = tpu.memref_squeeze %dma_start3A_163 : memref<1x1x5000xf32, #tpu.memory_space<hbm>> -> memref<5000xf32, #tpu.memory_space<hbm>>
      %dma_start3A_165 = arith.constant 0 : i32
      %dma_start3A_166 = tpu.memref_slice %arg10[%dma_start3A_165] : memref<5008xf32, #tpu.memory_space<vmem>> -> memref<5000xf32, #tpu.memory_space<vmem>>
      %dma_start3A_167 = arith.constant 0 : i32
      %dma_start3A_168 = tpu.memref_slice %arg2[%add3A, %run_scoped3A, %dma_start3A_167] : memref<8x1x5000xf32, #tpu.memory_space<hbm>> -> memref<1x1x5000xf32, #tpu.memory_space<hbm>>
      %dma_start3A_169 = tpu.memref_squeeze %dma_start3A_168 : memref<1x1x5000xf32, #tpu.memory_space<hbm>> -> memref<5000xf32, #tpu.memory_space<hbm>>
      tpu.enqueue_dma source(%dma_start3A_169 : memref<5000xf32, #tpu.memory_space<hbm>>) target(%dma_start3A_166 : memref<5000xf32, #tpu.memory_space<vmem>>) target_semaphore(%run_scoped3A_160 : memref<!tpu.dma_semaphore, #tpu.memory_space<semaphore_mem>>)
      %dma_wait3A = arith.constant 0 : i32
      %dma_wait3A_170 = tpu.memref_slice %arg10[%dma_wait3A] : memref<5008xf32, #tpu.memory_space<vmem>> -> memref<5000xf32, #tpu.memory_space<vmem>>
      %dma_wait3A_171 = arith.constant 0 : i32
      %dma_wait3A_172 = tpu.memref_slice %arg2[%add3A, %run_scoped3A, %dma_wait3A_171] : memref<8x1x5000xf32, #tpu.memory_space<hbm>> -> memref<1x1x5000xf32, #tpu.memory_space<hbm>>
      %dma_wait3A_173 = tpu.memref_squeeze %dma_wait3A_172 : memref<1x1x5000xf32, #tpu.memory_space<hbm>> -> memref<5000xf32, #tpu.memory_space<hbm>>
      %dma_wait3A_174 = arith.constant 0 : i32
      %dma_wait3A_175 = tpu.memref_slice %arg10[%dma_wait3A_174] : memref<5008xf32, #tpu.memory_space<vmem>> -> memref<5000xf32, #tpu.memory_space<vmem>>
      %dma_wait3A_176 = arith.constant 0 : i32
      %dma_wait3A_177 = tpu.memref_slice %arg2[%add3A, %run_scoped3A, %dma_wait3A_176] : memref<8x1x5000xf32, #tpu.memory_space<hbm>> -> memref<1x1x5000xf32, #tpu.memory_space<hbm>>
      %dma_wait3A_178 = tpu.memref_squeeze %dma_wait3A_177 : memref<1x1x5000xf32, #tpu.memory_space<hbm>> -> memref<5000xf32, #tpu.memory_space<hbm>>
      tpu.wait_dma2 semaphore(%run_scoped3A_160 : memref<!tpu.dma_semaphore, #tpu.memory_space<semaphore_mem>>) src(%dma_wait3A_178 : memref<5000xf32, #tpu.memory_space<hbm>>) dst(%dma_wait3A_175 : memref<5000xf32, #tpu.memory_space<vmem>>)
      tpu.yield
    }) : () -> ()
    %run_scoped3A_38 = arith.constant 0 : i32
    "tpu.region"() ({
      %run_scoped3A_160 = tpu.sem_alloc : memref<!tpu.dma_semaphore, #tpu.memory_space<semaphore_mem>>
      %dma_start3A = arith.constant 0 : i32
      %dma_start3A_161 = tpu.memref_slice %arg11[%dma_start3A] : memref<5008xi32, #tpu.memory_space<vmem>> -> memref<5000xi32, #tpu.memory_space<vmem>>
      %dma_start3A_162 = arith.constant 0 : i32
      %dma_start3A_163 = tpu.memref_slice %arg3[%add3A, %run_scoped3A_38, %dma_start3A_162] : memref<8x1x5000xi32, #tpu.memory_space<hbm>> -> memref<1x1x5000xi32, #tpu.memory_space<hbm>>
      %dma_start3A_164 = tpu.memref_squeeze %dma_start3A_163 : memref<1x1x5000xi32, #tpu.memory_space<hbm>> -> memref<5000xi32, #tpu.memory_space<hbm>>
      %dma_start3A_165 = arith.constant 0 : i32
      %dma_start3A_166 = tpu.memref_slice %arg11[%dma_start3A_165] : memref<5008xi32, #tpu.memory_space<vmem>> -> memref<5000xi32, #tpu.memory_space<vmem>>
      %dma_start3A_167 = arith.constant 0 : i32
      %dma_start3A_168 = tpu.memref_slice %arg3[%add3A, %run_scoped3A_38, %dma_start3A_167] : memref<8x1x5000xi32, #tpu.memory_space<hbm>> -> memref<1x1x5000xi32, #tpu.memory_space<hbm>>
      %dma_start3A_169 = tpu.memref_squeeze %dma_start3A_168 : memref<1x1x5000xi32, #tpu.memory_space<hbm>> -> memref<5000xi32, #tpu.memory_space<hbm>>
      tpu.enqueue_dma source(%dma_start3A_169 : memref<5000xi32, #tpu.memory_space<hbm>>) target(%dma_start3A_166 : memref<5000xi32, #tpu.memory_space<vmem>>) target_semaphore(%run_scoped3A_160 : memref<!tpu.dma_semaphore, #tpu.memory_space<semaphore_mem>>)
      %dma_wait3A = arith.constant 0 : i32
      %dma_wait3A_170 = tpu.memref_slice %arg11[%dma_wait3A] : memref<5008xi32, #tpu.memory_space<vmem>> -> memref<5000xi32, #tpu.memory_space<vmem>>
      %dma_wait3A_171 = arith.constant 0 : i32
      %dma_wait3A_172 = tpu.memref_slice %arg3[%add3A, %run_scoped3A_38, %dma_wait3A_171] : memref<8x1x5000xi32, #tpu.memory_space<hbm>> -> memref<1x1x5000xi32, #tpu.memory_space<hbm>>
      %dma_wait3A_173 = tpu.memref_squeeze %dma_wait3A_172 : memref<1x1x5000xi32, #tpu.memory_space<hbm>> -> memref<5000xi32, #tpu.memory_space<hbm>>
      %dma_wait3A_174 = arith.constant 0 : i32
      %dma_wait3A_175 = tpu.memref_slice %arg11[%dma_wait3A_174] : memref<5008xi32, #tpu.memory_space<vmem>> -> memref<5000xi32, #tpu.memory_space<vmem>>
      %dma_wait3A_176 = arith.constant 0 : i32
      %dma_wait3A_177 = tpu.memref_slice %arg3[%add3A, %run_scoped3A_38, %dma_wait3A_176] : memref<8x1x5000xi32, #tpu.memory_space<hbm>> -> memref<1x1x5000xi32, #tpu.memory_space<hbm>>
      %dma_wait3A_178 = tpu.memref_squeeze %dma_wait3A_177 : memref<1x1x5000xi32, #tpu.memory_space<hbm>> -> memref<5000xi32, #tpu.memory_space<hbm>>
      tpu.wait_dma2 semaphore(%run_scoped3A_160 : memref<!tpu.dma_semaphore, #tpu.memory_space<semaphore_mem>>) src(%dma_wait3A_178 : memref<5000xi32, #tpu.memory_space<hbm>>) dst(%dma_wait3A_175 : memref<5000xi32, #tpu.memory_space<vmem>>)
      tpu.yield
    }) : () -> ()
    %run_scoped3A_39 = arith.constant 0 : i32
    "tpu.region"() ({
      %run_scoped3A_160 = tpu.sem_alloc : memref<!tpu.dma_semaphore, #tpu.memory_space<semaphore_mem>>
      %dma_start3A = arith.constant 0 : i32
      %dma_start3A_161 = tpu.memref_slice %arg12[%dma_start3A] : memref<5008xf32, #tpu.memory_space<vmem>> -> memref<5000xf32, #tpu.memory_space<vmem>>
      %dma_start3A_162 = arith.constant 0 : i32
      %dma_start3A_163 = tpu.memref_slice %arg4[%add3A, %run_scoped3A_39, %dma_start3A_162] : memref<8x4x5000xf32, #tpu.memory_space<hbm>> -> memref<1x1x5000xf32, #tpu.memory_space<hbm>>
      %dma_start3A_164 = tpu.memref_squeeze %dma_start3A_163 : memref<1x1x5000xf32, #tpu.memory_space<hbm>> -> memref<5000xf32, #tpu.memory_space<hbm>>
      %dma_start3A_165 = arith.constant 0 : i32
      %dma_start3A_166 = tpu.memref_slice %arg12[%dma_start3A_165] : memref<5008xf32, #tpu.memory_space<vmem>> -> memref<5000xf32, #tpu.memory_space<vmem>>
      %dma_start3A_167 = arith.constant 0 : i32
      %dma_start3A_168 = tpu.memref_slice %arg4[%add3A, %run_scoped3A_39, %dma_start3A_167] : memref<8x4x5000xf32, #tpu.memory_space<hbm>> -> memref<1x1x5000xf32, #tpu.memory_space<hbm>>
      %dma_start3A_169 = tpu.memref_squeeze %dma_start3A_168 : memref<1x1x5000xf32, #tpu.memory_space<hbm>> -> memref<5000xf32, #tpu.memory_space<hbm>>
      tpu.enqueue_dma source(%dma_start3A_169 : memref<5000xf32, #tpu.memory_space<hbm>>) target(%dma_start3A_166 : memref<5000xf32, #tpu.memory_space<vmem>>) target_semaphore(%run_scoped3A_160 : memref<!tpu.dma_semaphore, #tpu.memory_space<semaphore_mem>>)
      %dma_wait3A = arith.constant 0 : i32
      %dma_wait3A_170 = tpu.memref_slice %arg12[%dma_wait3A] : memref<5008xf32, #tpu.memory_space<vmem>> -> memref<5000xf32, #tpu.memory_space<vmem>>
      %dma_wait3A_171 = arith.constant 0 : i32
      %dma_wait3A_172 = tpu.memref_slice %arg4[%add3A, %run_scoped3A_39, %dma_wait3A_171] : memref<8x4x5000xf32, #tpu.memory_space<hbm>> -> memref<1x1x5000xf32, #tpu.memory_space<hbm>>
      %dma_wait3A_173 = tpu.memref_squeeze %dma_wait3A_172 : memref<1x1x5000xf32, #tpu.memory_space<hbm>> -> memref<5000xf32, #tpu.memory_space<hbm>>
      %dma_wait3A_174 = arith.constant 0 : i32
      %dma_wait3A_175 = tpu.memref_slice %arg12[%dma_wait3A_174] : memref<5008xf32, #tpu.memory_space<vmem>> -> memref<5000xf32, #tpu.memory_space<vmem>>
      %dma_wait3A_176 = arith.constant 0 : i32
      %dma_wait3A_177 = tpu.memref_slice %arg4[%add3A, %run_scoped3A_39, %dma_wait3A_176] : memref<8x4x5000xf32, #tpu.memory_space<hbm>> -> memref<1x1x5000xf32, #tpu.memory_space<hbm>>
      %dma_wait3A_178 = tpu.memref_squeeze %dma_wait3A_177 : memref<1x1x5000xf32, #tpu.memory_space<hbm>> -> memref<5000xf32, #tpu.memory_space<hbm>>
      tpu.wait_dma2 semaphore(%run_scoped3A_160 : memref<!tpu.dma_semaphore, #tpu.memory_space<semaphore_mem>>) src(%dma_wait3A_178 : memref<5000xf32, #tpu.memory_space<hbm>>) dst(%dma_wait3A_175 : memref<5000xf32, #tpu.memory_space<vmem>>)
      tpu.yield
    }) : () -> ()
    %run_scoped3A_40 = arith.constant 1 : i32
    "tpu.region"() ({
      %run_scoped3A_160 = tpu.sem_alloc : memref<!tpu.dma_semaphore, #tpu.memory_space<semaphore_mem>>
      %dma_start3A = arith.constant 0 : i32
      %dma_start3A_161 = tpu.memref_slice %arg13[%dma_start3A] : memref<5008xf32, #tpu.memory_space<vmem>> -> memref<5000xf32, #tpu.memory_space<vmem>>
      %dma_start3A_162 = arith.constant 0 : i32
      %dma_start3A_163 = tpu.memref_slice %arg4[%add3A, %run_scoped3A_40, %dma_start3A_162] : memref<8x4x5000xf32, #tpu.memory_space<hbm>> -> memref<1x1x5000xf32, #tpu.memory_space<hbm>>
      %dma_start3A_164 = tpu.memref_squeeze %dma_start3A_163 : memref<1x1x5000xf32, #tpu.memory_space<hbm>> -> memref<5000xf32, #tpu.memory_space<hbm>>
      %dma_start3A_165 = arith.constant 0 : i32
      %dma_start3A_166 = tpu.memref_slice %arg13[%dma_start3A_165] : memref<5008xf32, #tpu.memory_space<vmem>> -> memref<5000xf32, #tpu.memory_space<vmem>>
      %dma_start3A_167 = arith.constant 0 : i32
      %dma_start3A_168 = tpu.memref_slice %arg4[%add3A, %run_scoped3A_40, %dma_start3A_167] : memref<8x4x5000xf32, #tpu.memory_space<hbm>> -> memref<1x1x5000xf32, #tpu.memory_space<hbm>>
      %dma_start3A_169 = tpu.memref_squeeze %dma_start3A_168 : memref<1x1x5000xf32, #tpu.memory_space<hbm>> -> memref<5000xf32, #tpu.memory_space<hbm>>
      tpu.enqueue_dma source(%dma_start3A_169 : memref<5000xf32, #tpu.memory_space<hbm>>) target(%dma_start3A_166 : memref<5000xf32, #tpu.memory_space<vmem>>) target_semaphore(%run_scoped3A_160 : memref<!tpu.dma_semaphore, #tpu.memory_space<semaphore_mem>>)
      %dma_wait3A = arith.constant 0 : i32
      %dma_wait3A_170 = tpu.memref_slice %arg13[%dma_wait3A] : memref<5008xf32, #tpu.memory_space<vmem>> -> memref<5000xf32, #tpu.memory_space<vmem>>
      %dma_wait3A_171 = arith.constant 0 : i32
      %dma_wait3A_172 = tpu.memref_slice %arg4[%add3A, %run_scoped3A_40, %dma_wait3A_171] : memref<8x4x5000xf32, #tpu.memory_space<hbm>> -> memref<1x1x5000xf32, #tpu.memory_space<hbm>>
      %dma_wait3A_173 = tpu.memref_squeeze %dma_wait3A_172 : memref<1x1x5000xf32, #tpu.memory_space<hbm>> -> memref<5000xf32, #tpu.memory_space<hbm>>
      %dma_wait3A_174 = arith.constant 0 : i32
      %dma_wait3A_175 = tpu.memref_slice %arg13[%dma_wait3A_174] : memref<5008xf32, #tpu.memory_space<vmem>> -> memref<5000xf32, #tpu.memory_space<vmem>>
      %dma_wait3A_176 = arith.constant 0 : i32
      %dma_wait3A_177 = tpu.memref_slice %arg4[%add3A, %run_scoped3A_40, %dma_wait3A_176] : memref<8x4x5000xf32, #tpu.memory_space<hbm>> -> memref<1x1x5000xf32, #tpu.memory_space<hbm>>
      %dma_wait3A_178 = tpu.memref_squeeze %dma_wait3A_177 : memref<1x1x5000xf32, #tpu.memory_space<hbm>> -> memref<5000xf32, #tpu.memory_space<hbm>>
      tpu.wait_dma2 semaphore(%run_scoped3A_160 : memref<!tpu.dma_semaphore, #tpu.memory_space<semaphore_mem>>) src(%dma_wait3A_178 : memref<5000xf32, #tpu.memory_space<hbm>>) dst(%dma_wait3A_175 : memref<5000xf32, #tpu.memory_space<vmem>>)
      tpu.yield
    }) : () -> ()
    %run_scoped3A_41 = arith.constant 2 : i32
    "tpu.region"() ({
      %run_scoped3A_160 = tpu.sem_alloc : memref<!tpu.dma_semaphore, #tpu.memory_space<semaphore_mem>>
      %dma_start3A = arith.constant 0 : i32
      %dma_start3A_161 = tpu.memref_slice %arg14[%dma_start3A] : memref<5008xf32, #tpu.memory_space<vmem>> -> memref<5000xf32, #tpu.memory_space<vmem>>
      %dma_start3A_162 = arith.constant 0 : i32
      %dma_start3A_163 = tpu.memref_slice %arg4[%add3A, %run_scoped3A_41, %dma_start3A_162] : memref<8x4x5000xf32, #tpu.memory_space<hbm>> -> memref<1x1x5000xf32, #tpu.memory_space<hbm>>
      %dma_start3A_164 = tpu.memref_squeeze %dma_start3A_163 : memref<1x1x5000xf32, #tpu.memory_space<hbm>> -> memref<5000xf32, #tpu.memory_space<hbm>>
      %dma_start3A_165 = arith.constant 0 : i32
      %dma_start3A_166 = tpu.memref_slice %arg14[%dma_start3A_165] : memref<5008xf32, #tpu.memory_space<vmem>> -> memref<5000xf32, #tpu.memory_space<vmem>>
      %dma_start3A_167 = arith.constant 0 : i32
      %dma_start3A_168 = tpu.memref_slice %arg4[%add3A, %run_scoped3A_41, %dma_start3A_167] : memref<8x4x5000xf32, #tpu.memory_space<hbm>> -> memref<1x1x5000xf32, #tpu.memory_space<hbm>>
      %dma_start3A_169 = tpu.memref_squeeze %dma_start3A_168 : memref<1x1x5000xf32, #tpu.memory_space<hbm>> -> memref<5000xf32, #tpu.memory_space<hbm>>
      tpu.enqueue_dma source(%dma_start3A_169 : memref<5000xf32, #tpu.memory_space<hbm>>) target(%dma_start3A_166 : memref<5000xf32, #tpu.memory_space<vmem>>) target_semaphore(%run_scoped3A_160 : memref<!tpu.dma_semaphore, #tpu.memory_space<semaphore_mem>>)
      %dma_wait3A = arith.constant 0 : i32
      %dma_wait3A_170 = tpu.memref_slice %arg14[%dma_wait3A] : memref<5008xf32, #tpu.memory_space<vmem>> -> memref<5000xf32, #tpu.memory_space<vmem>>
      %dma_wait3A_171 = arith.constant 0 : i32
      %dma_wait3A_172 = tpu.memref_slice %arg4[%add3A, %run_scoped3A_41, %dma_wait3A_171] : memref<8x4x5000xf32, #tpu.memory_space<hbm>> -> memref<1x1x5000xf32, #tpu.memory_space<hbm>>
      %dma_wait3A_173 = tpu.memref_squeeze %dma_wait3A_172 : memref<1x1x5000xf32, #tpu.memory_space<hbm>> -> memref<5000xf32, #tpu.memory_space<hbm>>
      %dma_wait3A_174 = arith.constant 0 : i32
      %dma_wait3A_175 = tpu.memref_slice %arg14[%dma_wait3A_174] : memref<5008xf32, #tpu.memory_space<vmem>> -> memref<5000xf32, #tpu.memory_space<vmem>>
      %dma_wait3A_176 = arith.constant 0 : i32
      %dma_wait3A_177 = tpu.memref_slice %arg4[%add3A, %run_scoped3A_41, %dma_wait3A_176] : memref<8x4x5000xf32, #tpu.memory_space<hbm>> -> memref<1x1x5000xf32, #tpu.memory_space<hbm>>
      %dma_wait3A_178 = tpu.memref_squeeze %dma_wait3A_177 : memref<1x1x5000xf32, #tpu.memory_space<hbm>> -> memref<5000xf32, #tpu.memory_space<hbm>>
      tpu.wait_dma2 semaphore(%run_scoped3A_160 : memref<!tpu.dma_semaphore, #tpu.memory_space<semaphore_mem>>) src(%dma_wait3A_178 : memref<5000xf32, #tpu.memory_space<hbm>>) dst(%dma_wait3A_175 : memref<5000xf32, #tpu.memory_space<vmem>>)
      tpu.yield
    }) : () -> ()
    %run_scoped3A_42 = arith.constant 3 : i32
    "tpu.region"() ({
      %run_scoped3A_160 = tpu.sem_alloc : memref<!tpu.dma_semaphore, #tpu.memory_space<semaphore_mem>>
      %dma_start3A = arith.constant 0 : i32
      %dma_start3A_161 = tpu.memref_slice %arg15[%dma_start3A] : memref<5008xf32, #tpu.memory_space<vmem>> -> memref<5000xf32, #tpu.memory_space<vmem>>
      %dma_start3A_162 = arith.constant 0 : i32
      %dma_start3A_163 = tpu.memref_slice %arg4[%add3A, %run_scoped3A_42, %dma_start3A_162] : memref<8x4x5000xf32, #tpu.memory_space<hbm>> -> memref<1x1x5000xf32, #tpu.memory_space<hbm>>
      %dma_start3A_164 = tpu.memref_squeeze %dma_start3A_163 : memref<1x1x5000xf32, #tpu.memory_space<hbm>> -> memref<5000xf32, #tpu.memory_space<hbm>>
      %dma_start3A_165 = arith.constant 0 : i32
      %dma_start3A_166 = tpu.memref_slice %arg15[%dma_start3A_165] : memref<5008xf32, #tpu.memory_space<vmem>> -> memref<5000xf32, #tpu.memory_space<vmem>>
      %dma_start3A_167 = arith.constant 0 : i32
      %dma_start3A_168 = tpu.memref_slice %arg4[%add3A, %run_scoped3A_42, %dma_start3A_167] : memref<8x4x5000xf32, #tpu.memory_space<hbm>> -> memref<1x1x5000xf32, #tpu.memory_space<hbm>>
      %dma_start3A_169 = tpu.memref_squeeze %dma_start3A_168 : memref<1x1x5000xf32, #tpu.memory_space<hbm>> -> memref<5000xf32, #tpu.memory_space<hbm>>
      tpu.enqueue_dma source(%dma_start3A_169 : memref<5000xf32, #tpu.memory_space<hbm>>) target(%dma_start3A_166 : memref<5000xf32, #tpu.memory_space<vmem>>) target_semaphore(%run_scoped3A_160 : memref<!tpu.dma_semaphore, #tpu.memory_space<semaphore_mem>>)
      %dma_wait3A = arith.constant 0 : i32
      %dma_wait3A_170 = tpu.memref_slice %arg15[%dma_wait3A] : memref<5008xf32, #tpu.memory_space<vmem>> -> memref<5000xf32, #tpu.memory_space<vmem>>
      %dma_wait3A_171 = arith.constant 0 : i32
      %dma_wait3A_172 = tpu.memref_slice %arg4[%add3A, %run_scoped3A_42, %dma_wait3A_171] : memref<8x4x5000xf32, #tpu.memory_space<hbm>> -> memref<1x1x5000xf32, #tpu.memory_space<hbm>>
      %dma_wait3A_173 = tpu.memref_squeeze %dma_wait3A_172 : memref<1x1x5000xf32, #tpu.memory_space<hbm>> -> memref<5000xf32, #tpu.memory_space<hbm>>
      %dma_wait3A_174 = arith.constant 0 : i32
      %dma_wait3A_175 = tpu.memref_slice %arg15[%dma_wait3A_174] : memref<5008xf32, #tpu.memory_space<vmem>> -> memref<5000xf32, #tpu.memory_space<vmem>>
      %dma_wait3A_176 = arith.constant 0 : i32
      %dma_wait3A_177 = tpu.memref_slice %arg4[%add3A, %run_scoped3A_42, %dma_wait3A_176] : memref<8x4x5000xf32, #tpu.memory_space<hbm>> -> memref<1x1x5000xf32, #tpu.memory_space<hbm>>
      %dma_wait3A_178 = tpu.memref_squeeze %dma_wait3A_177 : memref<1x1x5000xf32, #tpu.memory_space<hbm>> -> memref<5000xf32, #tpu.memory_space<hbm>>
      tpu.wait_dma2 semaphore(%run_scoped3A_160 : memref<!tpu.dma_semaphore, #tpu.memory_space<semaphore_mem>>) src(%dma_wait3A_178 : memref<5000xf32, #tpu.memory_space<hbm>>) dst(%dma_wait3A_175 : memref<5000xf32, #tpu.memory_space<vmem>>)
      tpu.yield
    }) : () -> ()
    %run_scoped3A_43 = arith.constant 0 : i32
    "tpu.region"() ({
      %run_scoped3A_160 = tpu.sem_alloc : memref<!tpu.dma_semaphore, #tpu.memory_space<semaphore_mem>>
      %dma_start3A = arith.constant 0 : i32
      %dma_start3A_161 = tpu.memref_slice %arg16[%dma_start3A] : memref<5008xi32, #tpu.memory_space<vmem>> -> memref<5000xi32, #tpu.memory_space<vmem>>
      %dma_start3A_162 = arith.constant 0 : i32
      %dma_start3A_163 = tpu.memref_slice %arg5[%add3A, %run_scoped3A_43, %dma_start3A_162] : memref<8x1x5000xi32, #tpu.memory_space<hbm>> -> memref<1x1x5000xi32, #tpu.memory_space<hbm>>
      %dma_start3A_164 = tpu.memref_squeeze %dma_start3A_163 : memref<1x1x5000xi32, #tpu.memory_space<hbm>> -> memref<5000xi32, #tpu.memory_space<hbm>>
      %dma_start3A_165 = arith.constant 0 : i32
      %dma_start3A_166 = tpu.memref_slice %arg16[%dma_start3A_165] : memref<5008xi32, #tpu.memory_space<vmem>> -> memref<5000xi32, #tpu.memory_space<vmem>>
      %dma_start3A_167 = arith.constant 0 : i32
      %dma_start3A_168 = tpu.memref_slice %arg5[%add3A, %run_scoped3A_43, %dma_start3A_167] : memref<8x1x5000xi32, #tpu.memory_space<hbm>> -> memref<1x1x5000xi32, #tpu.memory_space<hbm>>
      %dma_start3A_169 = tpu.memref_squeeze %dma_start3A_168 : memref<1x1x5000xi32, #tpu.memory_space<hbm>> -> memref<5000xi32, #tpu.memory_space<hbm>>
      tpu.enqueue_dma source(%dma_start3A_169 : memref<5000xi32, #tpu.memory_space<hbm>>) target(%dma_start3A_166 : memref<5000xi32, #tpu.memory_space<vmem>>) target_semaphore(%run_scoped3A_160 : memref<!tpu.dma_semaphore, #tpu.memory_space<semaphore_mem>>)
      %dma_wait3A = arith.constant 0 : i32
      %dma_wait3A_170 = tpu.memref_slice %arg16[%dma_wait3A] : memref<5008xi32, #tpu.memory_space<vmem>> -> memref<5000xi32, #tpu.memory_space<vmem>>
      %dma_wait3A_171 = arith.constant 0 : i32
      %dma_wait3A_172 = tpu.memref_slice %arg5[%add3A, %run_scoped3A_43, %dma_wait3A_171] : memref<8x1x5000xi32, #tpu.memory_space<hbm>> -> memref<1x1x5000xi32, #tpu.memory_space<hbm>>
      %dma_wait3A_173 = tpu.memref_squeeze %dma_wait3A_172 : memref<1x1x5000xi32, #tpu.memory_space<hbm>> -> memref<5000xi32, #tpu.memory_space<hbm>>
      %dma_wait3A_174 = arith.constant 0 : i32
      %dma_wait3A_175 = tpu.memref_slice %arg16[%dma_wait3A_174] : memref<5008xi32, #tpu.memory_space<vmem>> -> memref<5000xi32, #tpu.memory_space<vmem>>
      %dma_wait3A_176 = arith.constant 0 : i32
      %dma_wait3A_177 = tpu.memref_slice %arg5[%add3A, %run_scoped3A_43, %dma_wait3A_176] : memref<8x1x5000xi32, #tpu.memory_space<hbm>> -> memref<1x1x5000xi32, #tpu.memory_space<hbm>>
      %dma_wait3A_178 = tpu.memref_squeeze %dma_wait3A_177 : memref<1x1x5000xi32, #tpu.memory_space<hbm>> -> memref<5000xi32, #tpu.memory_space<hbm>>
      tpu.wait_dma2 semaphore(%run_scoped3A_160 : memref<!tpu.dma_semaphore, #tpu.memory_space<semaphore_mem>>) src(%dma_wait3A_178 : memref<5000xi32, #tpu.memory_space<hbm>>) dst(%dma_wait3A_175 : memref<5000xi32, #tpu.memory_space<vmem>>)
      tpu.yield
    }) : () -> ()
    %run_scoped3A_44 = arith.constant 0 : i32
    "tpu.region"() ({
      %run_scoped3A_160 = tpu.sem_alloc : memref<!tpu.dma_semaphore, #tpu.memory_space<semaphore_mem>>
      %dma_start3A = arith.constant 0 : i32
      %dma_start3A_161 = tpu.memref_slice %arg6[%add3A, %run_scoped3A_44, %dma_start3A] : memref<8x1x88xi32, #tpu.memory_space<hbm>> -> memref<1x1x88xi32, #tpu.memory_space<hbm>>
      %dma_start3A_162 = tpu.memref_squeeze %dma_start3A_161 : memref<1x1x88xi32, #tpu.memory_space<hbm>> -> memref<88xi32, #tpu.memory_space<hbm>>
      %dma_start3A_163 = arith.constant 0 : i32
      %dma_start3A_164 = tpu.memref_slice %arg6[%add3A, %run_scoped3A_44, %dma_start3A_163] : memref<8x1x88xi32, #tpu.memory_space<hbm>> -> memref<1x1x88xi32, #tpu.memory_space<hbm>>
      %dma_start3A_165 = tpu.memref_squeeze %dma_start3A_164 : memref<1x1x88xi32, #tpu.memory_space<hbm>> -> memref<88xi32, #tpu.memory_space<hbm>>
      tpu.enqueue_dma source(%dma_start3A_165 : memref<88xi32, #tpu.memory_space<hbm>>) target(%arg17 : memref<88xi32, #tpu.memory_space<vmem>>) target_semaphore(%run_scoped3A_160 : memref<!tpu.dma_semaphore, #tpu.memory_space<semaphore_mem>>)
      %dma_wait3A = arith.constant 0 : i32
      %dma_wait3A_166 = tpu.memref_slice %arg6[%add3A, %run_scoped3A_44, %dma_wait3A] : memref<8x1x88xi32, #tpu.memory_space<hbm>> -> memref<1x1x88xi32, #tpu.memory_space<hbm>>
      %dma_wait3A_167 = tpu.memref_squeeze %dma_wait3A_166 : memref<1x1x88xi32, #tpu.memory_space<hbm>> -> memref<88xi32, #tpu.memory_space<hbm>>
      %dma_wait3A_168 = arith.constant 0 : i32
      %dma_wait3A_169 = tpu.memref_slice %arg6[%add3A, %run_scoped3A_44, %dma_wait3A_168] : memref<8x1x88xi32, #tpu.memory_space<hbm>> -> memref<1x1x88xi32, #tpu.memory_space<hbm>>
      %dma_wait3A_170 = tpu.memref_squeeze %dma_wait3A_169 : memref<1x1x88xi32, #tpu.memory_space<hbm>> -> memref<88xi32, #tpu.memory_space<hbm>>
      tpu.wait_dma2 semaphore(%run_scoped3A_160 : memref<!tpu.dma_semaphore, #tpu.memory_space<semaphore_mem>>) src(%dma_wait3A_170 : memref<88xi32, #tpu.memory_space<hbm>>) dst(%arg17 : memref<88xi32, #tpu.memory_space<vmem>>)
      tpu.yield
    }) : () -> ()
    %lt3A_45 = arith.constant 8 : i32
    %lt3A_46 = vector.broadcast %lt3A_45 : i32 to vector<16xi32>
    %lt3A_47 = arith.cmpi slt, %iota3A, %lt3A_46 : vector<16xi32>
    %mul3A_48 = arith.constant 0 : i32
    %mul3A_49 = vector.broadcast %mul3A_48 : i32 to vector<16xi32>
    %mul3A_50 = arith.muli %iota3A, %mul3A_49 : vector<16xi32>
    %add3A_51 = arith.constant 0 : i32
    %add3A_52 = vector.broadcast %add3A_51 : i32 to vector<16xi32>
    %add3A_53 = arith.addi %mul3A_50, %add3A_52 : vector<16xi32>
    %gather3A = tpu.vector_load_idx %arg17[%add3A_53] : memref<88xi32, #tpu.memory_space<vmem>>[vector<16xi32>], vector<16xi32>,
    %slice3A = vector.extract_strided_slice %gather3A {offsets = [0], sizes = [1], strides = [1]} : vector<16xi32> to vector<1xi32>
    %squeeze3A = vector.extract %slice3A[0] : i32 from vector<1xi32>
    %get3A = arith.constant 4992 : index
    %get3A_54 = tpu.vector_load %arg11[%get3A] {strides = array<i32>} : memref<5008xi32, #tpu.memory_space<vmem>>, vector<16xi32>,
    %jit3A_55 = arith.constant 0 : i32
    %broadcast_in_dim3A_56 = vector.broadcast %jit3A_55 : i32 to vector<16xi32>
    %select_n3A_57 = arith.select %lt3A_47, %get3A_54, %broadcast_in_dim3A_56 : vector<16xi1>, vector<16xi32>
    %swap3A = arith.constant 4992 : index
    %swap3A_58 = tpu.vector_load %arg11[%swap3A] {strides = array<i32>} : memref<5008xi32, #tpu.memory_space<vmem>>, vector<16xi32>,
    tpu.vector_store %arg11[%swap3A], %select_n3A_57 {strides = array<i32>} : memref<5008xi32, #tpu.memory_space<vmem>>, vector<16xi32>,
    %get3A_59 = arith.constant 4992 : index
    %get3A_60 = tpu.vector_load %arg10[%get3A_59] {strides = array<i32>} : memref<5008xf32, #tpu.memory_space<vmem>>, vector<16xf32>,
    %jit3A_61 = arith.constant -1.000000e+00 : f32
    %broadcast_in_dim3A_62 = vector.broadcast %jit3A_61 : f32 to vector<16xf32>
    %select_n3A_63 = arith.select %lt3A_47, %get3A_60, %broadcast_in_dim3A_62 : vector<16xi1>, vector<16xf32>
    %swap3A_64 = arith.constant 4992 : index
    %swap3A_65 = tpu.vector_load %arg10[%swap3A_64] {strides = array<i32>} : memref<5008xf32, #tpu.memory_space<vmem>>, vector<16xf32>,
    tpu.vector_store %arg10[%swap3A_64], %select_n3A_63 {strides = array<i32>} : memref<5008xf32, #tpu.memory_space<vmem>>, vector<16xf32>,
    %get3A_66 = arith.constant 4992 : index
    %get3A_67 = tpu.vector_load %arg12[%get3A_66] {strides = array<i32>} : memref<5008xf32, #tpu.memory_space<vmem>>, vector<16xf32>,
    %jit3A_68 = arith.constant 0.000000e+00 : f32
    %broadcast_in_dim3A_69 = vector.broadcast %jit3A_68 : f32 to vector<16xf32>
    %select_n3A_70 = arith.select %lt3A_47, %get3A_67, %broadcast_in_dim3A_69 : vector<16xi1>, vector<16xf32>
    %swap3A_71 = arith.constant 4992 : index
    %swap3A_72 = tpu.vector_load %arg12[%swap3A_71] {strides = array<i32>} : memref<5008xf32, #tpu.memory_space<vmem>>, vector<16xf32>,
    tpu.vector_store %arg12[%swap3A_71], %select_n3A_70 {strides = array<i32>} : memref<5008xf32, #tpu.memory_space<vmem>>, vector<16xf32>,
    %get3A_73 = arith.constant 4992 : index
    %get3A_74 = tpu.vector_load %arg13[%get3A_73] {strides = array<i32>} : memref<5008xf32, #tpu.memory_space<vmem>>, vector<16xf32>,
    %jit3A_75 = arith.constant 0.000000e+00 : f32
    %broadcast_in_dim3A_76 = vector.broadcast %jit3A_75 : f32 to vector<16xf32>
    %select_n3A_77 = arith.select %lt3A_47, %get3A_74, %broadcast_in_dim3A_76 : vector<16xi1>, vector<16xf32>
    %swap3A_78 = arith.constant 4992 : index
    %swap3A_79 = tpu.vector_load %arg13[%swap3A_78] {strides = array<i32>} : memref<5008xf32, #tpu.memory_space<vmem>>, vector<16xf32>,
    tpu.vector_store %arg13[%swap3A_78], %select_n3A_77 {strides = array<i32>} : memref<5008xf32, #tpu.memory_space<vmem>>, vector<16xf32>,
    %get3A_80 = arith.constant 4992 : index
    %get3A_81 = tpu.vector_load %arg14[%get3A_80] {strides = array<i32>} : memref<5008xf32, #tpu.memory_space<vmem>>, vector<16xf32>,
    %jit3A_82 = arith.constant 0.000000e+00 : f32
    %broadcast_in_dim3A_83 = vector.broadcast %jit3A_82 : f32 to vector<16xf32>
    %select_n3A_84 = arith.select %lt3A_47, %get3A_81, %broadcast_in_dim3A_83 : vector<16xi1>, vector<16xf32>
    %swap3A_85 = arith.constant 4992 : index
    %swap3A_86 = tpu.vector_load %arg14[%swap3A_85] {strides = array<i32>} : memref<5008xf32, #tpu.memory_space<vmem>>, vector<16xf32>,
    tpu.vector_store %arg14[%swap3A_85], %select_n3A_84 {strides = array<i32>} : memref<5008xf32, #tpu.memory_space<vmem>>, vector<16xf32>,
    %get3A_87 = arith.constant 4992 : index
    %get3A_88 = tpu.vector_load %arg15[%get3A_87] {strides = array<i32>} : memref<5008xf32, #tpu.memory_space<vmem>>, vector<16xf32>,
    %jit3A_89 = arith.constant 0.000000e+00 : f32
    %broadcast_in_dim3A_90 = vector.broadcast %jit3A_89 : f32 to vector<16xf32>
    %select_n3A_91 = arith.select %lt3A_47, %get3A_88, %broadcast_in_dim3A_90 : vector<16xi1>, vector<16xf32>
    %swap3A_92 = arith.constant 4992 : index
    %swap3A_93 = tpu.vector_load %arg15[%swap3A_92] {strides = array<i32>} : memref<5008xf32, #tpu.memory_space<vmem>>, vector<16xf32>,
    tpu.vector_store %arg15[%swap3A_92], %select_n3A_91 {strides = array<i32>} : memref<5008xf32, #tpu.memory_space<vmem>>, vector<16xf32>,
    %get3A_94 = arith.constant 4992 : index
    %get3A_95 = tpu.vector_load %arg16[%get3A_94] {strides = array<i32>} : memref<5008xi32, #tpu.memory_space<vmem>>, vector<16xi32>,
    %add3A_96 = vector.broadcast %squeeze3A : i32 to vector<16xi32>
    %add3A_97 = arith.addi %add3A_96, %iota3A : vector<16xi32>
    %sub3A_98 = arith.constant 8 : i32
    %sub3A_99 = vector.broadcast %sub3A_98 : i32 to vector<16xi32>
    %sub3A_100 = arith.subi %add3A_97, %sub3A_99 : vector<16xi32>
    %select_n3A_101 = arith.select %lt3A_47, %get3A_95, %sub3A_100 : vector<16xi1>, vector<16xi32>
    %swap3A_102 = arith.constant 4992 : index
    %swap3A_103 = tpu.vector_load %arg16[%swap3A_102] {strides = array<i32>} : memref<5008xi32, #tpu.memory_space<vmem>>, vector<16xi32>,
    tpu.vector_store %arg16[%swap3A_102], %select_n3A_101 {strides = array<i32>} : memref<5008xi32, #tpu.memory_space<vmem>>, vector<16xi32>,
    %scan3A = arith.constant 0 : i32
    %scan3A_104 = arith.constant 0 : i32
    %scan3A_105 = arith.constant 81 : i32
    %scan3A_106 = arith.addi %scan3A_104, %scan3A_105 : i32
    %scan3A_107 = arith.constant 1 : i32
    %scan3A_108 = scf.for %scan3A_160 = %scan3A_104 to %scan3A_106 step %scan3A_107 iter_args(%scan3A_161 = %scan3A) -> (i32)  : i32 {
      %mul3A_162 = arith.constant 0 : i32
      %mul3A_163 = vector.broadcast %mul3A_162 : i32 to vector<16xi32>
      %mul3A_164 = arith.muli %iota3A, %mul3A_163 : vector<16xi32>
      %add3A_165 = vector.broadcast %scan3A_160 : i32 to vector<16xi32>
      %add3A_166 = arith.addi %mul3A_164, %add3A_165 : vector<16xi32>
      %gather3A_167 = tpu.vector_load_idx %arg17[%add3A_166] : memref<88xi32, #tpu.memory_space<vmem>>[vector<16xi32>], vector<16xi32>,
      %slice3A_168 = vector.extract_strided_slice %gather3A_167 {offsets = [0], sizes = [1], strides = [1]} : vector<16xi32> to vector<1xi32>
      %squeeze3A_169 = vector.extract %slice3A_168[0] : i32 from vector<1xi32>
      %eq3A_170 = arith.constant 0 : i32
      %eq3A_171 = arith.cmpi eq, %scan3A_160, %eq3A_170 : i32
      %jit3A_172 = arith.constant 8 : i32
      %jit3A_173 = arith.constant 0 : i32
      %select_n3A_174 = arith.select %eq3A_171, %jit3A_172, %jit3A_173 : i32
      %add3A_175 = arith.addi %squeeze3A_169, %select_n3A_174 : i32
      %swap3A_176 = arith.index_cast %scan3A_160 : i32 to index
      %swap3A_177 = memref.load %arg33[%swap3A_176] : memref<96xi32, #tpu.memory_space<smem>>
      memref.store %add3A_175, %arg33[%swap3A_176] : memref<96xi32, #tpu.memory_space<smem>>
      %swap3A_178 = arith.index_cast %scan3A_160 : i32 to index
      %swap3A_179 = memref.load %arg34[%swap3A_178] : memref<96xi32, #tpu.memory_space<smem>>
      memref.store %scan3A_161, %arg34[%swap3A_178] : memref<96xi32, #tpu.memory_space<smem>>
      %mul3A_180 = arith.constant 0 : i32
      %mul3A_181 = vector.broadcast %mul3A_180 : i32 to vector<16xi32>
      %mul3A_182 = arith.muli %iota3A, %mul3A_181 : vector<16xi32>
      %add3A_183 = vector.broadcast %scan3A_160 : i32 to vector<16xi32>
      %add3A_184 = arith.addi %mul3A_182, %add3A_183 : vector<16xi32>
      %broadcast_in_dim3A_185 = arith.constant 0 : i32
      %broadcast_in_dim3A_186 = vector.broadcast %broadcast_in_dim3A_185 : i32 to vector<16xi32>
      %add3A_187 = vector.broadcast %scan3A_161 : i32 to vector<16xi32>
      %add3A_188 = arith.addi %broadcast_in_dim3A_186, %add3A_187 : vector<16xi32>
      tpu.vector_store_idx %arg18[%add3A_184], %add3A_188 masked %eq3A_34 : memref<96xi32, #tpu.memory_space<vmem>>[vector<16xi32>], vector<16xi32>, vector<16xi1>
      %add3A_189 = arith.constant 15 : i32
      %add3A_190 = arith.addi %add3A_175, %add3A_189 : i32
      %jit3A_191 = arith.constant 16 : i32
      %div3A_192 = arith.divsi %add3A_190, %jit3A_191 : i32
      %sign3A_193 = arith.constant 0 : i32
      %sign3A_194 = arith.cmpi sgt, %add3A_190, %sign3A_193 : i32
      %sign3A_195 = arith.extui %sign3A_194 : i1 to i32
      %sign3A_196 = arith.constant 0 : i32
      %sign3A_197 = arith.cmpi slt, %add3A_190, %sign3A_196 : i32
      %sign3A_198 = arith.extui %sign3A_197 : i1 to i32
      %sign3A_199 = arith.subi %sign3A_195, %sign3A_198 : i32
      %sign3A_200 = arith.constant 0 : i32
      %sign3A_201 = arith.cmpi sgt, %jit3A_191, %sign3A_200 : i32
      %sign3A_202 = arith.extui %sign3A_201 : i1 to i32
      %sign3A_203 = arith.constant 0 : i32
      %sign3A_204 = arith.cmpi slt, %jit3A_191, %sign3A_203 : i32
      %sign3A_205 = arith.extui %sign3A_204 : i1 to i32
      %sign3A_206 = arith.subi %sign3A_202, %sign3A_205 : i32
      %ne3A_207 = arith.cmpi ne, %sign3A_199, %sign3A_206 : i32
      %rem3A_208 = arith.remsi %add3A_190, %jit3A_191 : i32
      %ne3A_209 = arith.constant 0 : i32
      %ne3A_210 = arith.cmpi ne, %rem3A_208, %ne3A_209 : i32
      %and3A_211 = arith.andi %ne3A_207, %ne3A_210 : i1
      %sub3A_212 = arith.constant 1 : i32
      %sub3A_213 = arith.subi %div3A_192, %sub3A_212 : i32
      %select_n3A_214 = arith.select %and3A_211, %sub3A_213, %div3A_192 : i32
      %mul3A_215 = arith.constant 16 : i32
      %mul3A_216 = arith.muli %select_n3A_214, %mul3A_215 : i32
      %add3A_217 = arith.addi %scan3A_161, %mul3A_216 : i32
      scf.yield %add3A_217 : i32
    }
    %scan3A_109 = arith.constant 81 : i32
    %scan3A_110 = arith.constant 0 : i32
    %scan3A_111 = arith.constant 0 : i32
    %scan3A_112 = arith.constant 416 : i32
    %scan3A_113 = arith.addi %scan3A_111, %scan3A_112 : i32
    %scan3A_114 = arith.constant 1 : i32
    scf.for %scan3A_160 = %scan3A_111 to %scan3A_113 step %scan3A_114  : i32 {
      %mul3A_161 = arith.constant 16 : i32
      %mul3A_162 = arith.muli %scan3A_160, %mul3A_161 : i32
      %swap3A_163 = arith.index_cast %mul3A_162 : i32 to index
      %swap3A_164 = tpu.vector_load %arg19[%swap3A_163] {strides = array<i32>} : memref<6656xf32, #tpu.memory_space<vmem>>, vector<16xf32>,
      tpu.vector_store %arg19[%swap3A_163], %broadcast_in_dim3A_31 {strides = array<i32>} : memref<6656xf32, #tpu.memory_space<vmem>>, vector<16xf32>,
      %mul3A_165 = arith.constant 16 : i32
      %mul3A_166 = arith.muli %scan3A_160, %mul3A_165 : i32
      %swap3A_167 = arith.index_cast %mul3A_166 : i32 to index
      %swap3A_168 = tpu.vector_load %arg25[%swap3A_167] {strides = array<i32>} : memref<6656xf32, #tpu.memory_space<vmem>>, vector<16xf32>,
      tpu.vector_store %arg25[%swap3A_167], %broadcast_in_dim3A_31 {strides = array<i32>} : memref<6656xf32, #tpu.memory_space<vmem>>, vector<16xf32>,
    }
    %scan3A_115 = arith.constant 416 : i32
    %scan3A_116 = arith.constant 0 : i32
    %scan3A_117 = arith.constant 0 : i32
    %scan3A_118 = arith.constant 313 : i32
    %scan3A_119 = arith.addi %scan3A_117, %scan3A_118 : i32
    %scan3A_120 = arith.constant 1 : i32
    scf.for %scan3A_160 = %scan3A_117 to %scan3A_119 step %scan3A_120  : i32 {
      %mul3A_161 = arith.constant 16 : i32
      %mul3A_162 = arith.muli %scan3A_160, %mul3A_161 : i32
      %get3A_163 = arith.index_cast %mul3A_162 : i32 to index
      %get3A_164 = tpu.vector_load %arg11[%get3A_163] {strides = array<i32>} : memref<5008xi32, #tpu.memory_space<vmem>>, vector<16xi32>,
      %gather3A_165 = tpu.vector_load_idx %arg18[%get3A_164] : memref<96xi32, #tpu.memory_space<vmem>>[vector<16xi32>], vector<16xi32>,
      %get3A_166 = arith.index_cast %mul3A_162 : i32 to index
      %get3A_167 = tpu.vector_load %arg16[%get3A_166] {strides = array<i32>} : memref<5008xi32, #tpu.memory_space<vmem>>, vector<16xi32>,
      %add3A_168 = arith.addi %gather3A_165, %get3A_167 : vector<16xi32>
      %get3A_169 = arith.index_cast %mul3A_162 : i32 to index
      %get3A_170 = tpu.vector_load %arg10[%get3A_169] {strides = array<i32>} : memref<5008xf32, #tpu.memory_space<vmem>>, vector<16xf32>,
      tpu.vector_store_idx %arg19[%add3A_168], %get3A_170 : memref<6656xf32, #tpu.memory_space<vmem>>[vector<16xi32>], vector<16xf32>,
      %get3A_171 = arith.index_cast %mul3A_162 : i32 to index
      %get3A_172 = tpu.vector_load %arg11[%get3A_171] {strides = array<i32>} : memref<5008xi32, #tpu.memory_space<vmem>>, vector<16xi32>,
      tpu.vector_store_idx %arg20[%add3A_168], %get3A_172 : memref<6656xi32, #tpu.memory_space<vmem>>[vector<16xi32>], vector<16xi32>,
      %get3A_173 = arith.index_cast %mul3A_162 : i32 to index
      %get3A_174 = tpu.vector_load %arg12[%get3A_173] {strides = array<i32>} : memref<5008xf32, #tpu.memory_space<vmem>>, vector<16xf32>,
      tpu.vector_store_idx %arg21[%add3A_168], %get3A_174 : memref<6656xf32, #tpu.memory_space<vmem>>[vector<16xi32>], vector<16xf32>,
      %get3A_175 = arith.index_cast %mul3A_162 : i32 to index
      %get3A_176 = tpu.vector_load %arg13[%get3A_175] {strides = array<i32>} : memref<5008xf32, #tpu.memory_space<vmem>>, vector<16xf32>,
      tpu.vector_store_idx %arg22[%add3A_168], %get3A_176 : memref<6656xf32, #tpu.memory_space<vmem>>[vector<16xi32>], vector<16xf32>,
      %get3A_177 = arith.index_cast %mul3A_162 : i32 to index
      %get3A_178 = tpu.vector_load %arg14[%get3A_177] {strides = array<i32>} : memref<5008xf32, #tpu.memory_space<vmem>>, vector<16xf32>,
      tpu.vector_store_idx %arg23[%add3A_168], %get3A_178 : memref<6656xf32, #tpu.memory_space<vmem>>[vector<16xi32>], vector<16xf32>,
      %get3A_179 = arith.index_cast %mul3A_162 : i32 to index
      %get3A_180 = tpu.vector_load %arg15[%get3A_179] {strides = array<i32>} : memref<5008xf32, #tpu.memory_space<vmem>>, vector<16xf32>,
      tpu.vector_store_idx %arg24[%add3A_168], %get3A_180 : memref<6656xf32, #tpu.memory_space<vmem>>[vector<16xi32>], vector<16xf32>,
    }
    %scan3A_121 = arith.constant 313 : i32
    %scan3A_122 = arith.constant 0 : i32
    %scan3A_123 = arith.constant 0.000000e+00 : f32
    %scan3A_124 = arith.constant -1.000000e+00 : f32
    %scan3A_125 = arith.constant 1073741824 : i32
    %scan3A_126 = arith.constant 1 : i32
    %scan3A_127 = arith.constant 80 : i32
    %scan3A_128 = arith.addi %scan3A_126, %scan3A_127 : i32
    %scan3A_129 = arith.constant 1 : i32
    scf.for %scan3A_160 = %scan3A_126 to %scan3A_128 step %scan3A_129  : i32 {
      %jit3A_161 = arith.constant 4 : i32
      %eq3A_162 = arith.constant 0 : i32
      %eq3A_163 = arith.cmpi eq, %jit3A_161, %eq3A_162 : i32
      %jit3A_164 = arith.constant 1 : i32
      %select_n3A_165 = arith.select %eq3A_163, %jit3A_164, %jit3A_161 : i32
      %rem3A_166 = arith.remsi %scan3A_160, %select_n3A_165 : i32
      %ne3A_167 = arith.constant 0 : i32
      %ne3A_168 = arith.cmpi ne, %rem3A_166, %ne3A_167 : i32
      %lt3A_169 = arith.constant 0 : i32
      %lt3A_170 = arith.cmpi slt, %rem3A_166, %lt3A_169 : i32
      %lt3A_171 = arith.constant 0 : i32
      %lt3A_172 = arith.cmpi slt, %select_n3A_165, %lt3A_171 : i32
      %ne3A_173 = arith.xori %lt3A_170, %lt3A_172 : i1
      %and3A_174 = arith.andi %ne3A_173, %ne3A_168 : i1
      %add3A_175 = arith.addi %rem3A_166, %select_n3A_165 : i32
      %select_n3A_176 = arith.select %and3A_174, %add3A_175, %rem3A_166 : i32
      %eq3A_177 = arith.cmpi eq, %select_n3A_176, %select_n3A_30 : i32
      %convert_element_type3A_178 = arith.extui %eq3A_177 : i1 to i32
      %cond3A_179 = arith.constant 0 : i32
      %cond3A_180 = arith.cmpi ne, %convert_element_type3A_178, %cond3A_179 : i32
      scf.if %cond3A_180 {
        %get3A_181 = arith.index_cast %scan3A_160 : i32 to index
        %get3A_182 = memref.load %arg34[%get3A_181] : memref<96xi32, #tpu.memory_space<smem>>
        %get3A_183 = arith.index_cast %scan3A_160 : i32 to index
        %get3A_184 = memref.load %arg33[%get3A_183] : memref<96xi32, #tpu.memory_space<smem>>
        %jit3A_185 = arith.constant 16 : i32
        %div3A_186 = arith.divsi %get3A_182, %jit3A_185 : i32
        %sign3A_187 = arith.constant 0 : i32
        %sign3A_188 = arith.cmpi sgt, %get3A_182, %sign3A_187 : i32
        %sign3A_189 = arith.extui %sign3A_188 : i1 to i32
        %sign3A_190 = arith.constant 0 : i32
        %sign3A_191 = arith.cmpi slt, %get3A_182, %sign3A_190 : i32
        %sign3A_192 = arith.extui %sign3A_191 : i1 to i32
        %sign3A_193 = arith.subi %sign3A_189, %sign3A_192 : i32
        %sign3A_194 = arith.constant 0 : i32
        %sign3A_195 = arith.cmpi sgt, %jit3A_185, %sign3A_194 : i32
        %sign3A_196 = arith.extui %sign3A_195 : i1 to i32
        %sign3A_197 = arith.constant 0 : i32
        %sign3A_198 = arith.cmpi slt, %jit3A_185, %sign3A_197 : i32
        %sign3A_199 = arith.extui %sign3A_198 : i1 to i32
        %sign3A_200 = arith.subi %sign3A_196, %sign3A_199 : i32
        %ne3A_201 = arith.cmpi ne, %sign3A_193, %sign3A_200 : i32
        %rem3A_202 = arith.remsi %get3A_182, %jit3A_185 : i32
        %ne3A_203 = arith.constant 0 : i32
        %ne3A_204 = arith.cmpi ne, %rem3A_202, %ne3A_203 : i32
        %and3A_205 = arith.andi %ne3A_201, %ne3A_204 : i1
        %sub3A_206 = arith.constant 1 : i32
        %sub3A_207 = arith.subi %div3A_186, %sub3A_206 : i32
        %select_n3A_208 = arith.select %and3A_205, %sub3A_207, %div3A_186 : i32
        %add3A_209 = arith.constant 15 : i32
        %add3A_210 = arith.addi %get3A_184, %add3A_209 : i32
        %jit3A_211 = arith.constant 16 : i32
        %div3A_212 = arith.divsi %add3A_210, %jit3A_211 : i32
        %sign3A_213 = arith.constant 0 : i32
        %sign3A_214 = arith.cmpi sgt, %add3A_210, %sign3A_213 : i32
        %sign3A_215 = arith.extui %sign3A_214 : i1 to i32
        %sign3A_216 = arith.constant 0 : i32
        %sign3A_217 = arith.cmpi slt, %add3A_210, %sign3A_216 : i32
        %sign3A_218 = arith.extui %sign3A_217 : i1 to i32
        %sign3A_219 = arith.subi %sign3A_215, %sign3A_218 : i32
        %sign3A_220 = arith.constant 0 : i32
        %sign3A_221 = arith.cmpi sgt, %jit3A_211, %sign3A_220 : i32
        %sign3A_222 = arith.extui %sign3A_221 : i1 to i32
        %sign3A_223 = arith.constant 0 : i32
        %sign3A_224 = arith.cmpi slt, %jit3A_211, %sign3A_223 : i32
        %sign3A_225 = arith.extui %sign3A_224 : i1 to i32
        %sign3A_226 = arith.subi %sign3A_222, %sign3A_225 : i32
        %ne3A_227 = arith.cmpi ne, %sign3A_219, %sign3A_226 : i32
        %rem3A_228 = arith.remsi %add3A_210, %jit3A_211 : i32
        %ne3A_229 = arith.constant 0 : i32
        %ne3A_230 = arith.cmpi ne, %rem3A_228, %ne3A_229 : i32
        %and3A_231 = arith.andi %ne3A_227, %ne3A_230 : i1
        %sub3A_232 = arith.constant 1 : i32
        %sub3A_233 = arith.subi %div3A_212, %sub3A_232 : i32
        %select_n3A_234 = arith.select %and3A_231, %sub3A_233, %div3A_212 : i32
        %while3A = arith.constant 0 : i32
        %while3A_235 = arith.constant true
        %while3A_236:7 = scf.while (%while3A_237 = %while3A, %while3A_238 = %scan3A_123, %while3A_239 = %scan3A_123, %while3A_240 = %scan3A_123, %while3A_241 = %scan3A_123, %while3A_242 = %scan3A_123, %while3A_243 = %while3A_235) : (i32, f32, f32, f32, f32, f32, i1) -> (i32, f32, f32, f32, f32, f32, i1) {
          %lt3A_244 = arith.constant 100 : i32
          %lt3A_245 = arith.cmpi slt, %while3A_237, %lt3A_244 : i32
          %and3A_246 = arith.andi %while3A_243, %lt3A_245 : i1
          scf.condition(%and3A_246) %while3A_237, %while3A_238, %while3A_239, %while3A_240, %while3A_241, %while3A_242, %while3A_243 : i32, f32, f32, f32, f32, f32, i1
        } do {
        ^bb0(%while3A_237: i32, %while3A_238: f32, %while3A_239: f32, %while3A_240: f32, %while3A_241: f32, %while3A_242: f32, %while3A_243: i1):
          %broadcast_in_dim3A_244 = arith.constant -1.000000e+00 : f32
          %broadcast_in_dim3A_245 = vector.broadcast %broadcast_in_dim3A_244 : f32 to vector<16xf32>
          %broadcast_in_dim3A_246 = arith.constant 0 : i32
          %broadcast_in_dim3A_247 = vector.broadcast %broadcast_in_dim3A_246 : i32 to vector<16xi32>
          %while3A_248 = arith.constant 0 : i32
          %while3A_249 = arith.subi %select_n3A_234, %while3A_248 : i32
          %while3A_250 = arith.addi %while3A_248, %while3A_249 : i32
          %while3A_251 = arith.constant 1 : i32
          %while3A_252 = arith.divsi %while3A_249, %while3A_251 : i32
          %while3A_253 = arith.muli %while3A_252, %while3A_251 : i32
          %while3A_254 = arith.addi %while3A_248, %while3A_253 : i32
          %while3A_255 = arith.constant 1 : i32
          %while3A_256:2 = scf.for %while3A_320 = %while3A_248 to %while3A_254 step %while3A_255 iter_args(%while3A_321 = %broadcast_in_dim3A_245, %while3A_322 = %broadcast_in_dim3A_247) -> (vector<16xf32>, vector<16xi32>)  : i32 {
            %add3A_323 = arith.addi %select_n3A_208, %while3A_320 : i32
            %mul3A_324 = arith.constant 16 : i32
            %mul3A_325 = arith.muli %add3A_323, %mul3A_324 : i32
            %get3A_326 = arith.index_cast %mul3A_325 : i32 to index
            %get3A_327 = tpu.vector_load %arg19[%get3A_326] {strides = array<i32>} : memref<6656xf32, #tpu.memory_space<vmem>>, vector<16xf32>,
            %get3A_328 = arith.index_cast %mul3A_325 : i32 to index
            %get3A_329 = tpu.vector_load %arg21[%get3A_328] {strides = array<i32>} : memref<6656xf32, #tpu.memory_space<vmem>>, vector<16xf32>,
            %get3A_330 = arith.index_cast %mul3A_325 : i32 to index
            %get3A_331 = tpu.vector_load %arg22[%get3A_330] {strides = array<i32>} : memref<6656xf32, #tpu.memory_space<vmem>>, vector<16xf32>,
            %get3A_332 = arith.index_cast %mul3A_325 : i32 to index
            %get3A_333 = tpu.vector_load %arg23[%get3A_332] {strides = array<i32>} : memref<6656xf32, #tpu.memory_space<vmem>>, vector<16xf32>,
            %get3A_334 = arith.index_cast %mul3A_325 : i32 to index
            %get3A_335 = tpu.vector_load %arg24[%get3A_334] {strides = array<i32>} : memref<6656xf32, #tpu.memory_space<vmem>>, vector<16xf32>,
            %max3A = vector.broadcast %while3A_238 : f32 to vector<16xf32>
            %max3A_336 = arith.maximumf %max3A, %get3A_329 : vector<16xf32>
            %max3A_337 = vector.broadcast %while3A_239 : f32 to vector<16xf32>
            %max3A_338 = arith.maximumf %max3A_337, %get3A_331 : vector<16xf32>
            %min3A_339 = vector.broadcast %while3A_240 : f32 to vector<16xf32>
            %min3A_340 = arith.minimumf %min3A_339, %get3A_333 : vector<16xf32>
            %min3A_341 = vector.broadcast %while3A_241 : f32 to vector<16xf32>
            %min3A_342 = arith.minimumf %min3A_341, %get3A_335 : vector<16xf32>
            %sub3A_343 = arith.subf %min3A_340, %max3A_336 : vector<16xf32>
            %max3A_344 = vector.broadcast %scan3A_123 : f32 to vector<16xf32>
            %max3A_345 = arith.maximumf %sub3A_343, %max3A_344 : vector<16xf32>
            %sub3A_346 = arith.subf %min3A_342, %max3A_338 : vector<16xf32>
            %max3A_347 = vector.broadcast %scan3A_123 : f32 to vector<16xf32>
            %max3A_348 = arith.maximumf %sub3A_346, %max3A_347 : vector<16xf32>
            %mul3A_349 = arith.mulf %max3A_345, %max3A_348 : vector<16xf32>
            %sub3A_350 = arith.subf %get3A_333, %get3A_329 : vector<16xf32>
            %sub3A_351 = arith.subf %get3A_335, %get3A_331 : vector<16xf32>
            %mul3A_352 = arith.mulf %sub3A_350, %sub3A_351 : vector<16xf32>
            %add3A_353 = vector.broadcast %while3A_242 : f32 to vector<16xf32>
            %add3A_354 = arith.addf %add3A_353, %mul3A_352 : vector<16xf32>
            %sub3A_355 = arith.subf %add3A_354, %mul3A_349 : vector<16xf32>
            %max3A_356 = arith.constant 9.99999993E-9 : f32
            %max3A_357 = vector.broadcast %max3A_356 : f32 to vector<16xf32>
            %max3A_358 = arith.maximumf %sub3A_355, %max3A_357 : vector<16xf32>
            %mul3A_359 = arith.constant 3.000000e-01 : f32
            %mul3A_360 = vector.broadcast %mul3A_359 : f32 to vector<16xf32>
            %mul3A_361 = arith.mulf %mul3A_360, %max3A_358 : vector<16xf32>
            %le3A = arith.cmpf ole, %mul3A_349, %mul3A_361 : vector<16xf32>
            %broadcast_in_dim3A_362 = vector.broadcast %scan3A_124 : f32 to vector<16xf32>
            %select_n3A_363 = arith.select %le3A, %get3A_327, %broadcast_in_dim3A_362 : vector<16xi1>, vector<16xf32>
            %swap3A_364 = arith.index_cast %mul3A_325 : i32 to index
            %swap3A_365 = tpu.vector_load %arg19[%swap3A_364] {strides = array<i32>} : memref<6656xf32, #tpu.memory_space<vmem>>, vector<16xf32>,
            tpu.vector_store %arg19[%swap3A_364], %select_n3A_363 {strides = array<i32>} : memref<6656xf32, #tpu.memory_space<vmem>>, vector<16xf32>,
            %gt3A_366 = arith.cmpf ogt, %select_n3A_363, %while3A_321 : vector<16xf32>
            %select_n3A_367 = arith.select %gt3A_366, %select_n3A_363, %while3A_321 : vector<16xi1>, vector<16xf32>
            %broadcast_in_dim3A_368 = vector.broadcast %while3A_320 : i32 to vector<16xi32>
            %select_n3A_369 = arith.select %gt3A_366, %broadcast_in_dim3A_368, %while3A_322 : vector<16xi1>, vector<16xi32>
            scf.yield %select_n3A_367, %select_n3A_369 : vector<16xf32>, vector<16xi32>
          }
          %while3A_257 = arith.constant 1 : i32
          %while3A_258:2 = scf.for %while3A_320 = %while3A_254 to %while3A_250 step %while3A_257 iter_args(%while3A_321 = %while3A_256#0, %while3A_322 = %while3A_256#1) -> (vector<16xf32>, vector<16xi32>)  : i32 {
            %add3A_323 = arith.addi %select_n3A_208, %while3A_320 : i32
            %mul3A_324 = arith.constant 16 : i32
            %mul3A_325 = arith.muli %add3A_323, %mul3A_324 : i32
            %get3A_326 = arith.index_cast %mul3A_325 : i32 to index
            %get3A_327 = tpu.vector_load %arg19[%get3A_326] {strides = array<i32>} : memref<6656xf32, #tpu.memory_space<vmem>>, vector<16xf32>,
            %get3A_328 = arith.index_cast %mul3A_325 : i32 to index
            %get3A_329 = tpu.vector_load %arg21[%get3A_328] {strides = array<i32>} : memref<6656xf32, #tpu.memory_space<vmem>>, vector<16xf32>,
            %get3A_330 = arith.index_cast %mul3A_325 : i32 to index
            %get3A_331 = tpu.vector_load %arg22[%get3A_330] {strides = array<i32>} : memref<6656xf32, #tpu.memory_space<vmem>>, vector<16xf32>,
            %get3A_332 = arith.index_cast %mul3A_325 : i32 to index
            %get3A_333 = tpu.vector_load %arg23[%get3A_332] {strides = array<i32>} : memref<6656xf32, #tpu.memory_space<vmem>>, vector<16xf32>,
            %get3A_334 = arith.index_cast %mul3A_325 : i32 to index
            %get3A_335 = tpu.vector_load %arg24[%get3A_334] {strides = array<i32>} : memref<6656xf32, #tpu.memory_space<vmem>>, vector<16xf32>,
            %max3A = vector.broadcast %while3A_238 : f32 to vector<16xf32>
            %max3A_336 = arith.maximumf %max3A, %get3A_329 : vector<16xf32>
            %max3A_337 = vector.broadcast %while3A_239 : f32 to vector<16xf32>
            %max3A_338 = arith.maximumf %max3A_337, %get3A_331 : vector<16xf32>
            %min3A_339 = vector.broadcast %while3A_240 : f32 to vector<16xf32>
            %min3A_340 = arith.minimumf %min3A_339, %get3A_333 : vector<16xf32>
            %min3A_341 = vector.broadcast %while3A_241 : f32 to vector<16xf32>
            %min3A_342 = arith.minimumf %min3A_341, %get3A_335 : vector<16xf32>
            %sub3A_343 = arith.subf %min3A_340, %max3A_336 : vector<16xf32>
            %max3A_344 = vector.broadcast %scan3A_123 : f32 to vector<16xf32>
            %max3A_345 = arith.maximumf %sub3A_343, %max3A_344 : vector<16xf32>
            %sub3A_346 = arith.subf %min3A_342, %max3A_338 : vector<16xf32>
            %max3A_347 = vector.broadcast %scan3A_123 : f32 to vector<16xf32>
            %max3A_348 = arith.maximumf %sub3A_346, %max3A_347 : vector<16xf32>
            %mul3A_349 = arith.mulf %max3A_345, %max3A_348 : vector<16xf32>
            %sub3A_350 = arith.subf %get3A_333, %get3A_329 : vector<16xf32>
            %sub3A_351 = arith.subf %get3A_335, %get3A_331 : vector<16xf32>
            %mul3A_352 = arith.mulf %sub3A_350, %sub3A_351 : vector<16xf32>
            %add3A_353 = vector.broadcast %while3A_242 : f32 to vector<16xf32>
            %add3A_354 = arith.addf %add3A_353, %mul3A_352 : vector<16xf32>
            %sub3A_355 = arith.subf %add3A_354, %mul3A_349 : vector<16xf32>
            %max3A_356 = arith.constant 9.99999993E-9 : f32
            %max3A_357 = vector.broadcast %max3A_356 : f32 to vector<16xf32>
            %max3A_358 = arith.maximumf %sub3A_355, %max3A_357 : vector<16xf32>
            %mul3A_359 = arith.constant 3.000000e-01 : f32
            %mul3A_360 = vector.broadcast %mul3A_359 : f32 to vector<16xf32>
            %mul3A_361 = arith.mulf %mul3A_360, %max3A_358 : vector<16xf32>
            %le3A = arith.cmpf ole, %mul3A_349, %mul3A_361 : vector<16xf32>
            %broadcast_in_dim3A_362 = vector.broadcast %scan3A_124 : f32 to vector<16xf32>
            %select_n3A_363 = arith.select %le3A, %get3A_327, %broadcast_in_dim3A_362 : vector<16xi1>, vector<16xf32>
            %swap3A_364 = arith.index_cast %mul3A_325 : i32 to index
            %swap3A_365 = tpu.vector_load %arg19[%swap3A_364] {strides = array<i32>} : memref<6656xf32, #tpu.memory_space<vmem>>, vector<16xf32>,
            tpu.vector_store %arg19[%swap3A_364], %select_n3A_363 {strides = array<i32>} : memref<6656xf32, #tpu.memory_space<vmem>>, vector<16xf32>,
            %gt3A_366 = arith.cmpf ogt, %select_n3A_363, %while3A_321 : vector<16xf32>
            %select_n3A_367 = arith.select %gt3A_366, %select_n3A_363, %while3A_321 : vector<16xi1>, vector<16xf32>
            %broadcast_in_dim3A_368 = vector.broadcast %while3A_320 : i32 to vector<16xi32>
            %select_n3A_369 = arith.select %gt3A_366, %broadcast_in_dim3A_368, %while3A_322 : vector<16xi1>, vector<16xi32>
            scf.yield %select_n3A_367, %select_n3A_369 : vector<16xf32>, vector<16xi32>
          }
          %reduce_max3A = arith.constant true
          %reduce_max3A_259 = vector.broadcast %reduce_max3A : i1 to vector<16xi1>
          %reduce_max3A_260 = tpu.scan <max>, %while3A_258#0 masked %reduce_max3A_259 : vector<16xf32>, vector<16xi1> -> vector<16xf32>
          %reduce_max3A_261 = vector.extract %reduce_max3A_260[15] : f32 from vector<16xf32>
          %gt3A = arith.cmpf ogt, %reduce_max3A_261, %scan3A_123 : f32
          %eq3A_262 = vector.broadcast %reduce_max3A_261 : f32 to vector<16xf32>
          %eq3A_263 = arith.cmpf oeq, %while3A_258#0, %eq3A_262 : vector<16xf32>
          %add3A_264 = vector.broadcast %select_n3A_208 : i32 to vector<16xi32>
          %add3A_265 = arith.addi %add3A_264, %while3A_258#1 : vector<16xi32>
          %mul3A_266 = arith.constant 16 : i32
          %mul3A_267 = vector.broadcast %mul3A_266 : i32 to vector<16xi32>
          %mul3A_268 = arith.muli %add3A_265, %mul3A_267 : vector<16xi32>
          %add3A_269 = arith.addi %mul3A_268, %iota3A : vector<16xi32>
          %broadcast_in_dim3A_270 = vector.broadcast %scan3A_125 : i32 to vector<16xi32>
          %select_n3A_271 = arith.select %eq3A_263, %add3A_269, %broadcast_in_dim3A_270 : vector<16xi1>, vector<16xi32>
          %reduce_min3A = arith.constant true
          %reduce_min3A_272 = vector.broadcast %reduce_min3A : i1 to vector<16xi1>
          %reduce_min3A_273 = arith.constant -2147483648 : i32
          %reduce_min3A_274 = vector.broadcast %reduce_min3A_273 : i32 to vector<16xi32>
          %reduce_min3A_275 = arith.xori %select_n3A_271, %reduce_min3A_274 : vector<16xi32>
          %reduce_min3A_276 = tpu.scan <min>, %reduce_min3A_275 masked %reduce_min3A_272 : vector<16xi32>, vector<16xi1> -> vector<16xi32>
          %reduce_min3A_277 = arith.xori %reduce_min3A_276, %reduce_min3A_274 : vector<16xi32>
          %reduce_min3A_278 = vector.extract %reduce_min3A_277[15] : i32 from vector<16xi32>
          %min3A = arith.constant 6655 : i32
          %min3A_279 = arith.minsi %reduce_min3A_278, %min3A : i32
          %convert_element_type3A_280 = arith.extui %gt3A : i1 to i32
          %cond3A_281 = arith.constant 0 : i32
          %cond3A_282 = arith.cmpi ne, %convert_element_type3A_280, %cond3A_281 : i32
          scf.if %cond3A_282 {
            %mul3A_320 = arith.constant 0 : i32
            %mul3A_321 = vector.broadcast %mul3A_320 : i32 to vector<16xi32>
            %mul3A_322 = arith.muli %iota3A, %mul3A_321 : vector<16xi32>
            %add3A_323 = vector.broadcast %min3A_279 : i32 to vector<16xi32>
            %add3A_324 = arith.addi %mul3A_322, %add3A_323 : vector<16xi32>
            %broadcast_in_dim3A_325 = arith.constant 0.000000e+00 : f32
            %broadcast_in_dim3A_326 = vector.broadcast %broadcast_in_dim3A_325 : f32 to vector<16xf32>
            %add3A_327 = vector.broadcast %reduce_max3A_261 : f32 to vector<16xf32>
            %add3A_328 = arith.addf %broadcast_in_dim3A_326, %add3A_327 : vector<16xf32>
            tpu.vector_store_idx %arg25[%add3A_324], %add3A_328 masked %eq3A_34 : memref<6656xf32, #tpu.memory_space<vmem>>[vector<16xi32>], vector<16xf32>, vector<16xi1>
            %mul3A_329 = arith.constant 0 : i32
            %mul3A_330 = vector.broadcast %mul3A_329 : i32 to vector<16xi32>
            %mul3A_331 = arith.muli %iota3A, %mul3A_330 : vector<16xi32>
            %add3A_332 = vector.broadcast %min3A_279 : i32 to vector<16xi32>
            %add3A_333 = arith.addi %mul3A_331, %add3A_332 : vector<16xi32>
            %broadcast_in_dim3A_334 = arith.constant 0.000000e+00 : f32
            %broadcast_in_dim3A_335 = vector.broadcast %broadcast_in_dim3A_334 : f32 to vector<16xf32>
            %add3A_336 = vector.broadcast %scan3A_124 : f32 to vector<16xf32>
            %add3A_337 = arith.addf %broadcast_in_dim3A_335, %add3A_336 : vector<16xf32>
            tpu.vector_store_idx %arg19[%add3A_333], %add3A_337 masked %eq3A_34 : memref<6656xf32, #tpu.memory_space<vmem>>[vector<16xi32>], vector<16xf32>, vector<16xi1>
          } else {
          }
          %mul3A_283 = arith.constant 0 : i32
          %mul3A_284 = vector.broadcast %mul3A_283 : i32 to vector<16xi32>
          %mul3A_285 = arith.muli %iota3A, %mul3A_284 : vector<16xi32>
          %add3A_286 = vector.broadcast %min3A_279 : i32 to vector<16xi32>
          %add3A_287 = arith.addi %mul3A_285, %add3A_286 : vector<16xi32>
          %gather3A_288 = tpu.vector_load_idx %arg21[%add3A_287] : memref<6656xf32, #tpu.memory_space<vmem>>[vector<16xi32>], vector<16xf32>,
          %slice3A_289 = vector.extract_strided_slice %gather3A_288 {offsets = [0], sizes = [1], strides = [1]} : vector<16xf32> to vector<1xf32>
          %squeeze3A_290 = vector.extract %slice3A_289[0] : f32 from vector<1xf32>
          %mul3A_291 = arith.constant 0 : i32
          %mul3A_292 = vector.broadcast %mul3A_291 : i32 to vector<16xi32>
          %mul3A_293 = arith.muli %iota3A, %mul3A_292 : vector<16xi32>
          %add3A_294 = vector.broadcast %min3A_279 : i32 to vector<16xi32>
          %add3A_295 = arith.addi %mul3A_293, %add3A_294 : vector<16xi32>
          %gather3A_296 = tpu.vector_load_idx %arg22[%add3A_295] : memref<6656xf32, #tpu.memory_space<vmem>>[vector<16xi32>], vector<16xf32>,
          %slice3A_297 = vector.extract_strided_slice %gather3A_296 {offsets = [0], sizes = [1], strides = [1]} : vector<16xf32> to vector<1xf32>
          %squeeze3A_298 = vector.extract %slice3A_297[0] : f32 from vector<1xf32>
          %mul3A_299 = arith.constant 0 : i32
          %mul3A_300 = vector.broadcast %mul3A_299 : i32 to vector<16xi32>
          %mul3A_301 = arith.muli %iota3A, %mul3A_300 : vector<16xi32>
          %add3A_302 = vector.broadcast %min3A_279 : i32 to vector<16xi32>
          %add3A_303 = arith.addi %mul3A_301, %add3A_302 : vector<16xi32>
          %gather3A_304 = tpu.vector_load_idx %arg23[%add3A_303] : memref<6656xf32, #tpu.memory_space<vmem>>[vector<16xi32>], vector<16xf32>,
          %slice3A_305 = vector.extract_strided_slice %gather3A_304 {offsets = [0], sizes = [1], strides = [1]} : vector<16xf32> to vector<1xf32>
          %squeeze3A_306 = vector.extract %slice3A_305[0] : f32 from vector<1xf32>
          %mul3A_307 = arith.constant 0 : i32
          %mul3A_308 = vector.broadcast %mul3A_307 : i32 to vector<16xi32>
          %mul3A_309 = arith.muli %iota3A, %mul3A_308 : vector<16xi32>
          %add3A_310 = vector.broadcast %min3A_279 : i32 to vector<16xi32>
          %add3A_311 = arith.addi %mul3A_309, %add3A_310 : vector<16xi32>
          %gather3A_312 = tpu.vector_load_idx %arg24[%add3A_311] : memref<6656xf32, #tpu.memory_space<vmem>>[vector<16xi32>], vector<16xf32>,
          %slice3A_313 = vector.extract_strided_slice %gather3A_312 {offsets = [0], sizes = [1], strides = [1]} : vector<16xf32> to vector<1xf32>
          %squeeze3A_314 = vector.extract %slice3A_313[0] : f32 from vector<1xf32>
          %sub3A_315 = arith.subf %squeeze3A_306, %squeeze3A_290 : f32
          %sub3A_316 = arith.subf %squeeze3A_314, %squeeze3A_298 : f32
          %mul3A_317 = arith.mulf %sub3A_315, %sub3A_316 : f32
          %convert_element_type3A_318 = arith.extui %gt3A : i1 to i32
          %add3A_319 = arith.addi %while3A_237, %convert_element_type3A_318 : i32
          scf.yield %add3A_319, %squeeze3A_290, %squeeze3A_298, %squeeze3A_306, %squeeze3A_314, %mul3A_317, %gt3A : i32, f32, f32, f32, f32, f32, i1
        }
      } else {
      }
    }
    %scan3A_130 = arith.constant 80 : i32
    %scan3A_131 = arith.constant 0 : i32
    %scan3A_132 = arith.constant 0 : i32
    %scan3A_133 = arith.constant 416 : i32
    %scan3A_134 = arith.addi %scan3A_132, %scan3A_133 : i32
    %scan3A_135 = arith.constant 1 : i32
    scf.for %scan3A_160 = %scan3A_132 to %scan3A_134 step %scan3A_135  : i32 {
      %mul3A_161 = arith.constant 16 : i32
      %mul3A_162 = arith.muli %scan3A_160, %mul3A_161 : i32
      %get3A_163 = arith.index_cast %mul3A_162 : i32 to index
      %get3A_164 = tpu.vector_load %arg25[%get3A_163] {strides = array<i32>} : memref<6656xf32, #tpu.memory_space<vmem>>, vector<16xf32>,
      %reduce_max3A = arith.constant true
      %reduce_max3A_165 = vector.broadcast %reduce_max3A : i1 to vector<16xi1>
      %reduce_max3A_166 = tpu.scan <max>, %get3A_164 masked %reduce_max3A_165 : vector<16xf32>, vector<16xi1> -> vector<16xf32>
      %reduce_max3A_167 = vector.extract %reduce_max3A_166[15] : f32 from vector<16xf32>
      %mul3A_168 = arith.constant 0 : i32
      %mul3A_169 = vector.broadcast %mul3A_168 : i32 to vector<16xi32>
      %mul3A_170 = arith.muli %iota3A, %mul3A_169 : vector<16xi32>
      %add3A_171 = vector.broadcast %scan3A_160 : i32 to vector<16xi32>
      %add3A_172 = arith.addi %mul3A_170, %add3A_171 : vector<16xi32>
      %broadcast_in_dim3A_173 = arith.constant 0.000000e+00 : f32
      %broadcast_in_dim3A_174 = vector.broadcast %broadcast_in_dim3A_173 : f32 to vector<16xf32>
      %add3A_175 = vector.broadcast %reduce_max3A_167 : f32 to vector<16xf32>
      %add3A_176 = arith.addf %broadcast_in_dim3A_174, %add3A_175 : vector<16xf32>
      tpu.vector_store_idx %arg26[%add3A_172], %add3A_176 masked %eq3A_34 : memref<416xf32, #tpu.memory_space<vmem>>[vector<16xi32>], vector<16xf32>, vector<16xi1>
    }
    %scan3A_136 = arith.constant 416 : i32
    %broadcast_in_dim3A_137 = arith.constant 0.000000e+00 : f32
    %broadcast_in_dim3A_138 = vector.broadcast %broadcast_in_dim3A_137 : f32 to vector<16xf32>
    %scan3A_139 = arith.constant 0 : i32
    %scan3A_140 = arith.constant 0 : i32
    %scan3A_141 = arith.constant 50 : i32
    %scan3A_142 = arith.addi %scan3A_140, %scan3A_141 : i32
    %scan3A_143 = arith.constant 1 : i32
    scf.for %scan3A_160 = %scan3A_140 to %scan3A_142 step %scan3A_143  : i32 {
      %mul3A_161 = arith.constant 16 : i32
      %mul3A_162 = arith.muli %scan3A_160, %mul3A_161 : i32
      %swap3A_163 = arith.index_cast %mul3A_162 : i32 to index
      %swap3A_164 = tpu.vector_load %arg27[%swap3A_163] {strides = array<i32>} : memref<800xf32, #tpu.memory_space<vmem>>, vector<16xf32>,
      tpu.vector_store %arg27[%swap3A_163], %broadcast_in_dim3A_138 {strides = array<i32>} : memref<800xf32, #tpu.memory_space<vmem>>, vector<16xf32>,
    }
    %scan3A_144 = arith.constant 50 : i32
    %scan3A_145 = arith.constant 0 : i32
    %scan3A_146 = arith.constant 0.000000e+00 : f32
    %scan3A_147 = arith.constant 1073741824 : i32
    %scan3A_148 = arith.constant -1.000000e+00 : f32
    %scan3A_149 = arith.constant 0 : i32
    %scan3A_150 = arith.constant 100 : i32
    %scan3A_151 = arith.addi %scan3A_149, %scan3A_150 : i32
    %scan3A_152 = arith.constant 1 : i32
    scf.for %scan3A_160 = %scan3A_149 to %scan3A_151 step %scan3A_152  : i32 {
      %broadcast_in_dim3A_161 = arith.constant -1.000000e+00 : f32
      %broadcast_in_dim3A_162 = vector.broadcast %broadcast_in_dim3A_161 : f32 to vector<16xf32>
      %broadcast_in_dim3A_163 = arith.constant 0 : i32
      %broadcast_in_dim3A_164 = vector.broadcast %broadcast_in_dim3A_163 : i32 to vector<16xi32>
      %scan3A_165 = arith.constant 0 : i32
      %scan3A_166 = arith.constant 26 : i32
      %scan3A_167 = arith.addi %scan3A_165, %scan3A_166 : i32
      %scan3A_168 = arith.constant 1 : i32
      %scan3A_169:2 = scf.for %scan3A_215 = %scan3A_165 to %scan3A_167 step %scan3A_168 iter_args(%scan3A_216 = %broadcast_in_dim3A_162, %scan3A_217 = %broadcast_in_dim3A_164) -> (vector<16xf32>, vector<16xi32>)  : i32 {
        %mul3A_218 = arith.constant 16 : i32
        %mul3A_219 = arith.muli %scan3A_215, %mul3A_218 : i32
        %get3A_220 = arith.index_cast %mul3A_219 : i32 to index
        %get3A_221 = tpu.vector_load %arg26[%get3A_220] {strides = array<i32>} : memref<416xf32, #tpu.memory_space<vmem>>, vector<16xf32>,
        %gt3A_222 = arith.cmpf ogt, %get3A_221, %scan3A_216 : vector<16xf32>
        %select_n3A_223 = arith.select %gt3A_222, %get3A_221, %scan3A_216 : vector<16xi1>, vector<16xf32>
        %broadcast_in_dim3A_224 = vector.broadcast %scan3A_215 : i32 to vector<16xi32>
        %select_n3A_225 = arith.select %gt3A_222, %broadcast_in_dim3A_224, %scan3A_217 : vector<16xi1>, vector<16xi32>
        scf.yield %select_n3A_223, %select_n3A_225 : vector<16xf32>, vector<16xi32>
      }
      %scan3A_170 = arith.constant 26 : i32
      %reduce_max3A = arith.constant true
      %reduce_max3A_171 = vector.broadcast %reduce_max3A : i1 to vector<16xi1>
      %reduce_max3A_172 = tpu.scan <max>, %scan3A_169#0 masked %reduce_max3A_171 : vector<16xf32>, vector<16xi1> -> vector<16xf32>
      %reduce_max3A_173 = vector.extract %reduce_max3A_172[15] : f32 from vector<16xf32>
      %gt3A = arith.cmpf ogt, %reduce_max3A_173, %scan3A_146 : f32
      %eq3A_174 = vector.broadcast %reduce_max3A_173 : f32 to vector<16xf32>
      %eq3A_175 = arith.cmpf oeq, %scan3A_169#0, %eq3A_174 : vector<16xf32>
      %mul3A_176 = arith.constant 16 : i32
      %mul3A_177 = vector.broadcast %mul3A_176 : i32 to vector<16xi32>
      %mul3A_178 = arith.muli %scan3A_169#1, %mul3A_177 : vector<16xi32>
      %add3A_179 = arith.addi %mul3A_178, %iota3A : vector<16xi32>
      %broadcast_in_dim3A_180 = vector.broadcast %scan3A_147 : i32 to vector<16xi32>
      %select_n3A_181 = arith.select %eq3A_175, %add3A_179, %broadcast_in_dim3A_180 : vector<16xi1>, vector<16xi32>
      %reduce_min3A = arith.constant true
      %reduce_min3A_182 = vector.broadcast %reduce_min3A : i1 to vector<16xi1>
      %reduce_min3A_183 = arith.constant -2147483648 : i32
      %reduce_min3A_184 = vector.broadcast %reduce_min3A_183 : i32 to vector<16xi32>
      %reduce_min3A_185 = arith.xori %select_n3A_181, %reduce_min3A_184 : vector<16xi32>
      %reduce_min3A_186 = tpu.scan <min>, %reduce_min3A_185 masked %reduce_min3A_182 : vector<16xi32>, vector<16xi1> -> vector<16xi32>
      %reduce_min3A_187 = arith.xori %reduce_min3A_186, %reduce_min3A_184 : vector<16xi32>
      %reduce_min3A_188 = vector.extract %reduce_min3A_187[15] : i32 from vector<16xi32>
      %min3A = arith.constant 415 : i32
      %min3A_189 = arith.minsi %reduce_min3A_188, %min3A : i32
      %mul3A_190 = arith.constant 16 : i32
      %mul3A_191 = arith.muli %min3A_189, %mul3A_190 : i32
      %get3A_192 = arith.index_cast %mul3A_191 : i32 to index
      %get3A_193 = tpu.vector_load %arg25[%get3A_192] {strides = array<i32>} : memref<6656xf32, #tpu.memory_space<vmem>>, vector<16xf32>,
      %eq3A_194 = vector.broadcast %reduce_max3A_173 : f32 to vector<16xf32>
      %eq3A_195 = arith.cmpf oeq, %get3A_193, %eq3A_194 : vector<16xf32>
      %mul3A_196 = arith.constant 16 : i32
      %mul3A_197 = arith.muli %min3A_189, %mul3A_196 : i32
      %add3A_198 = vector.broadcast %mul3A_197 : i32 to vector<16xi32>
      %add3A_199 = arith.addi %add3A_198, %iota3A : vector<16xi32>
      %broadcast_in_dim3A_200 = vector.broadcast %scan3A_147 : i32 to vector<16xi32>
      %select_n3A_201 = arith.select %eq3A_195, %add3A_199, %broadcast_in_dim3A_200 : vector<16xi1>, vector<16xi32>
      %reduce_min3A_202 = arith.constant true
      %reduce_min3A_203 = vector.broadcast %reduce_min3A_202 : i1 to vector<16xi1>
      %reduce_min3A_204 = arith.constant -2147483648 : i32
      %reduce_min3A_205 = vector.broadcast %reduce_min3A_204 : i32 to vector<16xi32>
      %reduce_min3A_206 = arith.xori %select_n3A_201, %reduce_min3A_205 : vector<16xi32>
      %reduce_min3A_207 = tpu.scan <min>, %reduce_min3A_206 masked %reduce_min3A_203 : vector<16xi32>, vector<16xi1> -> vector<16xi32>
      %reduce_min3A_208 = arith.xori %reduce_min3A_207, %reduce_min3A_205 : vector<16xi32>
      %reduce_min3A_209 = vector.extract %reduce_min3A_208[15] : i32 from vector<16xi32>
      %min3A_210 = arith.constant 6655 : i32
      %min3A_211 = arith.minsi %reduce_min3A_209, %min3A_210 : i32
      %convert_element_type3A_212 = arith.extui %gt3A : i1 to i32
      %cond3A_213 = arith.constant 0 : i32
      %cond3A_214 = arith.cmpi ne, %convert_element_type3A_212, %cond3A_213 : i32
      scf.if %cond3A_214 {
        %mul3A_215 = arith.constant 0 : i32
        %mul3A_216 = vector.broadcast %mul3A_215 : i32 to vector<16xi32>
        %mul3A_217 = arith.muli %iota3A, %mul3A_216 : vector<16xi32>
        %add3A_218 = vector.broadcast %min3A_211 : i32 to vector<16xi32>
        %add3A_219 = arith.addi %mul3A_217, %add3A_218 : vector<16xi32>
        %gather3A_220 = tpu.vector_load_idx %arg21[%add3A_219] : memref<6656xf32, #tpu.memory_space<vmem>>[vector<16xi32>], vector<16xf32>,
        %slice3A_221 = vector.extract_strided_slice %gather3A_220 {offsets = [0], sizes = [1], strides = [1]} : vector<16xf32> to vector<1xf32>
        %squeeze3A_222 = vector.extract %slice3A_221[0] : f32 from vector<1xf32>
        %mul3A_223 = arith.constant 0 : i32
        %mul3A_224 = vector.broadcast %mul3A_223 : i32 to vector<16xi32>
        %mul3A_225 = arith.muli %iota3A, %mul3A_224 : vector<16xi32>
        %add3A_226 = vector.broadcast %min3A_211 : i32 to vector<16xi32>
        %add3A_227 = arith.addi %mul3A_225, %add3A_226 : vector<16xi32>
        %gather3A_228 = tpu.vector_load_idx %arg22[%add3A_227] : memref<6656xf32, #tpu.memory_space<vmem>>[vector<16xi32>], vector<16xf32>,
        %slice3A_229 = vector.extract_strided_slice %gather3A_228 {offsets = [0], sizes = [1], strides = [1]} : vector<16xf32> to vector<1xf32>
        %squeeze3A_230 = vector.extract %slice3A_229[0] : f32 from vector<1xf32>
        %mul3A_231 = arith.constant 0 : i32
        %mul3A_232 = vector.broadcast %mul3A_231 : i32 to vector<16xi32>
        %mul3A_233 = arith.muli %iota3A, %mul3A_232 : vector<16xi32>
        %add3A_234 = vector.broadcast %min3A_211 : i32 to vector<16xi32>
        %add3A_235 = arith.addi %mul3A_233, %add3A_234 : vector<16xi32>
        %gather3A_236 = tpu.vector_load_idx %arg23[%add3A_235] : memref<6656xf32, #tpu.memory_space<vmem>>[vector<16xi32>], vector<16xf32>,
        %slice3A_237 = vector.extract_strided_slice %gather3A_236 {offsets = [0], sizes = [1], strides = [1]} : vector<16xf32> to vector<1xf32>
        %squeeze3A_238 = vector.extract %slice3A_237[0] : f32 from vector<1xf32>
        %mul3A_239 = arith.constant 0 : i32
        %mul3A_240 = vector.broadcast %mul3A_239 : i32 to vector<16xi32>
        %mul3A_241 = arith.muli %iota3A, %mul3A_240 : vector<16xi32>
        %add3A_242 = vector.broadcast %min3A_211 : i32 to vector<16xi32>
        %add3A_243 = arith.addi %mul3A_241, %add3A_242 : vector<16xi32>
        %gather3A_244 = tpu.vector_load_idx %arg24[%add3A_243] : memref<6656xf32, #tpu.memory_space<vmem>>[vector<16xi32>], vector<16xf32>,
        %slice3A_245 = vector.extract_strided_slice %gather3A_244 {offsets = [0], sizes = [1], strides = [1]} : vector<16xf32> to vector<1xf32>
        %squeeze3A_246 = vector.extract %slice3A_245[0] : f32 from vector<1xf32>
        %mul3A_247 = arith.constant 0 : i32
        %mul3A_248 = vector.broadcast %mul3A_247 : i32 to vector<16xi32>
        %mul3A_249 = arith.muli %iota3A, %mul3A_248 : vector<16xi32>
        %add3A_250 = vector.broadcast %min3A_211 : i32 to vector<16xi32>
        %add3A_251 = arith.addi %mul3A_249, %add3A_250 : vector<16xi32>
        %gather3A_252 = tpu.vector_load_idx %arg20[%add3A_251] : memref<6656xi32, #tpu.memory_space<vmem>>[vector<16xi32>], vector<16xi32>,
        %slice3A_253 = vector.extract_strided_slice %gather3A_252 {offsets = [0], sizes = [1], strides = [1]} : vector<16xi32> to vector<1xi32>
        %squeeze3A_254 = vector.extract %slice3A_253[0] : i32 from vector<1xi32>
        %eq3A_255 = arith.constant 0 : i32
        %eq3A_256 = vector.broadcast %eq3A_255 : i32 to vector<16xi32>
        %eq3A_257 = arith.cmpi eq, %iota3A, %eq3A_256 : vector<16xi32>
        %eq3A_258 = arith.constant 1 : i32
        %eq3A_259 = vector.broadcast %eq3A_258 : i32 to vector<16xi32>
        %eq3A_260 = arith.cmpi eq, %iota3A, %eq3A_259 : vector<16xi32>
        %eq3A_261 = arith.constant 2 : i32
        %eq3A_262 = vector.broadcast %eq3A_261 : i32 to vector<16xi32>
        %eq3A_263 = arith.cmpi eq, %iota3A, %eq3A_262 : vector<16xi32>
        %eq3A_264 = arith.constant 3 : i32
        %eq3A_265 = vector.broadcast %eq3A_264 : i32 to vector<16xi32>
        %eq3A_266 = arith.cmpi eq, %iota3A, %eq3A_265 : vector<16xi32>
        %eq3A_267 = arith.constant 4 : i32
        %eq3A_268 = vector.broadcast %eq3A_267 : i32 to vector<16xi32>
        %eq3A_269 = arith.cmpi eq, %iota3A, %eq3A_268 : vector<16xi32>
        %broadcast_in_dim3A_270 = vector.broadcast %squeeze3A_246 : f32 to vector<16xf32>
        %broadcast_in_dim3A_271 = vector.broadcast %scan3A_146 : f32 to vector<16xf32>
        %select_n3A_272 = arith.select %eq3A_269, %broadcast_in_dim3A_270, %broadcast_in_dim3A_271 : vector<16xi1>, vector<16xf32>
        %broadcast_in_dim3A_273 = vector.broadcast %squeeze3A_238 : f32 to vector<16xf32>
        %select_n3A_274 = arith.select %eq3A_266, %broadcast_in_dim3A_273, %select_n3A_272 : vector<16xi1>, vector<16xf32>
        %broadcast_in_dim3A_275 = vector.broadcast %squeeze3A_230 : f32 to vector<16xf32>
        %select_n3A_276 = arith.select %eq3A_263, %broadcast_in_dim3A_275, %select_n3A_274 : vector<16xi1>, vector<16xf32>
        %broadcast_in_dim3A_277 = vector.broadcast %squeeze3A_222 : f32 to vector<16xf32>
        %select_n3A_278 = arith.select %eq3A_260, %broadcast_in_dim3A_277, %select_n3A_276 : vector<16xi1>, vector<16xf32>
        %broadcast_in_dim3A_279 = vector.broadcast %reduce_max3A_173 : f32 to vector<16xf32>
        %select_n3A_280 = arith.select %eq3A_257, %broadcast_in_dim3A_279, %select_n3A_278 : vector<16xi1>, vector<16xf32>
        %eq3A_281 = arith.constant 5 : i32
        %eq3A_282 = vector.broadcast %eq3A_281 : i32 to vector<16xi32>
        %eq3A_283 = arith.cmpi eq, %iota3A, %eq3A_282 : vector<16xi32>
        %convert_element_type3A_284 = arith.sitofp %squeeze3A_254 : i32 to f32
        %broadcast_in_dim3A_285 = vector.broadcast %convert_element_type3A_284 : f32 to vector<16xf32>
        %select_n3A_286 = arith.select %eq3A_283, %broadcast_in_dim3A_285, %select_n3A_280 : vector<16xi1>, vector<16xf32>
        %eq3A_287 = arith.constant 6 : i32
        %eq3A_288 = vector.broadcast %eq3A_287 : i32 to vector<16xi32>
        %eq3A_289 = arith.cmpi eq, %iota3A, %eq3A_288 : vector<16xi32>
        %convert_element_type3A_290 = arith.sitofp %min3A_211 : i32 to f32
        %broadcast_in_dim3A_291 = vector.broadcast %convert_element_type3A_290 : f32 to vector<16xf32>
        %select_n3A_292 = arith.select %eq3A_289, %broadcast_in_dim3A_291, %select_n3A_286 : vector<16xi1>, vector<16xf32>
        %mul3A_293 = arith.constant 8 : i32
        %mul3A_294 = arith.muli %scan3A_160, %mul3A_293 : i32
        %add3A_295 = vector.broadcast %mul3A_294 : i32 to vector<16xi32>
        %add3A_296 = arith.addi %add3A_295, %iota3A : vector<16xi32>
        tpu.vector_store_idx %arg27[%add3A_296], %select_n3A_292 masked %lt3A_37 : memref<800xf32, #tpu.memory_space<vmem>>[vector<16xi32>], vector<16xf32>, vector<16xi1>
        %mul3A_297 = arith.constant 0 : i32
        %mul3A_298 = vector.broadcast %mul3A_297 : i32 to vector<16xi32>
        %mul3A_299 = arith.muli %iota3A, %mul3A_298 : vector<16xi32>
        %add3A_300 = vector.broadcast %min3A_211 : i32 to vector<16xi32>
        %add3A_301 = arith.addi %mul3A_299, %add3A_300 : vector<16xi32>
        %broadcast_in_dim3A_302 = arith.constant 0.000000e+00 : f32
        %broadcast_in_dim3A_303 = vector.broadcast %broadcast_in_dim3A_302 : f32 to vector<16xf32>
        %add3A_304 = vector.broadcast %scan3A_148 : f32 to vector<16xf32>
        %add3A_305 = arith.addf %broadcast_in_dim3A_303, %add3A_304 : vector<16xf32>
        tpu.vector_store_idx %arg25[%add3A_301], %add3A_305 masked %eq3A_34 : memref<6656xf32, #tpu.memory_space<vmem>>[vector<16xi32>], vector<16xf32>, vector<16xi1>
        %mul3A_306 = arith.constant 16 : i32
        %mul3A_307 = arith.muli %min3A_189, %mul3A_306 : i32
        %add3A_308 = vector.broadcast %mul3A_307 : i32 to vector<16xi32>
        %add3A_309 = arith.addi %add3A_308, %iota3A : vector<16xi32>
        %eq3A_310 = vector.broadcast %min3A_211 : i32 to vector<16xi32>
        %eq3A_311 = arith.cmpi eq, %add3A_309, %eq3A_310 : vector<16xi32>
        %mul3A_312 = arith.constant 16 : i32
        %mul3A_313 = arith.muli %min3A_189, %mul3A_312 : i32
        %get3A_314 = arith.index_cast %mul3A_313 : i32 to index
        %get3A_315 = tpu.vector_load %arg25[%get3A_314] {strides = array<i32>} : memref<6656xf32, #tpu.memory_space<vmem>>, vector<16xf32>,
        %broadcast_in_dim3A_316 = vector.broadcast %scan3A_148 : f32 to vector<16xf32>
        %select_n3A_317 = arith.select %eq3A_311, %broadcast_in_dim3A_316, %get3A_315 : vector<16xi1>, vector<16xf32>
        %reduce_max3A_318 = arith.constant true
        %reduce_max3A_319 = vector.broadcast %reduce_max3A_318 : i1 to vector<16xi1>
        %reduce_max3A_320 = tpu.scan <max>, %select_n3A_317 masked %reduce_max3A_319 : vector<16xf32>, vector<16xi1> -> vector<16xf32>
        %reduce_max3A_321 = vector.extract %reduce_max3A_320[15] : f32 from vector<16xf32>
        %mul3A_322 = arith.constant 0 : i32
        %mul3A_323 = vector.broadcast %mul3A_322 : i32 to vector<16xi32>
        %mul3A_324 = arith.muli %iota3A, %mul3A_323 : vector<16xi32>
        %add3A_325 = vector.broadcast %min3A_189 : i32 to vector<16xi32>
        %add3A_326 = arith.addi %mul3A_324, %add3A_325 : vector<16xi32>
        %broadcast_in_dim3A_327 = arith.constant 0.000000e+00 : f32
        %broadcast_in_dim3A_328 = vector.broadcast %broadcast_in_dim3A_327 : f32 to vector<16xf32>
        %add3A_329 = vector.broadcast %reduce_max3A_321 : f32 to vector<16xf32>
        %add3A_330 = arith.addf %broadcast_in_dim3A_328, %add3A_329 : vector<16xf32>
        tpu.vector_store_idx %arg26[%add3A_326], %add3A_330 masked %eq3A_34 : memref<416xf32, #tpu.memory_space<vmem>>[vector<16xi32>], vector<16xf32>, vector<16xi1>
      } else {
      }
    }
    %scan3A_153 = arith.constant 100 : i32
    "tpu.region"() ({
      %run_scoped3A_160 = tpu.sem_alloc : memref<!tpu.dma_semaphore, #tpu.memory_space<semaphore_mem>>
      %dma_start3A = arith.constant 0 : i32
      %dma_start3A_161 = tpu.memref_slice %arg32[%arg1, %dma_start3A] : memref<16x800xf32, #tpu.memory_space<vmem_shared>> -> memref<1x800xf32, #tpu.memory_space<vmem_shared>>
      %dma_start3A_162 = tpu.memref_squeeze %dma_start3A_161 : memref<1x800xf32, #tpu.memory_space<vmem_shared>> -> memref<800xf32, #tpu.memory_space<vmem_shared>>
      %dma_start3A_163 = arith.constant 0 : i32
      %dma_start3A_164 = tpu.memref_slice %arg32[%arg1, %dma_start3A_163] : memref<16x800xf32, #tpu.memory_space<vmem_shared>> -> memref<1x800xf32, #tpu.memory_space<vmem_shared>>
      %dma_start3A_165 = tpu.memref_squeeze %dma_start3A_164 : memref<1x800xf32, #tpu.memory_space<vmem_shared>> -> memref<800xf32, #tpu.memory_space<vmem_shared>>
      tpu.enqueue_dma source(%arg27 : memref<800xf32, #tpu.memory_space<vmem>>) target(%dma_start3A_165 : memref<800xf32, #tpu.memory_space<vmem_shared>>) target_semaphore(%run_scoped3A_160 : memref<!tpu.dma_semaphore, #tpu.memory_space<semaphore_mem>>)
      %dma_wait3A = arith.constant 0 : i32
      %dma_wait3A_166 = tpu.memref_slice %arg32[%arg1, %dma_wait3A] : memref<16x800xf32, #tpu.memory_space<vmem_shared>> -> memref<1x800xf32, #tpu.memory_space<vmem_shared>>
      %dma_wait3A_167 = tpu.memref_squeeze %dma_wait3A_166 : memref<1x800xf32, #tpu.memory_space<vmem_shared>> -> memref<800xf32, #tpu.memory_space<vmem_shared>>
      %dma_wait3A_168 = arith.constant 0 : i32
      %dma_wait3A_169 = tpu.memref_slice %arg32[%arg1, %dma_wait3A_168] : memref<16x800xf32, #tpu.memory_space<vmem_shared>> -> memref<1x800xf32, #tpu.memory_space<vmem_shared>>
      %dma_wait3A_170 = tpu.memref_squeeze %dma_wait3A_169 : memref<1x800xf32, #tpu.memory_space<vmem_shared>> -> memref<800xf32, #tpu.memory_space<vmem_shared>>
      tpu.wait_dma2 semaphore(%run_scoped3A_160 : memref<!tpu.dma_semaphore, #tpu.memory_space<semaphore_mem>>) src(%arg27 : memref<800xf32, #tpu.memory_space<vmem>>) dst(%dma_wait3A_170 : memref<800xf32, #tpu.memory_space<vmem_shared>>)
      tpu.yield
    }) : () -> ()
    %barrier3A = arith.constant 0 : index
    tpu.barrier barrier_id(%barrier3A)
    %eq3A_154 = arith.constant 0 : i32
    %eq3A_155 = arith.cmpi eq, %select_n3A_30, %eq3A_154 : i32
    %convert_element_type3A = arith.extui %eq3A_155 : i1 to i32
    %cond3A = arith.constant -1.000000e+00 : f32
    %cond3A_156 = arith.constant 0.000000e+00 : f32
    %cond3A_157 = arith.constant 1.000000e+00 : f32
    %cond3A_158 = arith.constant 0 : i32
    %cond3A_159 = arith.cmpi ne, %convert_element_type3A, %cond3A_158 : i32
    scf.if %cond3A_159 {
      %add3A_160 = arith.constant 0 : i32
      %add3A_161 = arith.addi %arg1, %add3A_160 : i32
      "tpu.region"() ({
        %run_scoped3A_186 = tpu.sem_alloc : memref<!tpu.dma_semaphore, #tpu.memory_space<semaphore_mem>>
        %dma_start3A = arith.constant 0 : i32
        %dma_start3A_187 = tpu.memref_slice %arg28[%dma_start3A] : memref<3200xf32, #tpu.memory_space<vmem>> -> memref<800xf32, #tpu.memory_space<vmem>>
        %dma_start3A_188 = arith.constant 0 : i32
        %dma_start3A_189 = tpu.memref_slice %arg32[%add3A_161, %dma_start3A_188] : memref<16x800xf32, #tpu.memory_space<vmem_shared>> -> memref<1x800xf32, #tpu.memory_space<vmem_shared>>
        %dma_start3A_190 = tpu.memref_squeeze %dma_start3A_189 : memref<1x800xf32, #tpu.memory_space<vmem_shared>> -> memref<800xf32, #tpu.memory_space<vmem_shared>>
        %dma_start3A_191 = arith.constant 0 : i32
        %dma_start3A_192 = tpu.memref_slice %arg28[%dma_start3A_191] : memref<3200xf32, #tpu.memory_space<vmem>> -> memref<800xf32, #tpu.memory_space<vmem>>
        %dma_start3A_193 = arith.constant 0 : i32
        %dma_start3A_194 = tpu.memref_slice %arg32[%add3A_161, %dma_start3A_193] : memref<16x800xf32, #tpu.memory_space<vmem_shared>> -> memref<1x800xf32, #tpu.memory_space<vmem_shared>>
        %dma_start3A_195 = tpu.memref_squeeze %dma_start3A_194 : memref<1x800xf32, #tpu.memory_space<vmem_shared>> -> memref<800xf32, #tpu.memory_space<vmem_shared>>
        tpu.enqueue_dma source(%dma_start3A_195 : memref<800xf32, #tpu.memory_space<vmem_shared>>) target(%dma_start3A_192 : memref<800xf32, #tpu.memory_space<vmem>>) target_semaphore(%run_scoped3A_186 : memref<!tpu.dma_semaphore, #tpu.memory_space<semaphore_mem>>)
        %dma_wait3A = arith.constant 0 : i32
        %dma_wait3A_196 = tpu.memref_slice %arg28[%dma_wait3A] : memref<3200xf32, #tpu.memory_space<vmem>> -> memref<800xf32, #tpu.memory_space<vmem>>
        %dma_wait3A_197 = arith.constant 0 : i32
        %dma_wait3A_198 = tpu.memref_slice %arg32[%add3A_161, %dma_wait3A_197] : memref<16x800xf32, #tpu.memory_space<vmem_shared>> -> memref<1x800xf32, #tpu.memory_space<vmem_shared>>
        %dma_wait3A_199 = tpu.memref_squeeze %dma_wait3A_198 : memref<1x800xf32, #tpu.memory_space<vmem_shared>> -> memref<800xf32, #tpu.memory_space<vmem_shared>>
        %dma_wait3A_200 = arith.constant 0 : i32
        %dma_wait3A_201 = tpu.memref_slice %arg28[%dma_wait3A_200] : memref<3200xf32, #tpu.memory_space<vmem>> -> memref<800xf32, #tpu.memory_space<vmem>>
        %dma_wait3A_202 = arith.constant 0 : i32
        %dma_wait3A_203 = tpu.memref_slice %arg32[%add3A_161, %dma_wait3A_202] : memref<16x800xf32, #tpu.memory_space<vmem_shared>> -> memref<1x800xf32, #tpu.memory_space<vmem_shared>>
        %dma_wait3A_204 = tpu.memref_squeeze %dma_wait3A_203 : memref<1x800xf32, #tpu.memory_space<vmem_shared>> -> memref<800xf32, #tpu.memory_space<vmem_shared>>
        tpu.wait_dma2 semaphore(%run_scoped3A_186 : memref<!tpu.dma_semaphore, #tpu.memory_space<semaphore_mem>>) src(%dma_wait3A_204 : memref<800xf32, #tpu.memory_space<vmem_shared>>) dst(%dma_wait3A_201 : memref<800xf32, #tpu.memory_space<vmem>>)
        tpu.yield
      }) : () -> ()
      %add3A_162 = arith.constant 1 : i32
      %add3A_163 = arith.addi %arg1, %add3A_162 : i32
      "tpu.region"() ({
        %run_scoped3A_186 = tpu.sem_alloc : memref<!tpu.dma_semaphore, #tpu.memory_space<semaphore_mem>>
        %dma_start3A = arith.constant 800 : i32
        %dma_start3A_187 = tpu.memref_slice %arg28[%dma_start3A] : memref<3200xf32, #tpu.memory_space<vmem>> -> memref<800xf32, #tpu.memory_space<vmem>>
        %dma_start3A_188 = arith.constant 0 : i32
        %dma_start3A_189 = tpu.memref_slice %arg32[%add3A_163, %dma_start3A_188] : memref<16x800xf32, #tpu.memory_space<vmem_shared>> -> memref<1x800xf32, #tpu.memory_space<vmem_shared>>
        %dma_start3A_190 = tpu.memref_squeeze %dma_start3A_189 : memref<1x800xf32, #tpu.memory_space<vmem_shared>> -> memref<800xf32, #tpu.memory_space<vmem_shared>>
        %dma_start3A_191 = arith.constant 800 : i32
        %dma_start3A_192 = tpu.memref_slice %arg28[%dma_start3A_191] : memref<3200xf32, #tpu.memory_space<vmem>> -> memref<800xf32, #tpu.memory_space<vmem>>
        %dma_start3A_193 = arith.constant 0 : i32
        %dma_start3A_194 = tpu.memref_slice %arg32[%add3A_163, %dma_start3A_193] : memref<16x800xf32, #tpu.memory_space<vmem_shared>> -> memref<1x800xf32, #tpu.memory_space<vmem_shared>>
        %dma_start3A_195 = tpu.memref_squeeze %dma_start3A_194 : memref<1x800xf32, #tpu.memory_space<vmem_shared>> -> memref<800xf32, #tpu.memory_space<vmem_shared>>
        tpu.enqueue_dma source(%dma_start3A_195 : memref<800xf32, #tpu.memory_space<vmem_shared>>) target(%dma_start3A_192 : memref<800xf32, #tpu.memory_space<vmem>>) target_semaphore(%run_scoped3A_186 : memref<!tpu.dma_semaphore, #tpu.memory_space<semaphore_mem>>)
        %dma_wait3A = arith.constant 800 : i32
        %dma_wait3A_196 = tpu.memref_slice %arg28[%dma_wait3A] : memref<3200xf32, #tpu.memory_space<vmem>> -> memref<800xf32, #tpu.memory_space<vmem>>
        %dma_wait3A_197 = arith.constant 0 : i32
        %dma_wait3A_198 = tpu.memref_slice %arg32[%add3A_163, %dma_wait3A_197] : memref<16x800xf32, #tpu.memory_space<vmem_shared>> -> memref<1x800xf32, #tpu.memory_space<vmem_shared>>
        %dma_wait3A_199 = tpu.memref_squeeze %dma_wait3A_198 : memref<1x800xf32, #tpu.memory_space<vmem_shared>> -> memref<800xf32, #tpu.memory_space<vmem_shared>>
        %dma_wait3A_200 = arith.constant 800 : i32
        %dma_wait3A_201 = tpu.memref_slice %arg28[%dma_wait3A_200] : memref<3200xf32, #tpu.memory_space<vmem>> -> memref<800xf32, #tpu.memory_space<vmem>>
        %dma_wait3A_202 = arith.constant 0 : i32
        %dma_wait3A_203 = tpu.memref_slice %arg32[%add3A_163, %dma_wait3A_202] : memref<16x800xf32, #tpu.memory_space<vmem_shared>> -> memref<1x800xf32, #tpu.memory_space<vmem_shared>>
        %dma_wait3A_204 = tpu.memref_squeeze %dma_wait3A_203 : memref<1x800xf32, #tpu.memory_space<vmem_shared>> -> memref<800xf32, #tpu.memory_space<vmem_shared>>
        tpu.wait_dma2 semaphore(%run_scoped3A_186 : memref<!tpu.dma_semaphore, #tpu.memory_space<semaphore_mem>>) src(%dma_wait3A_204 : memref<800xf32, #tpu.memory_space<vmem_shared>>) dst(%dma_wait3A_201 : memref<800xf32, #tpu.memory_space<vmem>>)
        tpu.yield
      }) : () -> ()
      %add3A_164 = arith.constant 2 : i32
      %add3A_165 = arith.addi %arg1, %add3A_164 : i32
      "tpu.region"() ({
        %run_scoped3A_186 = tpu.sem_alloc : memref<!tpu.dma_semaphore, #tpu.memory_space<semaphore_mem>>
        %dma_start3A = arith.constant 1600 : i32
        %dma_start3A_187 = tpu.memref_slice %arg28[%dma_start3A] : memref<3200xf32, #tpu.memory_space<vmem>> -> memref<800xf32, #tpu.memory_space<vmem>>
        %dma_start3A_188 = arith.constant 0 : i32
        %dma_start3A_189 = tpu.memref_slice %arg32[%add3A_165, %dma_start3A_188] : memref<16x800xf32, #tpu.memory_space<vmem_shared>> -> memref<1x800xf32, #tpu.memory_space<vmem_shared>>
        %dma_start3A_190 = tpu.memref_squeeze %dma_start3A_189 : memref<1x800xf32, #tpu.memory_space<vmem_shared>> -> memref<800xf32, #tpu.memory_space<vmem_shared>>
        %dma_start3A_191 = arith.constant 1600 : i32
        %dma_start3A_192 = tpu.memref_slice %arg28[%dma_start3A_191] : memref<3200xf32, #tpu.memory_space<vmem>> -> memref<800xf32, #tpu.memory_space<vmem>>
        %dma_start3A_193 = arith.constant 0 : i32
        %dma_start3A_194 = tpu.memref_slice %arg32[%add3A_165, %dma_start3A_193] : memref<16x800xf32, #tpu.memory_space<vmem_shared>> -> memref<1x800xf32, #tpu.memory_space<vmem_shared>>
        %dma_start3A_195 = tpu.memref_squeeze %dma_start3A_194 : memref<1x800xf32, #tpu.memory_space<vmem_shared>> -> memref<800xf32, #tpu.memory_space<vmem_shared>>
        tpu.enqueue_dma source(%dma_start3A_195 : memref<800xf32, #tpu.memory_space<vmem_shared>>) target(%dma_start3A_192 : memref<800xf32, #tpu.memory_space<vmem>>) target_semaphore(%run_scoped3A_186 : memref<!tpu.dma_semaphore, #tpu.memory_space<semaphore_mem>>)
        %dma_wait3A = arith.constant 1600 : i32
        %dma_wait3A_196 = tpu.memref_slice %arg28[%dma_wait3A] : memref<3200xf32, #tpu.memory_space<vmem>> -> memref<800xf32, #tpu.memory_space<vmem>>
        %dma_wait3A_197 = arith.constant 0 : i32
        %dma_wait3A_198 = tpu.memref_slice %arg32[%add3A_165, %dma_wait3A_197] : memref<16x800xf32, #tpu.memory_space<vmem_shared>> -> memref<1x800xf32, #tpu.memory_space<vmem_shared>>
        %dma_wait3A_199 = tpu.memref_squeeze %dma_wait3A_198 : memref<1x800xf32, #tpu.memory_space<vmem_shared>> -> memref<800xf32, #tpu.memory_space<vmem_shared>>
        %dma_wait3A_200 = arith.constant 1600 : i32
        %dma_wait3A_201 = tpu.memref_slice %arg28[%dma_wait3A_200] : memref<3200xf32, #tpu.memory_space<vmem>> -> memref<800xf32, #tpu.memory_space<vmem>>
        %dma_wait3A_202 = arith.constant 0 : i32
        %dma_wait3A_203 = tpu.memref_slice %arg32[%add3A_165, %dma_wait3A_202] : memref<16x800xf32, #tpu.memory_space<vmem_shared>> -> memref<1x800xf32, #tpu.memory_space<vmem_shared>>
        %dma_wait3A_204 = tpu.memref_squeeze %dma_wait3A_203 : memref<1x800xf32, #tpu.memory_space<vmem_shared>> -> memref<800xf32, #tpu.memory_space<vmem_shared>>
        tpu.wait_dma2 semaphore(%run_scoped3A_186 : memref<!tpu.dma_semaphore, #tpu.memory_space<semaphore_mem>>) src(%dma_wait3A_204 : memref<800xf32, #tpu.memory_space<vmem_shared>>) dst(%dma_wait3A_201 : memref<800xf32, #tpu.memory_space<vmem>>)
        tpu.yield
      }) : () -> ()
      %add3A_166 = arith.constant 3 : i32
      %add3A_167 = arith.addi %arg1, %add3A_166 : i32
      "tpu.region"() ({
        %run_scoped3A_186 = tpu.sem_alloc : memref<!tpu.dma_semaphore, #tpu.memory_space<semaphore_mem>>
        %dma_start3A = arith.constant 2400 : i32
        %dma_start3A_187 = tpu.memref_slice %arg28[%dma_start3A] : memref<3200xf32, #tpu.memory_space<vmem>> -> memref<800xf32, #tpu.memory_space<vmem>>
        %dma_start3A_188 = arith.constant 0 : i32
        %dma_start3A_189 = tpu.memref_slice %arg32[%add3A_167, %dma_start3A_188] : memref<16x800xf32, #tpu.memory_space<vmem_shared>> -> memref<1x800xf32, #tpu.memory_space<vmem_shared>>
        %dma_start3A_190 = tpu.memref_squeeze %dma_start3A_189 : memref<1x800xf32, #tpu.memory_space<vmem_shared>> -> memref<800xf32, #tpu.memory_space<vmem_shared>>
        %dma_start3A_191 = arith.constant 2400 : i32
        %dma_start3A_192 = tpu.memref_slice %arg28[%dma_start3A_191] : memref<3200xf32, #tpu.memory_space<vmem>> -> memref<800xf32, #tpu.memory_space<vmem>>
        %dma_start3A_193 = arith.constant 0 : i32
        %dma_start3A_194 = tpu.memref_slice %arg32[%add3A_167, %dma_start3A_193] : memref<16x800xf32, #tpu.memory_space<vmem_shared>> -> memref<1x800xf32, #tpu.memory_space<vmem_shared>>
        %dma_start3A_195 = tpu.memref_squeeze %dma_start3A_194 : memref<1x800xf32, #tpu.memory_space<vmem_shared>> -> memref<800xf32, #tpu.memory_space<vmem_shared>>
        tpu.enqueue_dma source(%dma_start3A_195 : memref<800xf32, #tpu.memory_space<vmem_shared>>) target(%dma_start3A_192 : memref<800xf32, #tpu.memory_space<vmem>>) target_semaphore(%run_scoped3A_186 : memref<!tpu.dma_semaphore, #tpu.memory_space<semaphore_mem>>)
        %dma_wait3A = arith.constant 2400 : i32
        %dma_wait3A_196 = tpu.memref_slice %arg28[%dma_wait3A] : memref<3200xf32, #tpu.memory_space<vmem>> -> memref<800xf32, #tpu.memory_space<vmem>>
        %dma_wait3A_197 = arith.constant 0 : i32
        %dma_wait3A_198 = tpu.memref_slice %arg32[%add3A_167, %dma_wait3A_197] : memref<16x800xf32, #tpu.memory_space<vmem_shared>> -> memref<1x800xf32, #tpu.memory_space<vmem_shared>>
        %dma_wait3A_199 = tpu.memref_squeeze %dma_wait3A_198 : memref<1x800xf32, #tpu.memory_space<vmem_shared>> -> memref<800xf32, #tpu.memory_space<vmem_shared>>
        %dma_wait3A_200 = arith.constant 2400 : i32
        %dma_wait3A_201 = tpu.memref_slice %arg28[%dma_wait3A_200] : memref<3200xf32, #tpu.memory_space<vmem>> -> memref<800xf32, #tpu.memory_space<vmem>>
        %dma_wait3A_202 = arith.constant 0 : i32
        %dma_wait3A_203 = tpu.memref_slice %arg32[%add3A_167, %dma_wait3A_202] : memref<16x800xf32, #tpu.memory_space<vmem_shared>> -> memref<1x800xf32, #tpu.memory_space<vmem_shared>>
        %dma_wait3A_204 = tpu.memref_squeeze %dma_wait3A_203 : memref<1x800xf32, #tpu.memory_space<vmem_shared>> -> memref<800xf32, #tpu.memory_space<vmem_shared>>
        tpu.wait_dma2 semaphore(%run_scoped3A_186 : memref<!tpu.dma_semaphore, #tpu.memory_space<semaphore_mem>>) src(%dma_wait3A_204 : memref<800xf32, #tpu.memory_space<vmem_shared>>) dst(%dma_wait3A_201 : memref<800xf32, #tpu.memory_space<vmem>>)
        tpu.yield
      }) : () -> ()
      %broadcast_in_dim3A_168 = arith.constant 0 : i32
      %broadcast_in_dim3A_169 = vector.broadcast %broadcast_in_dim3A_168 : i32 to vector<16xi32>
      %scan3A_170 = arith.constant 0 : i32
      %scan3A_171 = arith.constant 0 : i32
      %scan3A_172 = arith.constant 50 : i32
      %scan3A_173 = arith.addi %scan3A_171, %scan3A_172 : i32
      %scan3A_174 = arith.constant 1 : i32
      scf.for %scan3A_186 = %scan3A_171 to %scan3A_173 step %scan3A_174  : i32 {
        %mul3A_187 = arith.constant 16 : i32
        %mul3A_188 = arith.muli %scan3A_186, %mul3A_187 : i32
        %swap3A_189 = arith.index_cast %mul3A_188 : i32 to index
        %swap3A_190 = tpu.vector_load %arg29[%swap3A_189] {strides = array<i32>} : memref<800xf32, #tpu.memory_space<vmem>>, vector<16xf32>,
        tpu.vector_store %arg29[%swap3A_189], %broadcast_in_dim3A_138 {strides = array<i32>} : memref<800xf32, #tpu.memory_space<vmem>>, vector<16xf32>,
        %mul3A_191 = arith.constant 16 : i32
        %mul3A_192 = arith.muli %scan3A_186, %mul3A_191 : i32
        %swap3A_193 = arith.index_cast %mul3A_192 : i32 to index
        %swap3A_194 = tpu.vector_load %arg30[%swap3A_193] {strides = array<i32>} : memref<800xf32, #tpu.memory_space<vmem>>, vector<16xf32>,
        tpu.vector_store %arg30[%swap3A_193], %broadcast_in_dim3A_138 {strides = array<i32>} : memref<800xf32, #tpu.memory_space<vmem>>, vector<16xf32>,
        %mul3A_195 = arith.constant 16 : i32
        %mul3A_196 = arith.muli %scan3A_186, %mul3A_195 : i32
        %swap3A_197 = arith.index_cast %mul3A_196 : i32 to index
        %swap3A_198 = tpu.vector_load %arg31[%swap3A_197] {strides = array<i32>} : memref<800xi32, #tpu.memory_space<vmem>>, vector<16xi32>,
        tpu.vector_store %arg31[%swap3A_197], %broadcast_in_dim3A_169 {strides = array<i32>} : memref<800xi32, #tpu.memory_space<vmem>>, vector<16xi32>,
      }
      %scan3A_175 = arith.constant 50 : i32
      %scan3A_176 = arith.constant 0 : i32
      %scan3A_177 = arith.constant 0 : i32
      %scan3A_178 = arith.constant 0 : i32
      %scan3A_179 = arith.constant 0 : i32
      %scan3A_180 = arith.constant 0 : i32
      %scan3A_181 = arith.constant 100 : i32
      %scan3A_182 = arith.addi %scan3A_180, %scan3A_181 : i32
      %scan3A_183 = arith.constant 1 : i32
      %scan3A_184:4 = scf.for %scan3A_186 = %scan3A_180 to %scan3A_182 step %scan3A_183 iter_args(%scan3A_187 = %scan3A_176, %scan3A_188 = %scan3A_177, %scan3A_189 = %scan3A_178, %scan3A_190 = %scan3A_179) -> (i32, i32, i32, i32)  : i32 {
        %min3A = arith.constant 99 : i32
        %min3A_191 = arith.minsi %scan3A_187, %min3A : i32
        %mul3A_192 = arith.constant 8 : i32
        %mul3A_193 = arith.muli %min3A_191, %mul3A_192 : i32
        %add3A_194 = arith.constant 0 : i32
        %add3A_195 = arith.addi %add3A_194, %mul3A_193 : i32
        %add3A_196 = vector.broadcast %add3A_195 : i32 to vector<16xi32>
        %add3A_197 = arith.addi %add3A_196, %iota3A : vector<16xi32>
        %gather3A_198 = tpu.vector_load_idx %arg28[%add3A_197] : memref<3200xf32, #tpu.memory_space<vmem>>[vector<16xi32>], vector<16xf32>,
        %lt3A_199 = arith.constant 100 : i32
        %lt3A_200 = arith.cmpi slt, %scan3A_187, %lt3A_199 : i32
        %slice3A_201 = vector.extract_strided_slice %gather3A_198 {offsets = [0], sizes = [1], strides = [1]} : vector<16xf32> to vector<1xf32>
        %squeeze3A_202 = vector.extract %slice3A_201[0] : f32 from vector<1xf32>
        %select_n3A_203 = arith.select %lt3A_200, %squeeze3A_202, %cond3A : f32
        %slice3A_204 = vector.extract_strided_slice %gather3A_198 {offsets = [6], sizes = [1], strides = [1]} : vector<16xf32> to vector<1xf32>
        %squeeze3A_205 = vector.extract %slice3A_204[0] : f32 from vector<1xf32>
        %min3A_206 = arith.constant 99 : i32
        %min3A_207 = arith.minsi %scan3A_188, %min3A_206 : i32
        %mul3A_208 = arith.constant 8 : i32
        %mul3A_209 = arith.muli %min3A_207, %mul3A_208 : i32
        %add3A_210 = arith.constant 800 : i32
        %add3A_211 = arith.addi %add3A_210, %mul3A_209 : i32
        %add3A_212 = vector.broadcast %add3A_211 : i32 to vector<16xi32>
        %add3A_213 = arith.addi %add3A_212, %iota3A : vector<16xi32>
        %gather3A_214 = tpu.vector_load_idx %arg28[%add3A_213] : memref<3200xf32, #tpu.memory_space<vmem>>[vector<16xi32>], vector<16xf32>,
        %lt3A_215 = arith.constant 100 : i32
        %lt3A_216 = arith.cmpi slt, %scan3A_188, %lt3A_215 : i32
        %slice3A_217 = vector.extract_strided_slice %gather3A_214 {offsets = [0], sizes = [1], strides = [1]} : vector<16xf32> to vector<1xf32>
        %squeeze3A_218 = vector.extract %slice3A_217[0] : f32 from vector<1xf32>
        %select_n3A_219 = arith.select %lt3A_216, %squeeze3A_218, %cond3A : f32
        %slice3A_220 = vector.extract_strided_slice %gather3A_214 {offsets = [6], sizes = [1], strides = [1]} : vector<16xf32> to vector<1xf32>
        %squeeze3A_221 = vector.extract %slice3A_220[0] : f32 from vector<1xf32>
        %min3A_222 = arith.constant 99 : i32
        %min3A_223 = arith.minsi %scan3A_189, %min3A_222 : i32
        %mul3A_224 = arith.constant 8 : i32
        %mul3A_225 = arith.muli %min3A_223, %mul3A_224 : i32
        %add3A_226 = arith.constant 1600 : i32
        %add3A_227 = arith.addi %add3A_226, %mul3A_225 : i32
        %add3A_228 = vector.broadcast %add3A_227 : i32 to vector<16xi32>
        %add3A_229 = arith.addi %add3A_228, %iota3A : vector<16xi32>
        %gather3A_230 = tpu.vector_load_idx %arg28[%add3A_229] : memref<3200xf32, #tpu.memory_space<vmem>>[vector<16xi32>], vector<16xf32>,
        %lt3A_231 = arith.constant 100 : i32
        %lt3A_232 = arith.cmpi slt, %scan3A_189, %lt3A_231 : i32
        %slice3A_233 = vector.extract_strided_slice %gather3A_230 {offsets = [0], sizes = [1], strides = [1]} : vector<16xf32> to vector<1xf32>
        %squeeze3A_234 = vector.extract %slice3A_233[0] : f32 from vector<1xf32>
        %select_n3A_235 = arith.select %lt3A_232, %squeeze3A_234, %cond3A : f32
        %slice3A_236 = vector.extract_strided_slice %gather3A_230 {offsets = [6], sizes = [1], strides = [1]} : vector<16xf32> to vector<1xf32>
        %squeeze3A_237 = vector.extract %slice3A_236[0] : f32 from vector<1xf32>
        %min3A_238 = arith.constant 99 : i32
        %min3A_239 = arith.minsi %scan3A_190, %min3A_238 : i32
        %mul3A_240 = arith.constant 8 : i32
        %mul3A_241 = arith.muli %min3A_239, %mul3A_240 : i32
        %add3A_242 = arith.constant 2400 : i32
        %add3A_243 = arith.addi %add3A_242, %mul3A_241 : i32
        %add3A_244 = vector.broadcast %add3A_243 : i32 to vector<16xi32>
        %add3A_245 = arith.addi %add3A_244, %iota3A : vector<16xi32>
        %gather3A_246 = tpu.vector_load_idx %arg28[%add3A_245] : memref<3200xf32, #tpu.memory_space<vmem>>[vector<16xi32>], vector<16xf32>,
        %lt3A_247 = arith.constant 100 : i32
        %lt3A_248 = arith.cmpi slt, %scan3A_190, %lt3A_247 : i32
        %slice3A_249 = vector.extract_strided_slice %gather3A_246 {offsets = [0], sizes = [1], strides = [1]} : vector<16xf32> to vector<1xf32>
        %squeeze3A_250 = vector.extract %slice3A_249[0] : f32 from vector<1xf32>
        %select_n3A_251 = arith.select %lt3A_248, %squeeze3A_250, %cond3A : f32
        %slice3A_252 = vector.extract_strided_slice %gather3A_246 {offsets = [6], sizes = [1], strides = [1]} : vector<16xf32> to vector<1xf32>
        %squeeze3A_253 = vector.extract %slice3A_252[0] : f32 from vector<1xf32>
        %gt3A = arith.cmpf ogt, %select_n3A_203, %select_n3A_219 : f32
        %eq3A_254 = arith.cmpf oeq, %select_n3A_203, %select_n3A_219 : f32
        %lt3A_255 = arith.cmpf olt, %squeeze3A_205, %squeeze3A_221 : f32
        %and3A_256 = arith.andi %eq3A_254, %lt3A_255 : i1
        %or3A = arith.ori %gt3A, %and3A_256 : i1
        %select_n3A_257 = arith.select %or3A, %select_n3A_203, %select_n3A_219 : f32
        %select_n3A_258 = arith.select %or3A, %squeeze3A_205, %squeeze3A_221 : f32
        %jit3A_259 = arith.constant 0 : i32
        %jit3A_260 = arith.constant 1 : i32
        %select_n3A_261 = arith.select %or3A, %jit3A_259, %jit3A_260 : i32
        %gt3A_262 = arith.cmpf ogt, %select_n3A_235, %select_n3A_251 : f32
        %eq3A_263 = arith.cmpf oeq, %select_n3A_235, %select_n3A_251 : f32
        %lt3A_264 = arith.cmpf olt, %squeeze3A_237, %squeeze3A_253 : f32
        %and3A_265 = arith.andi %eq3A_263, %lt3A_264 : i1
        %or3A_266 = arith.ori %gt3A_262, %and3A_265 : i1
        %select_n3A_267 = arith.select %or3A_266, %select_n3A_235, %select_n3A_251 : f32
        %select_n3A_268 = arith.select %or3A_266, %squeeze3A_237, %squeeze3A_253 : f32
        %jit3A_269 = arith.constant 2 : i32
        %jit3A_270 = arith.constant 3 : i32
        %select_n3A_271 = arith.select %or3A_266, %jit3A_269, %jit3A_270 : i32
        %gt3A_272 = arith.cmpf ogt, %select_n3A_257, %select_n3A_267 : f32
        %eq3A_273 = arith.cmpf oeq, %select_n3A_257, %select_n3A_267 : f32
        %lt3A_274 = arith.cmpf olt, %select_n3A_258, %select_n3A_268 : f32
        %and3A_275 = arith.andi %eq3A_273, %lt3A_274 : i1
        %or3A_276 = arith.ori %gt3A_272, %and3A_275 : i1
        %select_n3A_277 = arith.select %or3A_276, %select_n3A_257, %select_n3A_267 : f32
        %select_n3A_278 = arith.select %or3A_276, %select_n3A_261, %select_n3A_271 : i32
        %eq3A_279 = arith.constant 0 : i32
        %eq3A_280 = arith.cmpi eq, %select_n3A_278, %eq3A_279 : i32
        %eq3A_281 = arith.constant 1 : i32
        %eq3A_282 = arith.cmpi eq, %select_n3A_278, %eq3A_281 : i32
        %eq3A_283 = arith.constant 2 : i32
        %eq3A_284 = arith.cmpi eq, %select_n3A_278, %eq3A_283 : i32
        %select_n3A_285 = arith.select %eq3A_284, %scan3A_189, %scan3A_190 : i32
        %select_n3A_286 = arith.select %eq3A_282, %scan3A_188, %select_n3A_285 : i32
        %select_n3A_287 = arith.select %eq3A_280, %scan3A_187, %select_n3A_286 : i32
        %gt3A_288 = arith.cmpf ogt, %select_n3A_277, %cond3A_156 : f32
        %convert_element_type3A_289 = arith.extui %gt3A_288 : i1 to i32
        %cond3A_290 = arith.constant 0 : i32
        %cond3A_291 = arith.cmpi ne, %convert_element_type3A_289, %cond3A_290 : i32
        scf.if %cond3A_291 {
          %mul3A_313 = arith.constant 800 : i32
          %mul3A_314 = arith.muli %select_n3A_278, %mul3A_313 : i32
          %mul3A_315 = arith.constant 8 : i32
          %mul3A_316 = arith.muli %select_n3A_287, %mul3A_315 : i32
          %add3A_317 = arith.addi %mul3A_314, %mul3A_316 : i32
          %add3A_318 = vector.broadcast %add3A_317 : i32 to vector<16xi32>
          %add3A_319 = arith.addi %add3A_318, %iota3A : vector<16xi32>
          %gather3A_320 = tpu.vector_load_idx %arg28[%add3A_319] : memref<3200xf32, #tpu.memory_space<vmem>>[vector<16xi32>], vector<16xf32>,
          %eq3A_321 = arith.constant 0 : i32
          %eq3A_322 = vector.broadcast %eq3A_321 : i32 to vector<16xi32>
          %eq3A_323 = arith.cmpi eq, %iota3A, %eq3A_322 : vector<16xi32>
          %slice3A_324 = vector.extract_strided_slice %gather3A_320 {offsets = [1], sizes = [1], strides = [1]} : vector<16xf32> to vector<1xf32>
          %squeeze3A_325 = vector.extract %slice3A_324[0] : f32 from vector<1xf32>
          %eq3A_326 = arith.constant 1 : i32
          %eq3A_327 = vector.broadcast %eq3A_326 : i32 to vector<16xi32>
          %eq3A_328 = arith.cmpi eq, %iota3A, %eq3A_327 : vector<16xi32>
          %slice3A_329 = vector.extract_strided_slice %gather3A_320 {offsets = [2], sizes = [1], strides = [1]} : vector<16xf32> to vector<1xf32>
          %squeeze3A_330 = vector.extract %slice3A_329[0] : f32 from vector<1xf32>
          %eq3A_331 = arith.constant 2 : i32
          %eq3A_332 = vector.broadcast %eq3A_331 : i32 to vector<16xi32>
          %eq3A_333 = arith.cmpi eq, %iota3A, %eq3A_332 : vector<16xi32>
          %slice3A_334 = vector.extract_strided_slice %gather3A_320 {offsets = [3], sizes = [1], strides = [1]} : vector<16xf32> to vector<1xf32>
          %squeeze3A_335 = vector.extract %slice3A_334[0] : f32 from vector<1xf32>
          %eq3A_336 = arith.constant 3 : i32
          %eq3A_337 = vector.broadcast %eq3A_336 : i32 to vector<16xi32>
          %eq3A_338 = arith.cmpi eq, %iota3A, %eq3A_337 : vector<16xi32>
          %slice3A_339 = vector.extract_strided_slice %gather3A_320 {offsets = [4], sizes = [1], strides = [1]} : vector<16xf32> to vector<1xf32>
          %squeeze3A_340 = vector.extract %slice3A_339[0] : f32 from vector<1xf32>
          %eq3A_341 = arith.constant 4 : i32
          %eq3A_342 = vector.broadcast %eq3A_341 : i32 to vector<16xi32>
          %eq3A_343 = arith.cmpi eq, %iota3A, %eq3A_342 : vector<16xi32>
          %broadcast_in_dim3A_344 = vector.broadcast %cond3A_157 : f32 to vector<16xf32>
          %broadcast_in_dim3A_345 = vector.broadcast %cond3A_156 : f32 to vector<16xf32>
          %select_n3A_346 = arith.select %eq3A_343, %broadcast_in_dim3A_344, %broadcast_in_dim3A_345 : vector<16xi1>, vector<16xf32>
          %broadcast_in_dim3A_347 = vector.broadcast %squeeze3A_340 : f32 to vector<16xf32>
          %select_n3A_348 = arith.select %eq3A_338, %broadcast_in_dim3A_347, %select_n3A_346 : vector<16xi1>, vector<16xf32>
          %broadcast_in_dim3A_349 = vector.broadcast %squeeze3A_335 : f32 to vector<16xf32>
          %select_n3A_350 = arith.select %eq3A_333, %broadcast_in_dim3A_349, %select_n3A_348 : vector<16xi1>, vector<16xf32>
          %broadcast_in_dim3A_351 = vector.broadcast %squeeze3A_330 : f32 to vector<16xf32>
          %select_n3A_352 = arith.select %eq3A_328, %broadcast_in_dim3A_351, %select_n3A_350 : vector<16xi1>, vector<16xf32>
          %broadcast_in_dim3A_353 = vector.broadcast %squeeze3A_325 : f32 to vector<16xf32>
          %select_n3A_354 = arith.select %eq3A_323, %broadcast_in_dim3A_353, %select_n3A_352 : vector<16xi1>, vector<16xf32>
          %eq3A_355 = arith.constant 0 : i32
          %eq3A_356 = vector.broadcast %eq3A_355 : i32 to vector<16xi32>
          %eq3A_357 = arith.cmpi eq, %iota3A, %eq3A_356 : vector<16xi32>
          %slice3A_358 = vector.extract_strided_slice %gather3A_320 {offsets = [0], sizes = [1], strides = [1]} : vector<16xf32> to vector<1xf32>
          %squeeze3A_359 = vector.extract %slice3A_358[0] : f32 from vector<1xf32>
          %eq3A_360 = arith.constant 1 : i32
          %eq3A_361 = vector.broadcast %eq3A_360 : i32 to vector<16xi32>
          %eq3A_362 = arith.cmpi eq, %iota3A, %eq3A_361 : vector<16xi32>
          %broadcast_in_dim3A_363 = vector.broadcast %cond3A_157 : f32 to vector<16xf32>
          %broadcast_in_dim3A_364 = vector.broadcast %cond3A_156 : f32 to vector<16xf32>
          %select_n3A_365 = arith.select %eq3A_362, %broadcast_in_dim3A_363, %broadcast_in_dim3A_364 : vector<16xi1>, vector<16xf32>
          %broadcast_in_dim3A_366 = vector.broadcast %squeeze3A_359 : f32 to vector<16xf32>
          %select_n3A_367 = arith.select %eq3A_357, %broadcast_in_dim3A_366, %select_n3A_365 : vector<16xi1>, vector<16xf32>
          %eq3A_368 = arith.constant 0 : i32
          %eq3A_369 = vector.broadcast %eq3A_368 : i32 to vector<16xi32>
          %eq3A_370 = arith.cmpi eq, %iota3A, %eq3A_369 : vector<16xi32>
          %slice3A_371 = vector.extract_strided_slice %gather3A_320 {offsets = [5], sizes = [1], strides = [1]} : vector<16xf32> to vector<1xf32>
          %squeeze3A_372 = vector.extract %slice3A_371[0] : f32 from vector<1xf32>
          %convert_element_type3A_373 = arith.fptosi %squeeze3A_372 : f32 to i32
          %eq3A_374 = arith.constant 1 : i32
          %eq3A_375 = vector.broadcast %eq3A_374 : i32 to vector<16xi32>
          %eq3A_376 = arith.cmpi eq, %iota3A, %eq3A_375 : vector<16xi32>
          %jit3A_377 = arith.constant 1 : i32
          %jit3A_378 = arith.constant 0 : i32
          %broadcast_in_dim3A_379 = vector.broadcast %jit3A_377 : i32 to vector<16xi32>
          %broadcast_in_dim3A_380 = vector.broadcast %jit3A_378 : i32 to vector<16xi32>
          %select_n3A_381 = arith.select %eq3A_376, %broadcast_in_dim3A_379, %broadcast_in_dim3A_380 : vector<16xi1>, vector<16xi32>
          %broadcast_in_dim3A_382 = vector.broadcast %convert_element_type3A_373 : i32 to vector<16xi32>
          %select_n3A_383 = arith.select %eq3A_370, %broadcast_in_dim3A_382, %select_n3A_381 : vector<16xi1>, vector<16xi32>
          %mul3A_384 = arith.constant 8 : i32
          %mul3A_385 = arith.muli %scan3A_186, %mul3A_384 : i32
          %add3A_386 = vector.broadcast %mul3A_385 : i32 to vector<16xi32>
          %add3A_387 = arith.addi %add3A_386, %iota3A : vector<16xi32>
          tpu.vector_store_idx %arg29[%add3A_387], %select_n3A_354 masked %lt3A_37 : memref<800xf32, #tpu.memory_space<vmem>>[vector<16xi32>], vector<16xf32>, vector<16xi1>
          %mul3A_388 = arith.constant 8 : i32
          %mul3A_389 = arith.muli %scan3A_186, %mul3A_388 : i32
          %add3A_390 = vector.broadcast %mul3A_389 : i32 to vector<16xi32>
          %add3A_391 = arith.addi %add3A_390, %iota3A : vector<16xi32>
          tpu.vector_store_idx %arg30[%add3A_391], %select_n3A_367 masked %lt3A_37 : memref<800xf32, #tpu.memory_space<vmem>>[vector<16xi32>], vector<16xf32>, vector<16xi1>
          %mul3A_392 = arith.constant 8 : i32
          %mul3A_393 = arith.muli %scan3A_186, %mul3A_392 : i32
          %add3A_394 = vector.broadcast %mul3A_393 : i32 to vector<16xi32>
          %add3A_395 = arith.addi %add3A_394, %iota3A : vector<16xi32>
          tpu.vector_store_idx %arg31[%add3A_395], %select_n3A_383 masked %lt3A_37 : memref<800xi32, #tpu.memory_space<vmem>>[vector<16xi32>], vector<16xi32>, vector<16xi1>
        } else {
        }
        %convert_element_type3A_292 = arith.extui %gt3A_288 : i1 to i32
        %eq3A_293 = arith.constant 0 : i32
        %eq3A_294 = arith.cmpi eq, %select_n3A_278, %eq3A_293 : i32
        %convert_element_type3A_295 = arith.extui %eq3A_294 : i1 to i32
        %mul3A_296 = arith.muli %convert_element_type3A_292, %convert_element_type3A_295 : i32
        %add3A_297 = arith.addi %scan3A_187, %mul3A_296 : i32
        %eq3A_298 = arith.constant 1 : i32
        %eq3A_299 = arith.cmpi eq, %select_n3A_278, %eq3A_298 : i32
        %convert_element_type3A_300 = arith.extui %eq3A_299 : i1 to i32
        %mul3A_301 = arith.muli %convert_element_type3A_292, %convert_element_type3A_300 : i32
        %add3A_302 = arith.addi %scan3A_188, %mul3A_301 : i32
        %eq3A_303 = arith.constant 2 : i32
        %eq3A_304 = arith.cmpi eq, %select_n3A_278, %eq3A_303 : i32
        %convert_element_type3A_305 = arith.extui %eq3A_304 : i1 to i32
        %mul3A_306 = arith.muli %convert_element_type3A_292, %convert_element_type3A_305 : i32
        %add3A_307 = arith.addi %scan3A_189, %mul3A_306 : i32
        %eq3A_308 = arith.constant 3 : i32
        %eq3A_309 = arith.cmpi eq, %select_n3A_278, %eq3A_308 : i32
        %convert_element_type3A_310 = arith.extui %eq3A_309 : i1 to i32
        %mul3A_311 = arith.muli %convert_element_type3A_292, %convert_element_type3A_310 : i32
        %add3A_312 = arith.addi %scan3A_190, %mul3A_311 : i32
        scf.yield %add3A_297, %add3A_302, %add3A_307, %add3A_312 : i32, i32, i32, i32
      }
      %scan3A_185 = arith.constant 100 : i32
      "tpu.region"() ({
        %run_scoped3A_186 = tpu.sem_alloc : memref<!tpu.dma_semaphore, #tpu.memory_space<semaphore_mem>>
        %dma_start3A = arith.constant 0 : i32
        %dma_start3A_187 = tpu.memref_slice %arg7[%add3A, %dma_start3A] : memref<8x800xf32, #tpu.memory_space<hbm>> -> memref<1x800xf32, #tpu.memory_space<hbm>>
        %dma_start3A_188 = tpu.memref_squeeze %dma_start3A_187 : memref<1x800xf32, #tpu.memory_space<hbm>> -> memref<800xf32, #tpu.memory_space<hbm>>
        %dma_start3A_189 = arith.constant 0 : i32
        %dma_start3A_190 = tpu.memref_slice %arg7[%add3A, %dma_start3A_189] : memref<8x800xf32, #tpu.memory_space<hbm>> -> memref<1x800xf32, #tpu.memory_space<hbm>>
        %dma_start3A_191 = tpu.memref_squeeze %dma_start3A_190 : memref<1x800xf32, #tpu.memory_space<hbm>> -> memref<800xf32, #tpu.memory_space<hbm>>
        tpu.enqueue_dma source(%arg29 : memref<800xf32, #tpu.memory_space<vmem>>) target(%dma_start3A_191 : memref<800xf32, #tpu.memory_space<hbm>>) target_semaphore(%run_scoped3A_186 : memref<!tpu.dma_semaphore, #tpu.memory_space<semaphore_mem>>)
        %dma_wait3A = arith.constant 0 : i32
        %dma_wait3A_192 = tpu.memref_slice %arg7[%add3A, %dma_wait3A] : memref<8x800xf32, #tpu.memory_space<hbm>> -> memref<1x800xf32, #tpu.memory_space<hbm>>
        %dma_wait3A_193 = tpu.memref_squeeze %dma_wait3A_192 : memref<1x800xf32, #tpu.memory_space<hbm>> -> memref<800xf32, #tpu.memory_space<hbm>>
        %dma_wait3A_194 = arith.constant 0 : i32
        %dma_wait3A_195 = tpu.memref_slice %arg7[%add3A, %dma_wait3A_194] : memref<8x800xf32, #tpu.memory_space<hbm>> -> memref<1x800xf32, #tpu.memory_space<hbm>>
        %dma_wait3A_196 = tpu.memref_squeeze %dma_wait3A_195 : memref<1x800xf32, #tpu.memory_space<hbm>> -> memref<800xf32, #tpu.memory_space<hbm>>
        tpu.wait_dma2 semaphore(%run_scoped3A_186 : memref<!tpu.dma_semaphore, #tpu.memory_space<semaphore_mem>>) src(%arg29 : memref<800xf32, #tpu.memory_space<vmem>>) dst(%dma_wait3A_196 : memref<800xf32, #tpu.memory_space<hbm>>)
        tpu.yield
      }) : () -> ()
      "tpu.region"() ({
        %run_scoped3A_186 = tpu.sem_alloc : memref<!tpu.dma_semaphore, #tpu.memory_space<semaphore_mem>>
        %dma_start3A = arith.constant 0 : i32
        %dma_start3A_187 = tpu.memref_slice %arg8[%add3A, %dma_start3A] : memref<8x800xf32, #tpu.memory_space<hbm>> -> memref<1x800xf32, #tpu.memory_space<hbm>>
        %dma_start3A_188 = tpu.memref_squeeze %dma_start3A_187 : memref<1x800xf32, #tpu.memory_space<hbm>> -> memref<800xf32, #tpu.memory_space<hbm>>
        %dma_start3A_189 = arith.constant 0 : i32
        %dma_start3A_190 = tpu.memref_slice %arg8[%add3A, %dma_start3A_189] : memref<8x800xf32, #tpu.memory_space<hbm>> -> memref<1x800xf32, #tpu.memory_space<hbm>>
        %dma_start3A_191 = tpu.memref_squeeze %dma_start3A_190 : memref<1x800xf32, #tpu.memory_space<hbm>> -> memref<800xf32, #tpu.memory_space<hbm>>
        tpu.enqueue_dma source(%arg30 : memref<800xf32, #tpu.memory_space<vmem>>) target(%dma_start3A_191 : memref<800xf32, #tpu.memory_space<hbm>>) target_semaphore(%run_scoped3A_186 : memref<!tpu.dma_semaphore, #tpu.memory_space<semaphore_mem>>)
        %dma_wait3A = arith.constant 0 : i32
        %dma_wait3A_192 = tpu.memref_slice %arg8[%add3A, %dma_wait3A] : memref<8x800xf32, #tpu.memory_space<hbm>> -> memref<1x800xf32, #tpu.memory_space<hbm>>
        %dma_wait3A_193 = tpu.memref_squeeze %dma_wait3A_192 : memref<1x800xf32, #tpu.memory_space<hbm>> -> memref<800xf32, #tpu.memory_space<hbm>>
        %dma_wait3A_194 = arith.constant 0 : i32
        %dma_wait3A_195 = tpu.memref_slice %arg8[%add3A, %dma_wait3A_194] : memref<8x800xf32, #tpu.memory_space<hbm>> -> memref<1x800xf32, #tpu.memory_space<hbm>>
        %dma_wait3A_196 = tpu.memref_squeeze %dma_wait3A_195 : memref<1x800xf32, #tpu.memory_space<hbm>> -> memref<800xf32, #tpu.memory_space<hbm>>
        tpu.wait_dma2 semaphore(%run_scoped3A_186 : memref<!tpu.dma_semaphore, #tpu.memory_space<semaphore_mem>>) src(%arg30 : memref<800xf32, #tpu.memory_space<vmem>>) dst(%dma_wait3A_196 : memref<800xf32, #tpu.memory_space<hbm>>)
        tpu.yield
      }) : () -> ()
      "tpu.region"() ({
        %run_scoped3A_186 = tpu.sem_alloc : memref<!tpu.dma_semaphore, #tpu.memory_space<semaphore_mem>>
        %dma_start3A = arith.constant 0 : i32
        %dma_start3A_187 = tpu.memref_slice %arg9[%add3A, %dma_start3A] : memref<8x800xi32, #tpu.memory_space<hbm>> -> memref<1x800xi32, #tpu.memory_space<hbm>>
        %dma_start3A_188 = tpu.memref_squeeze %dma_start3A_187 : memref<1x800xi32, #tpu.memory_space<hbm>> -> memref<800xi32, #tpu.memory_space<hbm>>
        %dma_start3A_189 = arith.constant 0 : i32
        %dma_start3A_190 = tpu.memref_slice %arg9[%add3A, %dma_start3A_189] : memref<8x800xi32, #tpu.memory_space<hbm>> -> memref<1x800xi32, #tpu.memory_space<hbm>>
        %dma_start3A_191 = tpu.memref_squeeze %dma_start3A_190 : memref<1x800xi32, #tpu.memory_space<hbm>> -> memref<800xi32, #tpu.memory_space<hbm>>
        tpu.enqueue_dma source(%arg31 : memref<800xi32, #tpu.memory_space<vmem>>) target(%dma_start3A_191 : memref<800xi32, #tpu.memory_space<hbm>>) target_semaphore(%run_scoped3A_186 : memref<!tpu.dma_semaphore, #tpu.memory_space<semaphore_mem>>)
        %dma_wait3A = arith.constant 0 : i32
        %dma_wait3A_192 = tpu.memref_slice %arg9[%add3A, %dma_wait3A] : memref<8x800xi32, #tpu.memory_space<hbm>> -> memref<1x800xi32, #tpu.memory_space<hbm>>
        %dma_wait3A_193 = tpu.memref_squeeze %dma_wait3A_192 : memref<1x800xi32, #tpu.memory_space<hbm>> -> memref<800xi32, #tpu.memory_space<hbm>>
        %dma_wait3A_194 = arith.constant 0 : i32
        %dma_wait3A_195 = tpu.memref_slice %arg9[%add3A, %dma_wait3A_194] : memref<8x800xi32, #tpu.memory_space<hbm>> -> memref<1x800xi32, #tpu.memory_space<hbm>>
        %dma_wait3A_196 = tpu.memref_squeeze %dma_wait3A_195 : memref<1x800xi32, #tpu.memory_space<hbm>> -> memref<800xi32, #tpu.memory_space<hbm>>
        tpu.wait_dma2 semaphore(%run_scoped3A_186 : memref<!tpu.dma_semaphore, #tpu.memory_space<semaphore_mem>>) src(%arg31 : memref<800xi32, #tpu.memory_space<vmem>>) dst(%dma_wait3A_196 : memref<800xi32, #tpu.memory_space<hbm>>)
        tpu.yield
      }) : () -> ()
    } else {
    }
    return
  }
}

module attributes {stable_mosaic.version = 14 : i64} {
  func.func @_prep_body(%arg0: i32, %arg1: memref<1x5000x81xf32, #tpu.memory_space<vmem>>, %arg2: memref<1x4x5000xf32, #tpu.memory_space<vmem>>, %arg3: memref<4x5000xf32, #tpu.memory_space<vmem>>, %arg4: memref<1x1x5000xf32, #tpu.memory_space<vmem>>, %arg5: memref<1x1x5000xi32, #tpu.memory_space<vmem>>, %arg6: memref<1x4x5000xf32, #tpu.memory_space<vmem>>, %arg7: memref<1x1x5000xi32, #tpu.memory_space<vmem>>, %arg8: memref<1x1x88xi32, #tpu.memory_space<vmem>>) attributes {dimension_semantics = [#tpu.dimension_semantics<arbitrary>], iteration_bounds = array<i64: 8>, scalar_prefetch = 0 : i64, scratch_operands = 0 : i64, tpu.core_type = #tpu.core_type<tc>, window_params = [{transform_indices = @transform_0, window_bounds = array<i64: 1, 5000, 81>}, {transform_indices = @transform_1, window_bounds = array<i64: 1, 4, 5000>}, {pipeline_mode = #tpu.pipeline_mode<synchronous>, transform_indices = @transform_2, window_bounds = array<i64: 4, 5000>}, {transform_indices = @transform_3, window_bounds = array<i64: 1, 1, 5000>}, {transform_indices = @transform_4, window_bounds = array<i64: 1, 1, 5000>}, {transform_indices = @transform_5, window_bounds = array<i64: 1, 4, 5000>}, {transform_indices = @transform_6, window_bounds = array<i64: 1, 1, 5000>}, {transform_indices = @transform_7, window_bounds = array<i64: 1, 1, 88>}]} {
    %get3A = arith.constant 0 : index
    %get3A_0 = arith.constant 0 : index
    %get3A_1 = arith.constant 0 : index
    %get3A_2 = vector.load %arg1[%get3A, %get3A_0, %get3A_1] : memref<1x5000x81xf32, #tpu.memory_space<vmem>>, vector<1x5000x81xf32>
    %get3A_3 = vector.shape_cast %get3A_2 : vector<1x5000x81xf32> to vector<5000x81xf32>
    %reduce_max3A = arith.constant dense<0xFF800000> : vector<5000xf32>
    %reduce_max3A_4 = vector.multi_reduction <maximumf>, %get3A_3, %reduce_max3A [1] : vector<5000x81xf32> to vector<5000xf32>
    %broadcast_in_dim3A = vector.shape_cast %reduce_max3A_4 : vector<5000xf32> to vector<5000x1xf32>
    %sub3A = vector.broadcast %broadcast_in_dim3A : vector<5000x1xf32> to vector<5000x81xf32>
    %sub3A_5 = arith.subf %get3A_3, %sub3A : vector<5000x81xf32>
    %exp3A = math.exp %sub3A_5 : vector<5000x81xf32>
    %reduce_sum3A = arith.constant dense<0.000000e+00> : vector<5000xf32>
    %reduce_sum3A_6 = vector.multi_reduction <add>, %exp3A, %reduce_sum3A [1] : vector<5000x81xf32> to vector<5000xf32>
    %div3A = arith.constant 1.000000e+00 : f32
    %div3A_7 = vector.broadcast %div3A : f32 to vector<5000xf32>
    %div3A_8 = arith.divf %div3A_7, %reduce_sum3A_6 : vector<5000xf32>
    %iota3A = tpu.iota {dimensions = array<i32: 1>} : vector<5000x81xi32>
    %eq3A = vector.broadcast %broadcast_in_dim3A : vector<5000x1xf32> to vector<5000x81xf32>
    %eq3A_9 = arith.cmpf oeq, %get3A_3, %eq3A : vector<5000x81xf32>
    %jit3A = arith.constant 81 : i32
    %broadcast_in_dim3A_10 = vector.broadcast %jit3A : i32 to vector<5000x81xi32>
    %select_n3A = arith.select %eq3A_9, %iota3A, %broadcast_in_dim3A_10 : vector<5000x81xi1>, vector<5000x81xi32>
    %reduce_min3A = arith.constant dense<2147483647> : vector<5000xi32>
    %reduce_min3A_11 = vector.multi_reduction <minsi>, %select_n3A, %reduce_min3A [1] : vector<5000x81xi32> to vector<5000xi32>
    %gt3A = arith.constant 0 : i32
    %gt3A_12 = vector.broadcast %gt3A : i32 to vector<5000xi32>
    %gt3A_13 = arith.cmpi sgt, %reduce_min3A_11, %gt3A_12 : vector<5000xi32>
    %ge3A = arith.constant 5.000000e-02 : f32
    %ge3A_14 = vector.broadcast %ge3A : f32 to vector<5000xf32>
    %ge3A_15 = arith.cmpf oge, %div3A_8, %ge3A_14 : vector<5000xf32>
    %and3A = arith.andi %gt3A_13, %ge3A_15 : vector<5000xi1>
    %jit3A_16 = arith.constant 0 : i32
    %broadcast_in_dim3A_17 = vector.broadcast %jit3A_16 : i32 to vector<5000xi32>
    %select_n3A_18 = arith.select %and3A, %reduce_min3A_11, %broadcast_in_dim3A_17 : vector<5000xi1>, vector<5000xi32>
    %swap3A = arith.constant 0 : index
    %swap3A_19 = arith.constant 0 : index
    %swap3A_20 = arith.constant 0 : index
    %swap3A_21 = vector.load %arg4[%swap3A, %swap3A_19, %swap3A_20] : memref<1x1x5000xf32, #tpu.memory_space<vmem>>, vector<1x1x5000xf32>
    %swap3A_22 = vector.shape_cast %swap3A_21 : vector<1x1x5000xf32> to vector<5000xf32>
    %swap3A_23 = vector.shape_cast %div3A_8 : vector<5000xf32> to vector<1x1x5000xf32>
    tpu.vector_store %arg4[%swap3A, %swap3A_19, %swap3A_20], %swap3A_23 {strides = array<i32>} : memref<1x1x5000xf32, #tpu.memory_space<vmem>>, vector<1x1x5000xf32>,
    %swap3A_24 = arith.constant 0 : index
    %swap3A_25 = arith.constant 0 : index
    %swap3A_26 = arith.constant 0 : index
    %swap3A_27 = vector.load %arg5[%swap3A_24, %swap3A_25, %swap3A_26] : memref<1x1x5000xi32, #tpu.memory_space<vmem>>, vector<1x1x5000xi32>
    %swap3A_28 = vector.shape_cast %swap3A_27 : vector<1x1x5000xi32> to vector<5000xi32>
    %swap3A_29 = vector.shape_cast %select_n3A_18 : vector<5000xi32> to vector<1x1x5000xi32>
    tpu.vector_store %arg5[%swap3A_24, %swap3A_25, %swap3A_26], %swap3A_29 {strides = array<i32>} : memref<1x1x5000xi32, #tpu.memory_space<vmem>>, vector<1x1x5000xi32>,
    %iota3A_30 = tpu.iota {dimensions = array<i32: 0>} : vector<250x250xi32>
    %iota3A_31 = tpu.iota {dimensions = array<i32: 1>} : vector<250x250xi32>
    %gt3A_32 = arith.cmpi sgt, %iota3A_30, %iota3A_31 : vector<250x250xi32>
    %convert_element_type3A = arith.extui %gt3A_32 : vector<250x250xi1> to vector<250x250xi32>
    %convert_element_type3A_33 = arith.sitofp %convert_element_type3A : vector<250x250xi32> to vector<250x250xf32>
    %convert_element_type3A_34 = arith.truncf %convert_element_type3A_33 : vector<250x250xf32> to vector<250x250xbf16>
    %iota3A_35 = tpu.iota {dimensions = array<i32: 1>} : vector<250x81xi32>
    %broadcast_in_dim3A_36 = arith.constant 0.000000e+00 : f32
    %broadcast_in_dim3A_37 = vector.broadcast %broadcast_in_dim3A_36 : f32 to vector<81xf32>
    %slice3A = vector.extract_strided_slice %select_n3A_18 {offsets = [0], sizes = [250], strides = [1]} : vector<5000xi32> to vector<250xi32>
    %broadcast_in_dim3A_38 = vector.shape_cast %slice3A : vector<250xi32> to vector<250x1xi32>
    %eq3A_39 = vector.broadcast %broadcast_in_dim3A_38 : vector<250x1xi32> to vector<250x81xi32>
    %eq3A_40 = arith.cmpi eq, %eq3A_39, %iota3A_35 : vector<250x81xi32>
    %convert_element_type3A_41 = arith.extui %eq3A_40 : vector<250x81xi1> to vector<250x81xi32>
    %convert_element_type3A_42 = arith.sitofp %convert_element_type3A_41 : vector<250x81xi32> to vector<250x81xf32>
    %convert_element_type3A_43 = arith.extui %eq3A_40 : vector<250x81xi1> to vector<250x81xi32>
    %convert_element_type3A_44 = arith.sitofp %convert_element_type3A_43 : vector<250x81xi32> to vector<250x81xf32>
    %convert_element_type3A_45 = arith.truncf %convert_element_type3A_44 : vector<250x81xf32> to vector<250x81xbf16>
    %dot_general3A = arith.constant dense<0.000000e+00> : vector<250x81xf32>
    %dot_general3A_46 = tpu.matmul %convert_element_type3A_34, %convert_element_type3A_45, %dot_general3A {dimension_numbers = #tpu.dot_dimension_numbers<[1], [0], [0], [1], [0, 0, 1, 1], [], []>, transpose_lhs_hint = false} : vector<250x250xbf16>, vector<250x81xbf16>, vector<250x81xf32> -> vector<250x81xf32>
    %mul3A = arith.mulf %dot_general3A_46, %convert_element_type3A_42 : vector<250x81xf32>
    %reduce_sum3A_47 = arith.constant dense<0.000000e+00> : vector<250xf32>
    %reduce_sum3A_48 = vector.multi_reduction <add>, %mul3A, %reduce_sum3A_47 [1] : vector<250x81xf32> to vector<250xf32>
    %broadcast_in_dim3A_49 = vector.shape_cast %broadcast_in_dim3A_37 : vector<81xf32> to vector<1x81xf32>
    %mul3A_50 = vector.broadcast %broadcast_in_dim3A_49 : vector<1x81xf32> to vector<250x81xf32>
    %mul3A_51 = arith.mulf %convert_element_type3A_42, %mul3A_50 : vector<250x81xf32>
    %reduce_sum3A_52 = arith.constant dense<0.000000e+00> : vector<250xf32>
    %reduce_sum3A_53 = vector.multi_reduction <add>, %mul3A_51, %reduce_sum3A_52 [1] : vector<250x81xf32> to vector<250xf32>
    %add3A = arith.addf %reduce_sum3A_53, %reduce_sum3A_48 : vector<250xf32>
    %convert_element_type3A_54 = arith.fptosi %add3A : vector<250xf32> to vector<250xi32>
    %swap3A_55 = arith.constant 0 : index
    %swap3A_56 = arith.constant 0 : index
    %swap3A_57 = arith.constant 0 : index
    %swap3A_58 = vector.load %arg7[%swap3A_55, %swap3A_56, %swap3A_57] : memref<1x1x5000xi32, #tpu.memory_space<vmem>>, vector<1x1x250xi32>
    %swap3A_59 = vector.shape_cast %swap3A_58 : vector<1x1x250xi32> to vector<250xi32>
    %swap3A_60 = vector.shape_cast %convert_element_type3A_54 : vector<250xi32> to vector<1x1x250xi32>
    tpu.vector_store %arg7[%swap3A_55, %swap3A_56, %swap3A_57], %swap3A_60 {strides = array<i32>} : memref<1x1x5000xi32, #tpu.memory_space<vmem>>, vector<1x1x250xi32>,
    %reduce_sum3A_61 = arith.constant dense<0.000000e+00> : vector<81xf32>
    %reduce_sum3A_62 = vector.multi_reduction <add>, %convert_element_type3A_42, %reduce_sum3A_61 [0] : vector<250x81xf32> to vector<81xf32>
    %add3A_63 = arith.addf %broadcast_in_dim3A_37, %reduce_sum3A_62 : vector<81xf32>
    %slice3A_64 = vector.extract_strided_slice %select_n3A_18 {offsets = [250], sizes = [250], strides = [1]} : vector<5000xi32> to vector<250xi32>
    %broadcast_in_dim3A_65 = vector.shape_cast %slice3A_64 : vector<250xi32> to vector<250x1xi32>
    %eq3A_66 = vector.broadcast %broadcast_in_dim3A_65 : vector<250x1xi32> to vector<250x81xi32>
    %eq3A_67 = arith.cmpi eq, %eq3A_66, %iota3A_35 : vector<250x81xi32>
    %convert_element_type3A_68 = arith.extui %eq3A_67 : vector<250x81xi1> to vector<250x81xi32>
    %convert_element_type3A_69 = arith.sitofp %convert_element_type3A_68 : vector<250x81xi32> to vector<250x81xf32>
    %convert_element_type3A_70 = arith.extui %eq3A_67 : vector<250x81xi1> to vector<250x81xi32>
    %convert_element_type3A_71 = arith.sitofp %convert_element_type3A_70 : vector<250x81xi32> to vector<250x81xf32>
    %convert_element_type3A_72 = arith.truncf %convert_element_type3A_71 : vector<250x81xf32> to vector<250x81xbf16>
    %dot_general3A_73 = arith.constant dense<0.000000e+00> : vector<250x81xf32>
    %dot_general3A_74 = tpu.matmul %convert_element_type3A_34, %convert_element_type3A_72, %dot_general3A_73 {dimension_numbers = #tpu.dot_dimension_numbers<[1], [0], [0], [1], [0, 0, 1, 1], [], []>, transpose_lhs_hint = false} : vector<250x250xbf16>, vector<250x81xbf16>, vector<250x81xf32> -> vector<250x81xf32>
    %mul3A_75 = arith.mulf %dot_general3A_74, %convert_element_type3A_69 : vector<250x81xf32>
    %reduce_sum3A_76 = arith.constant dense<0.000000e+00> : vector<250xf32>
    %reduce_sum3A_77 = vector.multi_reduction <add>, %mul3A_75, %reduce_sum3A_76 [1] : vector<250x81xf32> to vector<250xf32>
    %broadcast_in_dim3A_78 = vector.shape_cast %add3A_63 : vector<81xf32> to vector<1x81xf32>
    %mul3A_79 = vector.broadcast %broadcast_in_dim3A_78 : vector<1x81xf32> to vector<250x81xf32>
    %mul3A_80 = arith.mulf %convert_element_type3A_69, %mul3A_79 : vector<250x81xf32>
    %reduce_sum3A_81 = arith.constant dense<0.000000e+00> : vector<250xf32>
    %reduce_sum3A_82 = vector.multi_reduction <add>, %mul3A_80, %reduce_sum3A_81 [1] : vector<250x81xf32> to vector<250xf32>
    %add3A_83 = arith.addf %reduce_sum3A_82, %reduce_sum3A_77 : vector<250xf32>
    %convert_element_type3A_84 = arith.fptosi %add3A_83 : vector<250xf32> to vector<250xi32>
    %swap3A_85 = arith.constant 0 : index
    %swap3A_86 = arith.constant 0 : index
    %swap3A_87 = arith.constant 250 : index
    %swap3A_88 = vector.load %arg7[%swap3A_85, %swap3A_86, %swap3A_87] : memref<1x1x5000xi32, #tpu.memory_space<vmem>>, vector<1x1x250xi32>
    %swap3A_89 = vector.shape_cast %swap3A_88 : vector<1x1x250xi32> to vector<250xi32>
    %swap3A_90 = vector.shape_cast %convert_element_type3A_84 : vector<250xi32> to vector<1x1x250xi32>
    tpu.vector_store %arg7[%swap3A_85, %swap3A_86, %swap3A_87], %swap3A_90 {strides = array<i32>} : memref<1x1x5000xi32, #tpu.memory_space<vmem>>, vector<1x1x250xi32>,
    %reduce_sum3A_91 = arith.constant dense<0.000000e+00> : vector<81xf32>
    %reduce_sum3A_92 = vector.multi_reduction <add>, %convert_element_type3A_69, %reduce_sum3A_91 [0] : vector<250x81xf32> to vector<81xf32>
    %add3A_93 = arith.addf %add3A_63, %reduce_sum3A_92 : vector<81xf32>
    %slice3A_94 = vector.extract_strided_slice %select_n3A_18 {offsets = [500], sizes = [250], strides = [1]} : vector<5000xi32> to vector<250xi32>
    %broadcast_in_dim3A_95 = vector.shape_cast %slice3A_94 : vector<250xi32> to vector<250x1xi32>
    %eq3A_96 = vector.broadcast %broadcast_in_dim3A_95 : vector<250x1xi32> to vector<250x81xi32>
    %eq3A_97 = arith.cmpi eq, %eq3A_96, %iota3A_35 : vector<250x81xi32>
    %convert_element_type3A_98 = arith.extui %eq3A_97 : vector<250x81xi1> to vector<250x81xi32>
    %convert_element_type3A_99 = arith.sitofp %convert_element_type3A_98 : vector<250x81xi32> to vector<250x81xf32>
    %convert_element_type3A_100 = arith.extui %eq3A_97 : vector<250x81xi1> to vector<250x81xi32>
    %convert_element_type3A_101 = arith.sitofp %convert_element_type3A_100 : vector<250x81xi32> to vector<250x81xf32>
    %convert_element_type3A_102 = arith.truncf %convert_element_type3A_101 : vector<250x81xf32> to vector<250x81xbf16>
    %dot_general3A_103 = arith.constant dense<0.000000e+00> : vector<250x81xf32>
    %dot_general3A_104 = tpu.matmul %convert_element_type3A_34, %convert_element_type3A_102, %dot_general3A_103 {dimension_numbers = #tpu.dot_dimension_numbers<[1], [0], [0], [1], [0, 0, 1, 1], [], []>, transpose_lhs_hint = false} : vector<250x250xbf16>, vector<250x81xbf16>, vector<250x81xf32> -> vector<250x81xf32>
    %mul3A_105 = arith.mulf %dot_general3A_104, %convert_element_type3A_99 : vector<250x81xf32>
    %reduce_sum3A_106 = arith.constant dense<0.000000e+00> : vector<250xf32>
    %reduce_sum3A_107 = vector.multi_reduction <add>, %mul3A_105, %reduce_sum3A_106 [1] : vector<250x81xf32> to vector<250xf32>
    %broadcast_in_dim3A_108 = vector.shape_cast %add3A_93 : vector<81xf32> to vector<1x81xf32>
    %mul3A_109 = vector.broadcast %broadcast_in_dim3A_108 : vector<1x81xf32> to vector<250x81xf32>
    %mul3A_110 = arith.mulf %convert_element_type3A_99, %mul3A_109 : vector<250x81xf32>
    %reduce_sum3A_111 = arith.constant dense<0.000000e+00> : vector<250xf32>
    %reduce_sum3A_112 = vector.multi_reduction <add>, %mul3A_110, %reduce_sum3A_111 [1] : vector<250x81xf32> to vector<250xf32>
    %add3A_113 = arith.addf %reduce_sum3A_112, %reduce_sum3A_107 : vector<250xf32>
    %convert_element_type3A_114 = arith.fptosi %add3A_113 : vector<250xf32> to vector<250xi32>
    %swap3A_115 = arith.constant 0 : index
    %swap3A_116 = arith.constant 0 : index
    %swap3A_117 = arith.constant 500 : index
    %swap3A_118 = vector.load %arg7[%swap3A_115, %swap3A_116, %swap3A_117] : memref<1x1x5000xi32, #tpu.memory_space<vmem>>, vector<1x1x250xi32>
    %swap3A_119 = vector.shape_cast %swap3A_118 : vector<1x1x250xi32> to vector<250xi32>
    %swap3A_120 = vector.shape_cast %convert_element_type3A_114 : vector<250xi32> to vector<1x1x250xi32>
    tpu.vector_store %arg7[%swap3A_115, %swap3A_116, %swap3A_117], %swap3A_120 {strides = array<i32>} : memref<1x1x5000xi32, #tpu.memory_space<vmem>>, vector<1x1x250xi32>,
    %reduce_sum3A_121 = arith.constant dense<0.000000e+00> : vector<81xf32>
    %reduce_sum3A_122 = vector.multi_reduction <add>, %convert_element_type3A_99, %reduce_sum3A_121 [0] : vector<250x81xf32> to vector<81xf32>
    %add3A_123 = arith.addf %add3A_93, %reduce_sum3A_122 : vector<81xf32>
    %slice3A_124 = vector.extract_strided_slice %select_n3A_18 {offsets = [750], sizes = [250], strides = [1]} : vector<5000xi32> to vector<250xi32>
    %broadcast_in_dim3A_125 = vector.shape_cast %slice3A_124 : vector<250xi32> to vector<250x1xi32>
    %eq3A_126 = vector.broadcast %broadcast_in_dim3A_125 : vector<250x1xi32> to vector<250x81xi32>
    %eq3A_127 = arith.cmpi eq, %eq3A_126, %iota3A_35 : vector<250x81xi32>
    %convert_element_type3A_128 = arith.extui %eq3A_127 : vector<250x81xi1> to vector<250x81xi32>
    %convert_element_type3A_129 = arith.sitofp %convert_element_type3A_128 : vector<250x81xi32> to vector<250x81xf32>
    %convert_element_type3A_130 = arith.extui %eq3A_127 : vector<250x81xi1> to vector<250x81xi32>
    %convert_element_type3A_131 = arith.sitofp %convert_element_type3A_130 : vector<250x81xi32> to vector<250x81xf32>
    %convert_element_type3A_132 = arith.truncf %convert_element_type3A_131 : vector<250x81xf32> to vector<250x81xbf16>
    %dot_general3A_133 = arith.constant dense<0.000000e+00> : vector<250x81xf32>
    %dot_general3A_134 = tpu.matmul %convert_element_type3A_34, %convert_element_type3A_132, %dot_general3A_133 {dimension_numbers = #tpu.dot_dimension_numbers<[1], [0], [0], [1], [0, 0, 1, 1], [], []>, transpose_lhs_hint = false} : vector<250x250xbf16>, vector<250x81xbf16>, vector<250x81xf32> -> vector<250x81xf32>
    %mul3A_135 = arith.mulf %dot_general3A_134, %convert_element_type3A_129 : vector<250x81xf32>
    %reduce_sum3A_136 = arith.constant dense<0.000000e+00> : vector<250xf32>
    %reduce_sum3A_137 = vector.multi_reduction <add>, %mul3A_135, %reduce_sum3A_136 [1] : vector<250x81xf32> to vector<250xf32>
    %broadcast_in_dim3A_138 = vector.shape_cast %add3A_123 : vector<81xf32> to vector<1x81xf32>
    %mul3A_139 = vector.broadcast %broadcast_in_dim3A_138 : vector<1x81xf32> to vector<250x81xf32>
    %mul3A_140 = arith.mulf %convert_element_type3A_129, %mul3A_139 : vector<250x81xf32>
    %reduce_sum3A_141 = arith.constant dense<0.000000e+00> : vector<250xf32>
    %reduce_sum3A_142 = vector.multi_reduction <add>, %mul3A_140, %reduce_sum3A_141 [1] : vector<250x81xf32> to vector<250xf32>
    %add3A_143 = arith.addf %reduce_sum3A_142, %reduce_sum3A_137 : vector<250xf32>
    %convert_element_type3A_144 = arith.fptosi %add3A_143 : vector<250xf32> to vector<250xi32>
    %swap3A_145 = arith.constant 0 : index
    %swap3A_146 = arith.constant 0 : index
    %swap3A_147 = arith.constant 750 : index
    %swap3A_148 = vector.load %arg7[%swap3A_145, %swap3A_146, %swap3A_147] : memref<1x1x5000xi32, #tpu.memory_space<vmem>>, vector<1x1x250xi32>
    %swap3A_149 = vector.shape_cast %swap3A_148 : vector<1x1x250xi32> to vector<250xi32>
    %swap3A_150 = vector.shape_cast %convert_element_type3A_144 : vector<250xi32> to vector<1x1x250xi32>
    tpu.vector_store %arg7[%swap3A_145, %swap3A_146, %swap3A_147], %swap3A_150 {strides = array<i32>} : memref<1x1x5000xi32, #tpu.memory_space<vmem>>, vector<1x1x250xi32>,
    %reduce_sum3A_151 = arith.constant dense<0.000000e+00> : vector<81xf32>
    %reduce_sum3A_152 = vector.multi_reduction <add>, %convert_element_type3A_129, %reduce_sum3A_151 [0] : vector<250x81xf32> to vector<81xf32>
    %add3A_153 = arith.addf %add3A_123, %reduce_sum3A_152 : vector<81xf32>
    %slice3A_154 = vector.extract_strided_slice %select_n3A_18 {offsets = [1000], sizes = [250], strides = [1]} : vector<5000xi32> to vector<250xi32>
    %broadcast_in_dim3A_155 = vector.shape_cast %slice3A_154 : vector<250xi32> to vector<250x1xi32>
    %eq3A_156 = vector.broadcast %broadcast_in_dim3A_155 : vector<250x1xi32> to vector<250x81xi32>
    %eq3A_157 = arith.cmpi eq, %eq3A_156, %iota3A_35 : vector<250x81xi32>
    %convert_element_type3A_158 = arith.extui %eq3A_157 : vector<250x81xi1> to vector<250x81xi32>
    %convert_element_type3A_159 = arith.sitofp %convert_element_type3A_158 : vector<250x81xi32> to vector<250x81xf32>
    %convert_element_type3A_160 = arith.extui %eq3A_157 : vector<250x81xi1> to vector<250x81xi32>
    %convert_element_type3A_161 = arith.sitofp %convert_element_type3A_160 : vector<250x81xi32> to vector<250x81xf32>
    %convert_element_type3A_162 = arith.truncf %convert_element_type3A_161 : vector<250x81xf32> to vector<250x81xbf16>
    %dot_general3A_163 = arith.constant dense<0.000000e+00> : vector<250x81xf32>
    %dot_general3A_164 = tpu.matmul %convert_element_type3A_34, %convert_element_type3A_162, %dot_general3A_163 {dimension_numbers = #tpu.dot_dimension_numbers<[1], [0], [0], [1], [0, 0, 1, 1], [], []>, transpose_lhs_hint = false} : vector<250x250xbf16>, vector<250x81xbf16>, vector<250x81xf32> -> vector<250x81xf32>
    %mul3A_165 = arith.mulf %dot_general3A_164, %convert_element_type3A_159 : vector<250x81xf32>
    %reduce_sum3A_166 = arith.constant dense<0.000000e+00> : vector<250xf32>
    %reduce_sum3A_167 = vector.multi_reduction <add>, %mul3A_165, %reduce_sum3A_166 [1] : vector<250x81xf32> to vector<250xf32>
    %broadcast_in_dim3A_168 = vector.shape_cast %add3A_153 : vector<81xf32> to vector<1x81xf32>
    %mul3A_169 = vector.broadcast %broadcast_in_dim3A_168 : vector<1x81xf32> to vector<250x81xf32>
    %mul3A_170 = arith.mulf %convert_element_type3A_159, %mul3A_169 : vector<250x81xf32>
    %reduce_sum3A_171 = arith.constant dense<0.000000e+00> : vector<250xf32>
    %reduce_sum3A_172 = vector.multi_reduction <add>, %mul3A_170, %reduce_sum3A_171 [1] : vector<250x81xf32> to vector<250xf32>
    %add3A_173 = arith.addf %reduce_sum3A_172, %reduce_sum3A_167 : vector<250xf32>
    %convert_element_type3A_174 = arith.fptosi %add3A_173 : vector<250xf32> to vector<250xi32>
    %swap3A_175 = arith.constant 0 : index
    %swap3A_176 = arith.constant 0 : index
    %swap3A_177 = arith.constant 1000 : index
    %swap3A_178 = vector.load %arg7[%swap3A_175, %swap3A_176, %swap3A_177] : memref<1x1x5000xi32, #tpu.memory_space<vmem>>, vector<1x1x250xi32>
    %swap3A_179 = vector.shape_cast %swap3A_178 : vector<1x1x250xi32> to vector<250xi32>
    %swap3A_180 = vector.shape_cast %convert_element_type3A_174 : vector<250xi32> to vector<1x1x250xi32>
    tpu.vector_store %arg7[%swap3A_175, %swap3A_176, %swap3A_177], %swap3A_180 {strides = array<i32>} : memref<1x1x5000xi32, #tpu.memory_space<vmem>>, vector<1x1x250xi32>,
    %reduce_sum3A_181 = arith.constant dense<0.000000e+00> : vector<81xf32>
    %reduce_sum3A_182 = vector.multi_reduction <add>, %convert_element_type3A_159, %reduce_sum3A_181 [0] : vector<250x81xf32> to vector<81xf32>
    %add3A_183 = arith.addf %add3A_153, %reduce_sum3A_182 : vector<81xf32>
    %slice3A_184 = vector.extract_strided_slice %select_n3A_18 {offsets = [1250], sizes = [250], strides = [1]} : vector<5000xi32> to vector<250xi32>
    %broadcast_in_dim3A_185 = vector.shape_cast %slice3A_184 : vector<250xi32> to vector<250x1xi32>
    %eq3A_186 = vector.broadcast %broadcast_in_dim3A_185 : vector<250x1xi32> to vector<250x81xi32>
    %eq3A_187 = arith.cmpi eq, %eq3A_186, %iota3A_35 : vector<250x81xi32>
    %convert_element_type3A_188 = arith.extui %eq3A_187 : vector<250x81xi1> to vector<250x81xi32>
    %convert_element_type3A_189 = arith.sitofp %convert_element_type3A_188 : vector<250x81xi32> to vector<250x81xf32>
    %convert_element_type3A_190 = arith.extui %eq3A_187 : vector<250x81xi1> to vector<250x81xi32>
    %convert_element_type3A_191 = arith.sitofp %convert_element_type3A_190 : vector<250x81xi32> to vector<250x81xf32>
    %convert_element_type3A_192 = arith.truncf %convert_element_type3A_191 : vector<250x81xf32> to vector<250x81xbf16>
    %dot_general3A_193 = arith.constant dense<0.000000e+00> : vector<250x81xf32>
    %dot_general3A_194 = tpu.matmul %convert_element_type3A_34, %convert_element_type3A_192, %dot_general3A_193 {dimension_numbers = #tpu.dot_dimension_numbers<[1], [0], [0], [1], [0, 0, 1, 1], [], []>, transpose_lhs_hint = false} : vector<250x250xbf16>, vector<250x81xbf16>, vector<250x81xf32> -> vector<250x81xf32>
    %mul3A_195 = arith.mulf %dot_general3A_194, %convert_element_type3A_189 : vector<250x81xf32>
    %reduce_sum3A_196 = arith.constant dense<0.000000e+00> : vector<250xf32>
    %reduce_sum3A_197 = vector.multi_reduction <add>, %mul3A_195, %reduce_sum3A_196 [1] : vector<250x81xf32> to vector<250xf32>
    %broadcast_in_dim3A_198 = vector.shape_cast %add3A_183 : vector<81xf32> to vector<1x81xf32>
    %mul3A_199 = vector.broadcast %broadcast_in_dim3A_198 : vector<1x81xf32> to vector<250x81xf32>
    %mul3A_200 = arith.mulf %convert_element_type3A_189, %mul3A_199 : vector<250x81xf32>
    %reduce_sum3A_201 = arith.constant dense<0.000000e+00> : vector<250xf32>
    %reduce_sum3A_202 = vector.multi_reduction <add>, %mul3A_200, %reduce_sum3A_201 [1] : vector<250x81xf32> to vector<250xf32>
    %add3A_203 = arith.addf %reduce_sum3A_202, %reduce_sum3A_197 : vector<250xf32>
    %convert_element_type3A_204 = arith.fptosi %add3A_203 : vector<250xf32> to vector<250xi32>
    %swap3A_205 = arith.constant 0 : index
    %swap3A_206 = arith.constant 0 : index
    %swap3A_207 = arith.constant 1250 : index
    %swap3A_208 = vector.load %arg7[%swap3A_205, %swap3A_206, %swap3A_207] : memref<1x1x5000xi32, #tpu.memory_space<vmem>>, vector<1x1x250xi32>
    %swap3A_209 = vector.shape_cast %swap3A_208 : vector<1x1x250xi32> to vector<250xi32>
    %swap3A_210 = vector.shape_cast %convert_element_type3A_204 : vector<250xi32> to vector<1x1x250xi32>
    tpu.vector_store %arg7[%swap3A_205, %swap3A_206, %swap3A_207], %swap3A_210 {strides = array<i32>} : memref<1x1x5000xi32, #tpu.memory_space<vmem>>, vector<1x1x250xi32>,
    %reduce_sum3A_211 = arith.constant dense<0.000000e+00> : vector<81xf32>
    %reduce_sum3A_212 = vector.multi_reduction <add>, %convert_element_type3A_189, %reduce_sum3A_211 [0] : vector<250x81xf32> to vector<81xf32>
    %add3A_213 = arith.addf %add3A_183, %reduce_sum3A_212 : vector<81xf32>
    %slice3A_214 = vector.extract_strided_slice %select_n3A_18 {offsets = [1500], sizes = [250], strides = [1]} : vector<5000xi32> to vector<250xi32>
    %broadcast_in_dim3A_215 = vector.shape_cast %slice3A_214 : vector<250xi32> to vector<250x1xi32>
    %eq3A_216 = vector.broadcast %broadcast_in_dim3A_215 : vector<250x1xi32> to vector<250x81xi32>
    %eq3A_217 = arith.cmpi eq, %eq3A_216, %iota3A_35 : vector<250x81xi32>
    %convert_element_type3A_218 = arith.extui %eq3A_217 : vector<250x81xi1> to vector<250x81xi32>
    %convert_element_type3A_219 = arith.sitofp %convert_element_type3A_218 : vector<250x81xi32> to vector<250x81xf32>
    %convert_element_type3A_220 = arith.extui %eq3A_217 : vector<250x81xi1> to vector<250x81xi32>
    %convert_element_type3A_221 = arith.sitofp %convert_element_type3A_220 : vector<250x81xi32> to vector<250x81xf32>
    %convert_element_type3A_222 = arith.truncf %convert_element_type3A_221 : vector<250x81xf32> to vector<250x81xbf16>
    %dot_general3A_223 = arith.constant dense<0.000000e+00> : vector<250x81xf32>
    %dot_general3A_224 = tpu.matmul %convert_element_type3A_34, %convert_element_type3A_222, %dot_general3A_223 {dimension_numbers = #tpu.dot_dimension_numbers<[1], [0], [0], [1], [0, 0, 1, 1], [], []>, transpose_lhs_hint = false} : vector<250x250xbf16>, vector<250x81xbf16>, vector<250x81xf32> -> vector<250x81xf32>
    %mul3A_225 = arith.mulf %dot_general3A_224, %convert_element_type3A_219 : vector<250x81xf32>
    %reduce_sum3A_226 = arith.constant dense<0.000000e+00> : vector<250xf32>
    %reduce_sum3A_227 = vector.multi_reduction <add>, %mul3A_225, %reduce_sum3A_226 [1] : vector<250x81xf32> to vector<250xf32>
    %broadcast_in_dim3A_228 = vector.shape_cast %add3A_213 : vector<81xf32> to vector<1x81xf32>
    %mul3A_229 = vector.broadcast %broadcast_in_dim3A_228 : vector<1x81xf32> to vector<250x81xf32>
    %mul3A_230 = arith.mulf %convert_element_type3A_219, %mul3A_229 : vector<250x81xf32>
    %reduce_sum3A_231 = arith.constant dense<0.000000e+00> : vector<250xf32>
    %reduce_sum3A_232 = vector.multi_reduction <add>, %mul3A_230, %reduce_sum3A_231 [1] : vector<250x81xf32> to vector<250xf32>
    %add3A_233 = arith.addf %reduce_sum3A_232, %reduce_sum3A_227 : vector<250xf32>
    %convert_element_type3A_234 = arith.fptosi %add3A_233 : vector<250xf32> to vector<250xi32>
    %swap3A_235 = arith.constant 0 : index
    %swap3A_236 = arith.constant 0 : index
    %swap3A_237 = arith.constant 1500 : index
    %swap3A_238 = vector.load %arg7[%swap3A_235, %swap3A_236, %swap3A_237] : memref<1x1x5000xi32, #tpu.memory_space<vmem>>, vector<1x1x250xi32>
    %swap3A_239 = vector.shape_cast %swap3A_238 : vector<1x1x250xi32> to vector<250xi32>
    %swap3A_240 = vector.shape_cast %convert_element_type3A_234 : vector<250xi32> to vector<1x1x250xi32>
    tpu.vector_store %arg7[%swap3A_235, %swap3A_236, %swap3A_237], %swap3A_240 {strides = array<i32>} : memref<1x1x5000xi32, #tpu.memory_space<vmem>>, vector<1x1x250xi32>,
    %reduce_sum3A_241 = arith.constant dense<0.000000e+00> : vector<81xf32>
    %reduce_sum3A_242 = vector.multi_reduction <add>, %convert_element_type3A_219, %reduce_sum3A_241 [0] : vector<250x81xf32> to vector<81xf32>
    %add3A_243 = arith.addf %add3A_213, %reduce_sum3A_242 : vector<81xf32>
    %slice3A_244 = vector.extract_strided_slice %select_n3A_18 {offsets = [1750], sizes = [250], strides = [1]} : vector<5000xi32> to vector<250xi32>
    %broadcast_in_dim3A_245 = vector.shape_cast %slice3A_244 : vector<250xi32> to vector<250x1xi32>
    %eq3A_246 = vector.broadcast %broadcast_in_dim3A_245 : vector<250x1xi32> to vector<250x81xi32>
    %eq3A_247 = arith.cmpi eq, %eq3A_246, %iota3A_35 : vector<250x81xi32>
    %convert_element_type3A_248 = arith.extui %eq3A_247 : vector<250x81xi1> to vector<250x81xi32>
    %convert_element_type3A_249 = arith.sitofp %convert_element_type3A_248 : vector<250x81xi32> to vector<250x81xf32>
    %convert_element_type3A_250 = arith.extui %eq3A_247 : vector<250x81xi1> to vector<250x81xi32>
    %convert_element_type3A_251 = arith.sitofp %convert_element_type3A_250 : vector<250x81xi32> to vector<250x81xf32>
    %convert_element_type3A_252 = arith.truncf %convert_element_type3A_251 : vector<250x81xf32> to vector<250x81xbf16>
    %dot_general3A_253 = arith.constant dense<0.000000e+00> : vector<250x81xf32>
    %dot_general3A_254 = tpu.matmul %convert_element_type3A_34, %convert_element_type3A_252, %dot_general3A_253 {dimension_numbers = #tpu.dot_dimension_numbers<[1], [0], [0], [1], [0, 0, 1, 1], [], []>, transpose_lhs_hint = false} : vector<250x250xbf16>, vector<250x81xbf16>, vector<250x81xf32> -> vector<250x81xf32>
    %mul3A_255 = arith.mulf %dot_general3A_254, %convert_element_type3A_249 : vector<250x81xf32>
    %reduce_sum3A_256 = arith.constant dense<0.000000e+00> : vector<250xf32>
    %reduce_sum3A_257 = vector.multi_reduction <add>, %mul3A_255, %reduce_sum3A_256 [1] : vector<250x81xf32> to vector<250xf32>
    %broadcast_in_dim3A_258 = vector.shape_cast %add3A_243 : vector<81xf32> to vector<1x81xf32>
    %mul3A_259 = vector.broadcast %broadcast_in_dim3A_258 : vector<1x81xf32> to vector<250x81xf32>
    %mul3A_260 = arith.mulf %convert_element_type3A_249, %mul3A_259 : vector<250x81xf32>
    %reduce_sum3A_261 = arith.constant dense<0.000000e+00> : vector<250xf32>
    %reduce_sum3A_262 = vector.multi_reduction <add>, %mul3A_260, %reduce_sum3A_261 [1] : vector<250x81xf32> to vector<250xf32>
    %add3A_263 = arith.addf %reduce_sum3A_262, %reduce_sum3A_257 : vector<250xf32>
    %convert_element_type3A_264 = arith.fptosi %add3A_263 : vector<250xf32> to vector<250xi32>
    %swap3A_265 = arith.constant 0 : index
    %swap3A_266 = arith.constant 0 : index
    %swap3A_267 = arith.constant 1750 : index
    %swap3A_268 = vector.load %arg7[%swap3A_265, %swap3A_266, %swap3A_267] : memref<1x1x5000xi32, #tpu.memory_space<vmem>>, vector<1x1x250xi32>
    %swap3A_269 = vector.shape_cast %swap3A_268 : vector<1x1x250xi32> to vector<250xi32>
    %swap3A_270 = vector.shape_cast %convert_element_type3A_264 : vector<250xi32> to vector<1x1x250xi32>
    tpu.vector_store %arg7[%swap3A_265, %swap3A_266, %swap3A_267], %swap3A_270 {strides = array<i32>} : memref<1x1x5000xi32, #tpu.memory_space<vmem>>, vector<1x1x250xi32>,
    %reduce_sum3A_271 = arith.constant dense<0.000000e+00> : vector<81xf32>
    %reduce_sum3A_272 = vector.multi_reduction <add>, %convert_element_type3A_249, %reduce_sum3A_271 [0] : vector<250x81xf32> to vector<81xf32>
    %add3A_273 = arith.addf %add3A_243, %reduce_sum3A_272 : vector<81xf32>
    %slice3A_274 = vector.extract_strided_slice %select_n3A_18 {offsets = [2000], sizes = [250], strides = [1]} : vector<5000xi32> to vector<250xi32>
    %broadcast_in_dim3A_275 = vector.shape_cast %slice3A_274 : vector<250xi32> to vector<250x1xi32>
    %eq3A_276 = vector.broadcast %broadcast_in_dim3A_275 : vector<250x1xi32> to vector<250x81xi32>
    %eq3A_277 = arith.cmpi eq, %eq3A_276, %iota3A_35 : vector<250x81xi32>
    %convert_element_type3A_278 = arith.extui %eq3A_277 : vector<250x81xi1> to vector<250x81xi32>
    %convert_element_type3A_279 = arith.sitofp %convert_element_type3A_278 : vector<250x81xi32> to vector<250x81xf32>
    %convert_element_type3A_280 = arith.extui %eq3A_277 : vector<250x81xi1> to vector<250x81xi32>
    %convert_element_type3A_281 = arith.sitofp %convert_element_type3A_280 : vector<250x81xi32> to vector<250x81xf32>
    %convert_element_type3A_282 = arith.truncf %convert_element_type3A_281 : vector<250x81xf32> to vector<250x81xbf16>
    %dot_general3A_283 = arith.constant dense<0.000000e+00> : vector<250x81xf32>
    %dot_general3A_284 = tpu.matmul %convert_element_type3A_34, %convert_element_type3A_282, %dot_general3A_283 {dimension_numbers = #tpu.dot_dimension_numbers<[1], [0], [0], [1], [0, 0, 1, 1], [], []>, transpose_lhs_hint = false} : vector<250x250xbf16>, vector<250x81xbf16>, vector<250x81xf32> -> vector<250x81xf32>
    %mul3A_285 = arith.mulf %dot_general3A_284, %convert_element_type3A_279 : vector<250x81xf32>
    %reduce_sum3A_286 = arith.constant dense<0.000000e+00> : vector<250xf32>
    %reduce_sum3A_287 = vector.multi_reduction <add>, %mul3A_285, %reduce_sum3A_286 [1] : vector<250x81xf32> to vector<250xf32>
    %broadcast_in_dim3A_288 = vector.shape_cast %add3A_273 : vector<81xf32> to vector<1x81xf32>
    %mul3A_289 = vector.broadcast %broadcast_in_dim3A_288 : vector<1x81xf32> to vector<250x81xf32>
    %mul3A_290 = arith.mulf %convert_element_type3A_279, %mul3A_289 : vector<250x81xf32>
    %reduce_sum3A_291 = arith.constant dense<0.000000e+00> : vector<250xf32>
    %reduce_sum3A_292 = vector.multi_reduction <add>, %mul3A_290, %reduce_sum3A_291 [1] : vector<250x81xf32> to vector<250xf32>
    %add3A_293 = arith.addf %reduce_sum3A_292, %reduce_sum3A_287 : vector<250xf32>
    %convert_element_type3A_294 = arith.fptosi %add3A_293 : vector<250xf32> to vector<250xi32>
    %swap3A_295 = arith.constant 0 : index
    %swap3A_296 = arith.constant 0 : index
    %swap3A_297 = arith.constant 2000 : index
    %swap3A_298 = vector.load %arg7[%swap3A_295, %swap3A_296, %swap3A_297] : memref<1x1x5000xi32, #tpu.memory_space<vmem>>, vector<1x1x250xi32>
    %swap3A_299 = vector.shape_cast %swap3A_298 : vector<1x1x250xi32> to vector<250xi32>
    %swap3A_300 = vector.shape_cast %convert_element_type3A_294 : vector<250xi32> to vector<1x1x250xi32>
    tpu.vector_store %arg7[%swap3A_295, %swap3A_296, %swap3A_297], %swap3A_300 {strides = array<i32>} : memref<1x1x5000xi32, #tpu.memory_space<vmem>>, vector<1x1x250xi32>,
    %reduce_sum3A_301 = arith.constant dense<0.000000e+00> : vector<81xf32>
    %reduce_sum3A_302 = vector.multi_reduction <add>, %convert_element_type3A_279, %reduce_sum3A_301 [0] : vector<250x81xf32> to vector<81xf32>
    %add3A_303 = arith.addf %add3A_273, %reduce_sum3A_302 : vector<81xf32>
    %slice3A_304 = vector.extract_strided_slice %select_n3A_18 {offsets = [2250], sizes = [250], strides = [1]} : vector<5000xi32> to vector<250xi32>
    %broadcast_in_dim3A_305 = vector.shape_cast %slice3A_304 : vector<250xi32> to vector<250x1xi32>
    %eq3A_306 = vector.broadcast %broadcast_in_dim3A_305 : vector<250x1xi32> to vector<250x81xi32>
    %eq3A_307 = arith.cmpi eq, %eq3A_306, %iota3A_35 : vector<250x81xi32>
    %convert_element_type3A_308 = arith.extui %eq3A_307 : vector<250x81xi1> to vector<250x81xi32>
    %convert_element_type3A_309 = arith.sitofp %convert_element_type3A_308 : vector<250x81xi32> to vector<250x81xf32>
    %convert_element_type3A_310 = arith.extui %eq3A_307 : vector<250x81xi1> to vector<250x81xi32>
    %convert_element_type3A_311 = arith.sitofp %convert_element_type3A_310 : vector<250x81xi32> to vector<250x81xf32>
    %convert_element_type3A_312 = arith.truncf %convert_element_type3A_311 : vector<250x81xf32> to vector<250x81xbf16>
    %dot_general3A_313 = arith.constant dense<0.000000e+00> : vector<250x81xf32>
    %dot_general3A_314 = tpu.matmul %convert_element_type3A_34, %convert_element_type3A_312, %dot_general3A_313 {dimension_numbers = #tpu.dot_dimension_numbers<[1], [0], [0], [1], [0, 0, 1, 1], [], []>, transpose_lhs_hint = false} : vector<250x250xbf16>, vector<250x81xbf16>, vector<250x81xf32> -> vector<250x81xf32>
    %mul3A_315 = arith.mulf %dot_general3A_314, %convert_element_type3A_309 : vector<250x81xf32>
    %reduce_sum3A_316 = arith.constant dense<0.000000e+00> : vector<250xf32>
    %reduce_sum3A_317 = vector.multi_reduction <add>, %mul3A_315, %reduce_sum3A_316 [1] : vector<250x81xf32> to vector<250xf32>
    %broadcast_in_dim3A_318 = vector.shape_cast %add3A_303 : vector<81xf32> to vector<1x81xf32>
    %mul3A_319 = vector.broadcast %broadcast_in_dim3A_318 : vector<1x81xf32> to vector<250x81xf32>
    %mul3A_320 = arith.mulf %convert_element_type3A_309, %mul3A_319 : vector<250x81xf32>
    %reduce_sum3A_321 = arith.constant dense<0.000000e+00> : vector<250xf32>
    %reduce_sum3A_322 = vector.multi_reduction <add>, %mul3A_320, %reduce_sum3A_321 [1] : vector<250x81xf32> to vector<250xf32>
    %add3A_323 = arith.addf %reduce_sum3A_322, %reduce_sum3A_317 : vector<250xf32>
    %convert_element_type3A_324 = arith.fptosi %add3A_323 : vector<250xf32> to vector<250xi32>
    %swap3A_325 = arith.constant 0 : index
    %swap3A_326 = arith.constant 0 : index
    %swap3A_327 = arith.constant 2250 : index
    %swap3A_328 = vector.load %arg7[%swap3A_325, %swap3A_326, %swap3A_327] : memref<1x1x5000xi32, #tpu.memory_space<vmem>>, vector<1x1x250xi32>
    %swap3A_329 = vector.shape_cast %swap3A_328 : vector<1x1x250xi32> to vector<250xi32>
    %swap3A_330 = vector.shape_cast %convert_element_type3A_324 : vector<250xi32> to vector<1x1x250xi32>
    tpu.vector_store %arg7[%swap3A_325, %swap3A_326, %swap3A_327], %swap3A_330 {strides = array<i32>} : memref<1x1x5000xi32, #tpu.memory_space<vmem>>, vector<1x1x250xi32>,
    %reduce_sum3A_331 = arith.constant dense<0.000000e+00> : vector<81xf32>
    %reduce_sum3A_332 = vector.multi_reduction <add>, %convert_element_type3A_309, %reduce_sum3A_331 [0] : vector<250x81xf32> to vector<81xf32>
    %add3A_333 = arith.addf %add3A_303, %reduce_sum3A_332 : vector<81xf32>
    %slice3A_334 = vector.extract_strided_slice %select_n3A_18 {offsets = [2500], sizes = [250], strides = [1]} : vector<5000xi32> to vector<250xi32>
    %broadcast_in_dim3A_335 = vector.shape_cast %slice3A_334 : vector<250xi32> to vector<250x1xi32>
    %eq3A_336 = vector.broadcast %broadcast_in_dim3A_335 : vector<250x1xi32> to vector<250x81xi32>
    %eq3A_337 = arith.cmpi eq, %eq3A_336, %iota3A_35 : vector<250x81xi32>
    %convert_element_type3A_338 = arith.extui %eq3A_337 : vector<250x81xi1> to vector<250x81xi32>
    %convert_element_type3A_339 = arith.sitofp %convert_element_type3A_338 : vector<250x81xi32> to vector<250x81xf32>
    %convert_element_type3A_340 = arith.extui %eq3A_337 : vector<250x81xi1> to vector<250x81xi32>
    %convert_element_type3A_341 = arith.sitofp %convert_element_type3A_340 : vector<250x81xi32> to vector<250x81xf32>
    %convert_element_type3A_342 = arith.truncf %convert_element_type3A_341 : vector<250x81xf32> to vector<250x81xbf16>
    %dot_general3A_343 = arith.constant dense<0.000000e+00> : vector<250x81xf32>
    %dot_general3A_344 = tpu.matmul %convert_element_type3A_34, %convert_element_type3A_342, %dot_general3A_343 {dimension_numbers = #tpu.dot_dimension_numbers<[1], [0], [0], [1], [0, 0, 1, 1], [], []>, transpose_lhs_hint = false} : vector<250x250xbf16>, vector<250x81xbf16>, vector<250x81xf32> -> vector<250x81xf32>
    %mul3A_345 = arith.mulf %dot_general3A_344, %convert_element_type3A_339 : vector<250x81xf32>
    %reduce_sum3A_346 = arith.constant dense<0.000000e+00> : vector<250xf32>
    %reduce_sum3A_347 = vector.multi_reduction <add>, %mul3A_345, %reduce_sum3A_346 [1] : vector<250x81xf32> to vector<250xf32>
    %broadcast_in_dim3A_348 = vector.shape_cast %add3A_333 : vector<81xf32> to vector<1x81xf32>
    %mul3A_349 = vector.broadcast %broadcast_in_dim3A_348 : vector<1x81xf32> to vector<250x81xf32>
    %mul3A_350 = arith.mulf %convert_element_type3A_339, %mul3A_349 : vector<250x81xf32>
    %reduce_sum3A_351 = arith.constant dense<0.000000e+00> : vector<250xf32>
    %reduce_sum3A_352 = vector.multi_reduction <add>, %mul3A_350, %reduce_sum3A_351 [1] : vector<250x81xf32> to vector<250xf32>
    %add3A_353 = arith.addf %reduce_sum3A_352, %reduce_sum3A_347 : vector<250xf32>
    %convert_element_type3A_354 = arith.fptosi %add3A_353 : vector<250xf32> to vector<250xi32>
    %swap3A_355 = arith.constant 0 : index
    %swap3A_356 = arith.constant 0 : index
    %swap3A_357 = arith.constant 2500 : index
    %swap3A_358 = vector.load %arg7[%swap3A_355, %swap3A_356, %swap3A_357] : memref<1x1x5000xi32, #tpu.memory_space<vmem>>, vector<1x1x250xi32>
    %swap3A_359 = vector.shape_cast %swap3A_358 : vector<1x1x250xi32> to vector<250xi32>
    %swap3A_360 = vector.shape_cast %convert_element_type3A_354 : vector<250xi32> to vector<1x1x250xi32>
    tpu.vector_store %arg7[%swap3A_355, %swap3A_356, %swap3A_357], %swap3A_360 {strides = array<i32>} : memref<1x1x5000xi32, #tpu.memory_space<vmem>>, vector<1x1x250xi32>,
    %reduce_sum3A_361 = arith.constant dense<0.000000e+00> : vector<81xf32>
    %reduce_sum3A_362 = vector.multi_reduction <add>, %convert_element_type3A_339, %reduce_sum3A_361 [0] : vector<250x81xf32> to vector<81xf32>
    %add3A_363 = arith.addf %add3A_333, %reduce_sum3A_362 : vector<81xf32>
    %slice3A_364 = vector.extract_strided_slice %select_n3A_18 {offsets = [2750], sizes = [250], strides = [1]} : vector<5000xi32> to vector<250xi32>
    %broadcast_in_dim3A_365 = vector.shape_cast %slice3A_364 : vector<250xi32> to vector<250x1xi32>
    %eq3A_366 = vector.broadcast %broadcast_in_dim3A_365 : vector<250x1xi32> to vector<250x81xi32>
    %eq3A_367 = arith.cmpi eq, %eq3A_366, %iota3A_35 : vector<250x81xi32>
    %convert_element_type3A_368 = arith.extui %eq3A_367 : vector<250x81xi1> to vector<250x81xi32>
    %convert_element_type3A_369 = arith.sitofp %convert_element_type3A_368 : vector<250x81xi32> to vector<250x81xf32>
    %convert_element_type3A_370 = arith.extui %eq3A_367 : vector<250x81xi1> to vector<250x81xi32>
    %convert_element_type3A_371 = arith.sitofp %convert_element_type3A_370 : vector<250x81xi32> to vector<250x81xf32>
    %convert_element_type3A_372 = arith.truncf %convert_element_type3A_371 : vector<250x81xf32> to vector<250x81xbf16>
    %dot_general3A_373 = arith.constant dense<0.000000e+00> : vector<250x81xf32>
    %dot_general3A_374 = tpu.matmul %convert_element_type3A_34, %convert_element_type3A_372, %dot_general3A_373 {dimension_numbers = #tpu.dot_dimension_numbers<[1], [0], [0], [1], [0, 0, 1, 1], [], []>, transpose_lhs_hint = false} : vector<250x250xbf16>, vector<250x81xbf16>, vector<250x81xf32> -> vector<250x81xf32>
    %mul3A_375 = arith.mulf %dot_general3A_374, %convert_element_type3A_369 : vector<250x81xf32>
    %reduce_sum3A_376 = arith.constant dense<0.000000e+00> : vector<250xf32>
    %reduce_sum3A_377 = vector.multi_reduction <add>, %mul3A_375, %reduce_sum3A_376 [1] : vector<250x81xf32> to vector<250xf32>
    %broadcast_in_dim3A_378 = vector.shape_cast %add3A_363 : vector<81xf32> to vector<1x81xf32>
    %mul3A_379 = vector.broadcast %broadcast_in_dim3A_378 : vector<1x81xf32> to vector<250x81xf32>
    %mul3A_380 = arith.mulf %convert_element_type3A_369, %mul3A_379 : vector<250x81xf32>
    %reduce_sum3A_381 = arith.constant dense<0.000000e+00> : vector<250xf32>
    %reduce_sum3A_382 = vector.multi_reduction <add>, %mul3A_380, %reduce_sum3A_381 [1] : vector<250x81xf32> to vector<250xf32>
    %add3A_383 = arith.addf %reduce_sum3A_382, %reduce_sum3A_377 : vector<250xf32>
    %convert_element_type3A_384 = arith.fptosi %add3A_383 : vector<250xf32> to vector<250xi32>
    %swap3A_385 = arith.constant 0 : index
    %swap3A_386 = arith.constant 0 : index
    %swap3A_387 = arith.constant 2750 : index
    %swap3A_388 = vector.load %arg7[%swap3A_385, %swap3A_386, %swap3A_387] : memref<1x1x5000xi32, #tpu.memory_space<vmem>>, vector<1x1x250xi32>
    %swap3A_389 = vector.shape_cast %swap3A_388 : vector<1x1x250xi32> to vector<250xi32>
    %swap3A_390 = vector.shape_cast %convert_element_type3A_384 : vector<250xi32> to vector<1x1x250xi32>
    tpu.vector_store %arg7[%swap3A_385, %swap3A_386, %swap3A_387], %swap3A_390 {strides = array<i32>} : memref<1x1x5000xi32, #tpu.memory_space<vmem>>, vector<1x1x250xi32>,
    %reduce_sum3A_391 = arith.constant dense<0.000000e+00> : vector<81xf32>
    %reduce_sum3A_392 = vector.multi_reduction <add>, %convert_element_type3A_369, %reduce_sum3A_391 [0] : vector<250x81xf32> to vector<81xf32>
    %add3A_393 = arith.addf %add3A_363, %reduce_sum3A_392 : vector<81xf32>
    %slice3A_394 = vector.extract_strided_slice %select_n3A_18 {offsets = [3000], sizes = [250], strides = [1]} : vector<5000xi32> to vector<250xi32>
    %broadcast_in_dim3A_395 = vector.shape_cast %slice3A_394 : vector<250xi32> to vector<250x1xi32>
    %eq3A_396 = vector.broadcast %broadcast_in_dim3A_395 : vector<250x1xi32> to vector<250x81xi32>
    %eq3A_397 = arith.cmpi eq, %eq3A_396, %iota3A_35 : vector<250x81xi32>
    %convert_element_type3A_398 = arith.extui %eq3A_397 : vector<250x81xi1> to vector<250x81xi32>
    %convert_element_type3A_399 = arith.sitofp %convert_element_type3A_398 : vector<250x81xi32> to vector<250x81xf32>
    %convert_element_type3A_400 = arith.extui %eq3A_397 : vector<250x81xi1> to vector<250x81xi32>
    %convert_element_type3A_401 = arith.sitofp %convert_element_type3A_400 : vector<250x81xi32> to vector<250x81xf32>
    %convert_element_type3A_402 = arith.truncf %convert_element_type3A_401 : vector<250x81xf32> to vector<250x81xbf16>
    %dot_general3A_403 = arith.constant dense<0.000000e+00> : vector<250x81xf32>
    %dot_general3A_404 = tpu.matmul %convert_element_type3A_34, %convert_element_type3A_402, %dot_general3A_403 {dimension_numbers = #tpu.dot_dimension_numbers<[1], [0], [0], [1], [0, 0, 1, 1], [], []>, transpose_lhs_hint = false} : vector<250x250xbf16>, vector<250x81xbf16>, vector<250x81xf32> -> vector<250x81xf32>
    %mul3A_405 = arith.mulf %dot_general3A_404, %convert_element_type3A_399 : vector<250x81xf32>
    %reduce_sum3A_406 = arith.constant dense<0.000000e+00> : vector<250xf32>
    %reduce_sum3A_407 = vector.multi_reduction <add>, %mul3A_405, %reduce_sum3A_406 [1] : vector<250x81xf32> to vector<250xf32>
    %broadcast_in_dim3A_408 = vector.shape_cast %add3A_393 : vector<81xf32> to vector<1x81xf32>
    %mul3A_409 = vector.broadcast %broadcast_in_dim3A_408 : vector<1x81xf32> to vector<250x81xf32>
    %mul3A_410 = arith.mulf %convert_element_type3A_399, %mul3A_409 : vector<250x81xf32>
    %reduce_sum3A_411 = arith.constant dense<0.000000e+00> : vector<250xf32>
    %reduce_sum3A_412 = vector.multi_reduction <add>, %mul3A_410, %reduce_sum3A_411 [1] : vector<250x81xf32> to vector<250xf32>
    %add3A_413 = arith.addf %reduce_sum3A_412, %reduce_sum3A_407 : vector<250xf32>
    %convert_element_type3A_414 = arith.fptosi %add3A_413 : vector<250xf32> to vector<250xi32>
    %swap3A_415 = arith.constant 0 : index
    %swap3A_416 = arith.constant 0 : index
    %swap3A_417 = arith.constant 3000 : index
    %swap3A_418 = vector.load %arg7[%swap3A_415, %swap3A_416, %swap3A_417] : memref<1x1x5000xi32, #tpu.memory_space<vmem>>, vector<1x1x250xi32>
    %swap3A_419 = vector.shape_cast %swap3A_418 : vector<1x1x250xi32> to vector<250xi32>
    %swap3A_420 = vector.shape_cast %convert_element_type3A_414 : vector<250xi32> to vector<1x1x250xi32>
    tpu.vector_store %arg7[%swap3A_415, %swap3A_416, %swap3A_417], %swap3A_420 {strides = array<i32>} : memref<1x1x5000xi32, #tpu.memory_space<vmem>>, vector<1x1x250xi32>,
    %reduce_sum3A_421 = arith.constant dense<0.000000e+00> : vector<81xf32>
    %reduce_sum3A_422 = vector.multi_reduction <add>, %convert_element_type3A_399, %reduce_sum3A_421 [0] : vector<250x81xf32> to vector<81xf32>
    %add3A_423 = arith.addf %add3A_393, %reduce_sum3A_422 : vector<81xf32>
    %slice3A_424 = vector.extract_strided_slice %select_n3A_18 {offsets = [3250], sizes = [250], strides = [1]} : vector<5000xi32> to vector<250xi32>
    %broadcast_in_dim3A_425 = vector.shape_cast %slice3A_424 : vector<250xi32> to vector<250x1xi32>
    %eq3A_426 = vector.broadcast %broadcast_in_dim3A_425 : vector<250x1xi32> to vector<250x81xi32>
    %eq3A_427 = arith.cmpi eq, %eq3A_426, %iota3A_35 : vector<250x81xi32>
    %convert_element_type3A_428 = arith.extui %eq3A_427 : vector<250x81xi1> to vector<250x81xi32>
    %convert_element_type3A_429 = arith.sitofp %convert_element_type3A_428 : vector<250x81xi32> to vector<250x81xf32>
    %convert_element_type3A_430 = arith.extui %eq3A_427 : vector<250x81xi1> to vector<250x81xi32>
    %convert_element_type3A_431 = arith.sitofp %convert_element_type3A_430 : vector<250x81xi32> to vector<250x81xf32>
    %convert_element_type3A_432 = arith.truncf %convert_element_type3A_431 : vector<250x81xf32> to vector<250x81xbf16>
    %dot_general3A_433 = arith.constant dense<0.000000e+00> : vector<250x81xf32>
    %dot_general3A_434 = tpu.matmul %convert_element_type3A_34, %convert_element_type3A_432, %dot_general3A_433 {dimension_numbers = #tpu.dot_dimension_numbers<[1], [0], [0], [1], [0, 0, 1, 1], [], []>, transpose_lhs_hint = false} : vector<250x250xbf16>, vector<250x81xbf16>, vector<250x81xf32> -> vector<250x81xf32>
    %mul3A_435 = arith.mulf %dot_general3A_434, %convert_element_type3A_429 : vector<250x81xf32>
    %reduce_sum3A_436 = arith.constant dense<0.000000e+00> : vector<250xf32>
    %reduce_sum3A_437 = vector.multi_reduction <add>, %mul3A_435, %reduce_sum3A_436 [1] : vector<250x81xf32> to vector<250xf32>
    %broadcast_in_dim3A_438 = vector.shape_cast %add3A_423 : vector<81xf32> to vector<1x81xf32>
    %mul3A_439 = vector.broadcast %broadcast_in_dim3A_438 : vector<1x81xf32> to vector<250x81xf32>
    %mul3A_440 = arith.mulf %convert_element_type3A_429, %mul3A_439 : vector<250x81xf32>
    %reduce_sum3A_441 = arith.constant dense<0.000000e+00> : vector<250xf32>
    %reduce_sum3A_442 = vector.multi_reduction <add>, %mul3A_440, %reduce_sum3A_441 [1] : vector<250x81xf32> to vector<250xf32>
    %add3A_443 = arith.addf %reduce_sum3A_442, %reduce_sum3A_437 : vector<250xf32>
    %convert_element_type3A_444 = arith.fptosi %add3A_443 : vector<250xf32> to vector<250xi32>
    %swap3A_445 = arith.constant 0 : index
    %swap3A_446 = arith.constant 0 : index
    %swap3A_447 = arith.constant 3250 : index
    %swap3A_448 = vector.load %arg7[%swap3A_445, %swap3A_446, %swap3A_447] : memref<1x1x5000xi32, #tpu.memory_space<vmem>>, vector<1x1x250xi32>
    %swap3A_449 = vector.shape_cast %swap3A_448 : vector<1x1x250xi32> to vector<250xi32>
    %swap3A_450 = vector.shape_cast %convert_element_type3A_444 : vector<250xi32> to vector<1x1x250xi32>
    tpu.vector_store %arg7[%swap3A_445, %swap3A_446, %swap3A_447], %swap3A_450 {strides = array<i32>} : memref<1x1x5000xi32, #tpu.memory_space<vmem>>, vector<1x1x250xi32>,
    %reduce_sum3A_451 = arith.constant dense<0.000000e+00> : vector<81xf32>
    %reduce_sum3A_452 = vector.multi_reduction <add>, %convert_element_type3A_429, %reduce_sum3A_451 [0] : vector<250x81xf32> to vector<81xf32>
    %add3A_453 = arith.addf %add3A_423, %reduce_sum3A_452 : vector<81xf32>
    %slice3A_454 = vector.extract_strided_slice %select_n3A_18 {offsets = [3500], sizes = [250], strides = [1]} : vector<5000xi32> to vector<250xi32>
    %broadcast_in_dim3A_455 = vector.shape_cast %slice3A_454 : vector<250xi32> to vector<250x1xi32>
    %eq3A_456 = vector.broadcast %broadcast_in_dim3A_455 : vector<250x1xi32> to vector<250x81xi32>
    %eq3A_457 = arith.cmpi eq, %eq3A_456, %iota3A_35 : vector<250x81xi32>
    %convert_element_type3A_458 = arith.extui %eq3A_457 : vector<250x81xi1> to vector<250x81xi32>
    %convert_element_type3A_459 = arith.sitofp %convert_element_type3A_458 : vector<250x81xi32> to vector<250x81xf32>
    %convert_element_type3A_460 = arith.extui %eq3A_457 : vector<250x81xi1> to vector<250x81xi32>
    %convert_element_type3A_461 = arith.sitofp %convert_element_type3A_460 : vector<250x81xi32> to vector<250x81xf32>
    %convert_element_type3A_462 = arith.truncf %convert_element_type3A_461 : vector<250x81xf32> to vector<250x81xbf16>
    %dot_general3A_463 = arith.constant dense<0.000000e+00> : vector<250x81xf32>
    %dot_general3A_464 = tpu.matmul %convert_element_type3A_34, %convert_element_type3A_462, %dot_general3A_463 {dimension_numbers = #tpu.dot_dimension_numbers<[1], [0], [0], [1], [0, 0, 1, 1], [], []>, transpose_lhs_hint = false} : vector<250x250xbf16>, vector<250x81xbf16>, vector<250x81xf32> -> vector<250x81xf32>
    %mul3A_465 = arith.mulf %dot_general3A_464, %convert_element_type3A_459 : vector<250x81xf32>
    %reduce_sum3A_466 = arith.constant dense<0.000000e+00> : vector<250xf32>
    %reduce_sum3A_467 = vector.multi_reduction <add>, %mul3A_465, %reduce_sum3A_466 [1] : vector<250x81xf32> to vector<250xf32>
    %broadcast_in_dim3A_468 = vector.shape_cast %add3A_453 : vector<81xf32> to vector<1x81xf32>
    %mul3A_469 = vector.broadcast %broadcast_in_dim3A_468 : vector<1x81xf32> to vector<250x81xf32>
    %mul3A_470 = arith.mulf %convert_element_type3A_459, %mul3A_469 : vector<250x81xf32>
    %reduce_sum3A_471 = arith.constant dense<0.000000e+00> : vector<250xf32>
    %reduce_sum3A_472 = vector.multi_reduction <add>, %mul3A_470, %reduce_sum3A_471 [1] : vector<250x81xf32> to vector<250xf32>
    %add3A_473 = arith.addf %reduce_sum3A_472, %reduce_sum3A_467 : vector<250xf32>
    %convert_element_type3A_474 = arith.fptosi %add3A_473 : vector<250xf32> to vector<250xi32>
    %swap3A_475 = arith.constant 0 : index
    %swap3A_476 = arith.constant 0 : index
    %swap3A_477 = arith.constant 3500 : index
    %swap3A_478 = vector.load %arg7[%swap3A_475, %swap3A_476, %swap3A_477] : memref<1x1x5000xi32, #tpu.memory_space<vmem>>, vector<1x1x250xi32>
    %swap3A_479 = vector.shape_cast %swap3A_478 : vector<1x1x250xi32> to vector<250xi32>
    %swap3A_480 = vector.shape_cast %convert_element_type3A_474 : vector<250xi32> to vector<1x1x250xi32>
    tpu.vector_store %arg7[%swap3A_475, %swap3A_476, %swap3A_477], %swap3A_480 {strides = array<i32>} : memref<1x1x5000xi32, #tpu.memory_space<vmem>>, vector<1x1x250xi32>,
    %reduce_sum3A_481 = arith.constant dense<0.000000e+00> : vector<81xf32>
    %reduce_sum3A_482 = vector.multi_reduction <add>, %convert_element_type3A_459, %reduce_sum3A_481 [0] : vector<250x81xf32> to vector<81xf32>
    %add3A_483 = arith.addf %add3A_453, %reduce_sum3A_482 : vector<81xf32>
    %slice3A_484 = vector.extract_strided_slice %select_n3A_18 {offsets = [3750], sizes = [250], strides = [1]} : vector<5000xi32> to vector<250xi32>
    %broadcast_in_dim3A_485 = vector.shape_cast %slice3A_484 : vector<250xi32> to vector<250x1xi32>
    %eq3A_486 = vector.broadcast %broadcast_in_dim3A_485 : vector<250x1xi32> to vector<250x81xi32>
    %eq3A_487 = arith.cmpi eq, %eq3A_486, %iota3A_35 : vector<250x81xi32>
    %convert_element_type3A_488 = arith.extui %eq3A_487 : vector<250x81xi1> to vector<250x81xi32>
    %convert_element_type3A_489 = arith.sitofp %convert_element_type3A_488 : vector<250x81xi32> to vector<250x81xf32>
    %convert_element_type3A_490 = arith.extui %eq3A_487 : vector<250x81xi1> to vector<250x81xi32>
    %convert_element_type3A_491 = arith.sitofp %convert_element_type3A_490 : vector<250x81xi32> to vector<250x81xf32>
    %convert_element_type3A_492 = arith.truncf %convert_element_type3A_491 : vector<250x81xf32> to vector<250x81xbf16>
    %dot_general3A_493 = arith.constant dense<0.000000e+00> : vector<250x81xf32>
    %dot_general3A_494 = tpu.matmul %convert_element_type3A_34, %convert_element_type3A_492, %dot_general3A_493 {dimension_numbers = #tpu.dot_dimension_numbers<[1], [0], [0], [1], [0, 0, 1, 1], [], []>, transpose_lhs_hint = false} : vector<250x250xbf16>, vector<250x81xbf16>, vector<250x81xf32> -> vector<250x81xf32>
    %mul3A_495 = arith.mulf %dot_general3A_494, %convert_element_type3A_489 : vector<250x81xf32>
    %reduce_sum3A_496 = arith.constant dense<0.000000e+00> : vector<250xf32>
    %reduce_sum3A_497 = vector.multi_reduction <add>, %mul3A_495, %reduce_sum3A_496 [1] : vector<250x81xf32> to vector<250xf32>
    %broadcast_in_dim3A_498 = vector.shape_cast %add3A_483 : vector<81xf32> to vector<1x81xf32>
    %mul3A_499 = vector.broadcast %broadcast_in_dim3A_498 : vector<1x81xf32> to vector<250x81xf32>
    %mul3A_500 = arith.mulf %convert_element_type3A_489, %mul3A_499 : vector<250x81xf32>
    %reduce_sum3A_501 = arith.constant dense<0.000000e+00> : vector<250xf32>
    %reduce_sum3A_502 = vector.multi_reduction <add>, %mul3A_500, %reduce_sum3A_501 [1] : vector<250x81xf32> to vector<250xf32>
    %add3A_503 = arith.addf %reduce_sum3A_502, %reduce_sum3A_497 : vector<250xf32>
    %convert_element_type3A_504 = arith.fptosi %add3A_503 : vector<250xf32> to vector<250xi32>
    %swap3A_505 = arith.constant 0 : index
    %swap3A_506 = arith.constant 0 : index
    %swap3A_507 = arith.constant 3750 : index
    %swap3A_508 = vector.load %arg7[%swap3A_505, %swap3A_506, %swap3A_507] : memref<1x1x5000xi32, #tpu.memory_space<vmem>>, vector<1x1x250xi32>
    %swap3A_509 = vector.shape_cast %swap3A_508 : vector<1x1x250xi32> to vector<250xi32>
    %swap3A_510 = vector.shape_cast %convert_element_type3A_504 : vector<250xi32> to vector<1x1x250xi32>
    tpu.vector_store %arg7[%swap3A_505, %swap3A_506, %swap3A_507], %swap3A_510 {strides = array<i32>} : memref<1x1x5000xi32, #tpu.memory_space<vmem>>, vector<1x1x250xi32>,
    %reduce_sum3A_511 = arith.constant dense<0.000000e+00> : vector<81xf32>
    %reduce_sum3A_512 = vector.multi_reduction <add>, %convert_element_type3A_489, %reduce_sum3A_511 [0] : vector<250x81xf32> to vector<81xf32>
    %add3A_513 = arith.addf %add3A_483, %reduce_sum3A_512 : vector<81xf32>
    %slice3A_514 = vector.extract_strided_slice %select_n3A_18 {offsets = [4000], sizes = [250], strides = [1]} : vector<5000xi32> to vector<250xi32>
    %broadcast_in_dim3A_515 = vector.shape_cast %slice3A_514 : vector<250xi32> to vector<250x1xi32>
    %eq3A_516 = vector.broadcast %broadcast_in_dim3A_515 : vector<250x1xi32> to vector<250x81xi32>
    %eq3A_517 = arith.cmpi eq, %eq3A_516, %iota3A_35 : vector<250x81xi32>
    %convert_element_type3A_518 = arith.extui %eq3A_517 : vector<250x81xi1> to vector<250x81xi32>
    %convert_element_type3A_519 = arith.sitofp %convert_element_type3A_518 : vector<250x81xi32> to vector<250x81xf32>
    %convert_element_type3A_520 = arith.extui %eq3A_517 : vector<250x81xi1> to vector<250x81xi32>
    %convert_element_type3A_521 = arith.sitofp %convert_element_type3A_520 : vector<250x81xi32> to vector<250x81xf32>
    %convert_element_type3A_522 = arith.truncf %convert_element_type3A_521 : vector<250x81xf32> to vector<250x81xbf16>
    %dot_general3A_523 = arith.constant dense<0.000000e+00> : vector<250x81xf32>
    %dot_general3A_524 = tpu.matmul %convert_element_type3A_34, %convert_element_type3A_522, %dot_general3A_523 {dimension_numbers = #tpu.dot_dimension_numbers<[1], [0], [0], [1], [0, 0, 1, 1], [], []>, transpose_lhs_hint = false} : vector<250x250xbf16>, vector<250x81xbf16>, vector<250x81xf32> -> vector<250x81xf32>
    %mul3A_525 = arith.mulf %dot_general3A_524, %convert_element_type3A_519 : vector<250x81xf32>
    %reduce_sum3A_526 = arith.constant dense<0.000000e+00> : vector<250xf32>
    %reduce_sum3A_527 = vector.multi_reduction <add>, %mul3A_525, %reduce_sum3A_526 [1] : vector<250x81xf32> to vector<250xf32>
    %broadcast_in_dim3A_528 = vector.shape_cast %add3A_513 : vector<81xf32> to vector<1x81xf32>
    %mul3A_529 = vector.broadcast %broadcast_in_dim3A_528 : vector<1x81xf32> to vector<250x81xf32>
    %mul3A_530 = arith.mulf %convert_element_type3A_519, %mul3A_529 : vector<250x81xf32>
    %reduce_sum3A_531 = arith.constant dense<0.000000e+00> : vector<250xf32>
    %reduce_sum3A_532 = vector.multi_reduction <add>, %mul3A_530, %reduce_sum3A_531 [1] : vector<250x81xf32> to vector<250xf32>
    %add3A_533 = arith.addf %reduce_sum3A_532, %reduce_sum3A_527 : vector<250xf32>
    %convert_element_type3A_534 = arith.fptosi %add3A_533 : vector<250xf32> to vector<250xi32>
    %swap3A_535 = arith.constant 0 : index
    %swap3A_536 = arith.constant 0 : index
    %swap3A_537 = arith.constant 4000 : index
    %swap3A_538 = vector.load %arg7[%swap3A_535, %swap3A_536, %swap3A_537] : memref<1x1x5000xi32, #tpu.memory_space<vmem>>, vector<1x1x250xi32>
    %swap3A_539 = vector.shape_cast %swap3A_538 : vector<1x1x250xi32> to vector<250xi32>
    %swap3A_540 = vector.shape_cast %convert_element_type3A_534 : vector<250xi32> to vector<1x1x250xi32>
    tpu.vector_store %arg7[%swap3A_535, %swap3A_536, %swap3A_537], %swap3A_540 {strides = array<i32>} : memref<1x1x5000xi32, #tpu.memory_space<vmem>>, vector<1x1x250xi32>,
    %reduce_sum3A_541 = arith.constant dense<0.000000e+00> : vector<81xf32>
    %reduce_sum3A_542 = vector.multi_reduction <add>, %convert_element_type3A_519, %reduce_sum3A_541 [0] : vector<250x81xf32> to vector<81xf32>
    %add3A_543 = arith.addf %add3A_513, %reduce_sum3A_542 : vector<81xf32>
    %slice3A_544 = vector.extract_strided_slice %select_n3A_18 {offsets = [4250], sizes = [250], strides = [1]} : vector<5000xi32> to vector<250xi32>
    %broadcast_in_dim3A_545 = vector.shape_cast %slice3A_544 : vector<250xi32> to vector<250x1xi32>
    %eq3A_546 = vector.broadcast %broadcast_in_dim3A_545 : vector<250x1xi32> to vector<250x81xi32>
    %eq3A_547 = arith.cmpi eq, %eq3A_546, %iota3A_35 : vector<250x81xi32>
    %convert_element_type3A_548 = arith.extui %eq3A_547 : vector<250x81xi1> to vector<250x81xi32>
    %convert_element_type3A_549 = arith.sitofp %convert_element_type3A_548 : vector<250x81xi32> to vector<250x81xf32>
    %convert_element_type3A_550 = arith.extui %eq3A_547 : vector<250x81xi1> to vector<250x81xi32>
    %convert_element_type3A_551 = arith.sitofp %convert_element_type3A_550 : vector<250x81xi32> to vector<250x81xf32>
    %convert_element_type3A_552 = arith.truncf %convert_element_type3A_551 : vector<250x81xf32> to vector<250x81xbf16>
    %dot_general3A_553 = arith.constant dense<0.000000e+00> : vector<250x81xf32>
    %dot_general3A_554 = tpu.matmul %convert_element_type3A_34, %convert_element_type3A_552, %dot_general3A_553 {dimension_numbers = #tpu.dot_dimension_numbers<[1], [0], [0], [1], [0, 0, 1, 1], [], []>, transpose_lhs_hint = false} : vector<250x250xbf16>, vector<250x81xbf16>, vector<250x81xf32> -> vector<250x81xf32>
    %mul3A_555 = arith.mulf %dot_general3A_554, %convert_element_type3A_549 : vector<250x81xf32>
    %reduce_sum3A_556 = arith.constant dense<0.000000e+00> : vector<250xf32>
    %reduce_sum3A_557 = vector.multi_reduction <add>, %mul3A_555, %reduce_sum3A_556 [1] : vector<250x81xf32> to vector<250xf32>
    %broadcast_in_dim3A_558 = vector.shape_cast %add3A_543 : vector<81xf32> to vector<1x81xf32>
    %mul3A_559 = vector.broadcast %broadcast_in_dim3A_558 : vector<1x81xf32> to vector<250x81xf32>
    %mul3A_560 = arith.mulf %convert_element_type3A_549, %mul3A_559 : vector<250x81xf32>
    %reduce_sum3A_561 = arith.constant dense<0.000000e+00> : vector<250xf32>
    %reduce_sum3A_562 = vector.multi_reduction <add>, %mul3A_560, %reduce_sum3A_561 [1] : vector<250x81xf32> to vector<250xf32>
    %add3A_563 = arith.addf %reduce_sum3A_562, %reduce_sum3A_557 : vector<250xf32>
    %convert_element_type3A_564 = arith.fptosi %add3A_563 : vector<250xf32> to vector<250xi32>
    %swap3A_565 = arith.constant 0 : index
    %swap3A_566 = arith.constant 0 : index
    %swap3A_567 = arith.constant 4250 : index
    %swap3A_568 = vector.load %arg7[%swap3A_565, %swap3A_566, %swap3A_567] : memref<1x1x5000xi32, #tpu.memory_space<vmem>>, vector<1x1x250xi32>
    %swap3A_569 = vector.shape_cast %swap3A_568 : vector<1x1x250xi32> to vector<250xi32>
    %swap3A_570 = vector.shape_cast %convert_element_type3A_564 : vector<250xi32> to vector<1x1x250xi32>
    tpu.vector_store %arg7[%swap3A_565, %swap3A_566, %swap3A_567], %swap3A_570 {strides = array<i32>} : memref<1x1x5000xi32, #tpu.memory_space<vmem>>, vector<1x1x250xi32>,
    %reduce_sum3A_571 = arith.constant dense<0.000000e+00> : vector<81xf32>
    %reduce_sum3A_572 = vector.multi_reduction <add>, %convert_element_type3A_549, %reduce_sum3A_571 [0] : vector<250x81xf32> to vector<81xf32>
    %add3A_573 = arith.addf %add3A_543, %reduce_sum3A_572 : vector<81xf32>
    %slice3A_574 = vector.extract_strided_slice %select_n3A_18 {offsets = [4500], sizes = [250], strides = [1]} : vector<5000xi32> to vector<250xi32>
    %broadcast_in_dim3A_575 = vector.shape_cast %slice3A_574 : vector<250xi32> to vector<250x1xi32>
    %eq3A_576 = vector.broadcast %broadcast_in_dim3A_575 : vector<250x1xi32> to vector<250x81xi32>
    %eq3A_577 = arith.cmpi eq, %eq3A_576, %iota3A_35 : vector<250x81xi32>
    %convert_element_type3A_578 = arith.extui %eq3A_577 : vector<250x81xi1> to vector<250x81xi32>
    %convert_element_type3A_579 = arith.sitofp %convert_element_type3A_578 : vector<250x81xi32> to vector<250x81xf32>
    %convert_element_type3A_580 = arith.extui %eq3A_577 : vector<250x81xi1> to vector<250x81xi32>
    %convert_element_type3A_581 = arith.sitofp %convert_element_type3A_580 : vector<250x81xi32> to vector<250x81xf32>
    %convert_element_type3A_582 = arith.truncf %convert_element_type3A_581 : vector<250x81xf32> to vector<250x81xbf16>
    %dot_general3A_583 = arith.constant dense<0.000000e+00> : vector<250x81xf32>
    %dot_general3A_584 = tpu.matmul %convert_element_type3A_34, %convert_element_type3A_582, %dot_general3A_583 {dimension_numbers = #tpu.dot_dimension_numbers<[1], [0], [0], [1], [0, 0, 1, 1], [], []>, transpose_lhs_hint = false} : vector<250x250xbf16>, vector<250x81xbf16>, vector<250x81xf32> -> vector<250x81xf32>
    %mul3A_585 = arith.mulf %dot_general3A_584, %convert_element_type3A_579 : vector<250x81xf32>
    %reduce_sum3A_586 = arith.constant dense<0.000000e+00> : vector<250xf32>
    %reduce_sum3A_587 = vector.multi_reduction <add>, %mul3A_585, %reduce_sum3A_586 [1] : vector<250x81xf32> to vector<250xf32>
    %broadcast_in_dim3A_588 = vector.shape_cast %add3A_573 : vector<81xf32> to vector<1x81xf32>
    %mul3A_589 = vector.broadcast %broadcast_in_dim3A_588 : vector<1x81xf32> to vector<250x81xf32>
    %mul3A_590 = arith.mulf %convert_element_type3A_579, %mul3A_589 : vector<250x81xf32>
    %reduce_sum3A_591 = arith.constant dense<0.000000e+00> : vector<250xf32>
    %reduce_sum3A_592 = vector.multi_reduction <add>, %mul3A_590, %reduce_sum3A_591 [1] : vector<250x81xf32> to vector<250xf32>
    %add3A_593 = arith.addf %reduce_sum3A_592, %reduce_sum3A_587 : vector<250xf32>
    %convert_element_type3A_594 = arith.fptosi %add3A_593 : vector<250xf32> to vector<250xi32>
    %swap3A_595 = arith.constant 0 : index
    %swap3A_596 = arith.constant 0 : index
    %swap3A_597 = arith.constant 4500 : index
    %swap3A_598 = vector.load %arg7[%swap3A_595, %swap3A_596, %swap3A_597] : memref<1x1x5000xi32, #tpu.memory_space<vmem>>, vector<1x1x250xi32>
    %swap3A_599 = vector.shape_cast %swap3A_598 : vector<1x1x250xi32> to vector<250xi32>
    %swap3A_600 = vector.shape_cast %convert_element_type3A_594 : vector<250xi32> to vector<1x1x250xi32>
    tpu.vector_store %arg7[%swap3A_595, %swap3A_596, %swap3A_597], %swap3A_600 {strides = array<i32>} : memref<1x1x5000xi32, #tpu.memory_space<vmem>>, vector<1x1x250xi32>,
    %reduce_sum3A_601 = arith.constant dense<0.000000e+00> : vector<81xf32>
    %reduce_sum3A_602 = vector.multi_reduction <add>, %convert_element_type3A_579, %reduce_sum3A_601 [0] : vector<250x81xf32> to vector<81xf32>
    %add3A_603 = arith.addf %add3A_573, %reduce_sum3A_602 : vector<81xf32>
    %slice3A_604 = vector.extract_strided_slice %select_n3A_18 {offsets = [4750], sizes = [250], strides = [1]} : vector<5000xi32> to vector<250xi32>
    %broadcast_in_dim3A_605 = vector.shape_cast %slice3A_604 : vector<250xi32> to vector<250x1xi32>
    %eq3A_606 = vector.broadcast %broadcast_in_dim3A_605 : vector<250x1xi32> to vector<250x81xi32>
    %eq3A_607 = arith.cmpi eq, %eq3A_606, %iota3A_35 : vector<250x81xi32>
    %convert_element_type3A_608 = arith.extui %eq3A_607 : vector<250x81xi1> to vector<250x81xi32>
    %convert_element_type3A_609 = arith.sitofp %convert_element_type3A_608 : vector<250x81xi32> to vector<250x81xf32>
    %convert_element_type3A_610 = arith.extui %eq3A_607 : vector<250x81xi1> to vector<250x81xi32>
    %convert_element_type3A_611 = arith.sitofp %convert_element_type3A_610 : vector<250x81xi32> to vector<250x81xf32>
    %convert_element_type3A_612 = arith.truncf %convert_element_type3A_611 : vector<250x81xf32> to vector<250x81xbf16>
    %dot_general3A_613 = arith.constant dense<0.000000e+00> : vector<250x81xf32>
    %dot_general3A_614 = tpu.matmul %convert_element_type3A_34, %convert_element_type3A_612, %dot_general3A_613 {dimension_numbers = #tpu.dot_dimension_numbers<[1], [0], [0], [1], [0, 0, 1, 1], [], []>, transpose_lhs_hint = false} : vector<250x250xbf16>, vector<250x81xbf16>, vector<250x81xf32> -> vector<250x81xf32>
    %mul3A_615 = arith.mulf %dot_general3A_614, %convert_element_type3A_609 : vector<250x81xf32>
    %reduce_sum3A_616 = arith.constant dense<0.000000e+00> : vector<250xf32>
    %reduce_sum3A_617 = vector.multi_reduction <add>, %mul3A_615, %reduce_sum3A_616 [1] : vector<250x81xf32> to vector<250xf32>
    %broadcast_in_dim3A_618 = vector.shape_cast %add3A_603 : vector<81xf32> to vector<1x81xf32>
    %mul3A_619 = vector.broadcast %broadcast_in_dim3A_618 : vector<1x81xf32> to vector<250x81xf32>
    %mul3A_620 = arith.mulf %convert_element_type3A_609, %mul3A_619 : vector<250x81xf32>
    %reduce_sum3A_621 = arith.constant dense<0.000000e+00> : vector<250xf32>
    %reduce_sum3A_622 = vector.multi_reduction <add>, %mul3A_620, %reduce_sum3A_621 [1] : vector<250x81xf32> to vector<250xf32>
    %add3A_623 = arith.addf %reduce_sum3A_622, %reduce_sum3A_617 : vector<250xf32>
    %convert_element_type3A_624 = arith.fptosi %add3A_623 : vector<250xf32> to vector<250xi32>
    %swap3A_625 = arith.constant 0 : index
    %swap3A_626 = arith.constant 0 : index
    %swap3A_627 = arith.constant 4750 : index
    %swap3A_628 = vector.load %arg7[%swap3A_625, %swap3A_626, %swap3A_627] : memref<1x1x5000xi32, #tpu.memory_space<vmem>>, vector<1x1x250xi32>
    %swap3A_629 = vector.shape_cast %swap3A_628 : vector<1x1x250xi32> to vector<250xi32>
    %swap3A_630 = vector.shape_cast %convert_element_type3A_624 : vector<250xi32> to vector<1x1x250xi32>
    tpu.vector_store %arg7[%swap3A_625, %swap3A_626, %swap3A_627], %swap3A_630 {strides = array<i32>} : memref<1x1x5000xi32, #tpu.memory_space<vmem>>, vector<1x1x250xi32>,
    %reduce_sum3A_631 = arith.constant dense<0.000000e+00> : vector<81xf32>
    %reduce_sum3A_632 = vector.multi_reduction <add>, %convert_element_type3A_609, %reduce_sum3A_631 [0] : vector<250x81xf32> to vector<81xf32>
    %add3A_633 = arith.addf %add3A_603, %reduce_sum3A_632 : vector<81xf32>
    %convert_element_type3A_634 = arith.fptosi %add3A_633 : vector<81xf32> to vector<81xi32>
    %swap3A_635 = arith.constant 0 : index
    %swap3A_636 = arith.constant 0 : index
    %swap3A_637 = arith.constant 0 : index
    %swap3A_638 = vector.load %arg8[%swap3A_635, %swap3A_636, %swap3A_637] : memref<1x1x88xi32, #tpu.memory_space<vmem>>, vector<1x1x81xi32>
    %swap3A_639 = vector.shape_cast %swap3A_638 : vector<1x1x81xi32> to vector<81xi32>
    %swap3A_640 = vector.shape_cast %convert_element_type3A_634 : vector<81xi32> to vector<1x1x81xi32>
    tpu.vector_store %arg8[%swap3A_635, %swap3A_636, %swap3A_637], %swap3A_640 {strides = array<i32>} : memref<1x1x88xi32, #tpu.memory_space<vmem>>, vector<1x1x81xi32>,
    %broadcast_in_dim3A_641 = arith.constant 0 : i32
    %broadcast_in_dim3A_642 = vector.broadcast %broadcast_in_dim3A_641 : i32 to vector<7xi32>
    %swap3A_643 = arith.constant 0 : index
    %swap3A_644 = arith.constant 0 : index
    %swap3A_645 = arith.constant 81 : index
    %swap3A_646 = vector.load %arg8[%swap3A_643, %swap3A_644, %swap3A_645] : memref<1x1x88xi32, #tpu.memory_space<vmem>>, vector<1x1x7xi32>
    %swap3A_647 = vector.shape_cast %swap3A_646 : vector<1x1x7xi32> to vector<7xi32>
    %swap3A_648 = vector.shape_cast %broadcast_in_dim3A_642 : vector<7xi32> to vector<1x1x7xi32>
    tpu.vector_store %arg8[%swap3A_643, %swap3A_644, %swap3A_645], %swap3A_648 {strides = array<i32>} : memref<1x1x88xi32, #tpu.memory_space<vmem>>, vector<1x1x7xi32>,
    %get3A_649 = arith.constant 0 : index
    %get3A_650 = arith.constant 0 : index
    %get3A_651 = vector.load %arg3[%get3A_649, %get3A_650] : memref<4x5000xf32, #tpu.memory_space<vmem>>, vector<4x5000xf32>
    %slice3A_652 = vector.extract_strided_slice %get3A_651 {offsets = [2, 0], sizes = [1, 5000], strides = [1, 1]} : vector<4x5000xf32> to vector<1x5000xf32>
    %squeeze3A = vector.shape_cast %slice3A_652 : vector<1x5000xf32> to vector<5000xf32>
    %slice3A_653 = vector.extract_strided_slice %get3A_651 {offsets = [0, 0], sizes = [1, 5000], strides = [1, 1]} : vector<4x5000xf32> to vector<1x5000xf32>
    %squeeze3A_654 = vector.shape_cast %slice3A_653 : vector<1x5000xf32> to vector<5000xf32>
    %sub3A_655 = arith.subf %squeeze3A, %squeeze3A_654 : vector<5000xf32>
    %slice3A_656 = vector.extract_strided_slice %get3A_651 {offsets = [3, 0], sizes = [1, 5000], strides = [1, 1]} : vector<4x5000xf32> to vector<1x5000xf32>
    %squeeze3A_657 = vector.shape_cast %slice3A_656 : vector<1x5000xf32> to vector<5000xf32>
    %slice3A_658 = vector.extract_strided_slice %get3A_651 {offsets = [1, 0], sizes = [1, 5000], strides = [1, 1]} : vector<4x5000xf32> to vector<1x5000xf32>
    %squeeze3A_659 = vector.shape_cast %slice3A_658 : vector<1x5000xf32> to vector<5000xf32>
    %sub3A_660 = arith.subf %squeeze3A_657, %squeeze3A_659 : vector<5000xf32>
    %slice3A_661 = vector.extract_strided_slice %get3A_651 {offsets = [2, 0], sizes = [1, 5000], strides = [1, 1]} : vector<4x5000xf32> to vector<1x5000xf32>
    %squeeze3A_662 = vector.shape_cast %slice3A_661 : vector<1x5000xf32> to vector<5000xf32>
    %slice3A_663 = vector.extract_strided_slice %get3A_651 {offsets = [0, 0], sizes = [1, 5000], strides = [1, 1]} : vector<4x5000xf32> to vector<1x5000xf32>
    %squeeze3A_664 = vector.shape_cast %slice3A_663 : vector<1x5000xf32> to vector<5000xf32>
    %add3A_665 = arith.addf %squeeze3A_662, %squeeze3A_664 : vector<5000xf32>
    %mul3A_666 = arith.constant 5.000000e-01 : f32
    %mul3A_667 = vector.broadcast %mul3A_666 : f32 to vector<5000xf32>
    %mul3A_668 = arith.mulf %add3A_665, %mul3A_667 : vector<5000xf32>
    %slice3A_669 = vector.extract_strided_slice %get3A_651 {offsets = [3, 0], sizes = [1, 5000], strides = [1, 1]} : vector<4x5000xf32> to vector<1x5000xf32>
    %squeeze3A_670 = vector.shape_cast %slice3A_669 : vector<1x5000xf32> to vector<5000xf32>
    %slice3A_671 = vector.extract_strided_slice %get3A_651 {offsets = [1, 0], sizes = [1, 5000], strides = [1, 1]} : vector<4x5000xf32> to vector<1x5000xf32>
    %squeeze3A_672 = vector.shape_cast %slice3A_671 : vector<1x5000xf32> to vector<5000xf32>
    %add3A_673 = arith.addf %squeeze3A_670, %squeeze3A_672 : vector<5000xf32>
    %mul3A_674 = arith.constant 5.000000e-01 : f32
    %mul3A_675 = vector.broadcast %mul3A_674 : f32 to vector<5000xf32>
    %mul3A_676 = arith.mulf %add3A_673, %mul3A_675 : vector<5000xf32>
    %get3A_677 = arith.constant 0 : index
    %get3A_678 = arith.constant 0 : index
    %get3A_679 = arith.constant 0 : index
    %get3A_680 = vector.load %arg2[%get3A_677, %get3A_678, %get3A_679] : memref<1x4x5000xf32, #tpu.memory_space<vmem>>, vector<1x4x5000xf32>
    %get3A_681 = vector.shape_cast %get3A_680 : vector<1x4x5000xf32> to vector<4x5000xf32>
    %slice3A_682 = vector.extract_strided_slice %get3A_681 {offsets = [0, 0], sizes = [1, 5000], strides = [1, 1]} : vector<4x5000xf32> to vector<1x5000xf32>
    %squeeze3A_683 = vector.shape_cast %slice3A_682 : vector<1x5000xf32> to vector<5000xf32>
    %mul3A_684 = arith.constant 1.000000e-01 : f32
    %mul3A_685 = vector.broadcast %mul3A_684 : f32 to vector<5000xf32>
    %mul3A_686 = arith.mulf %squeeze3A_683, %mul3A_685 : vector<5000xf32>
    %mul3A_687 = arith.mulf %mul3A_686, %sub3A_655 : vector<5000xf32>
    %add3A_688 = arith.addf %mul3A_668, %mul3A_687 : vector<5000xf32>
    %slice3A_689 = vector.extract_strided_slice %get3A_681 {offsets = [1, 0], sizes = [1, 5000], strides = [1, 1]} : vector<4x5000xf32> to vector<1x5000xf32>
    %squeeze3A_690 = vector.shape_cast %slice3A_689 : vector<1x5000xf32> to vector<5000xf32>
    %mul3A_691 = arith.constant 1.000000e-01 : f32
    %mul3A_692 = vector.broadcast %mul3A_691 : f32 to vector<5000xf32>
    %mul3A_693 = arith.mulf %squeeze3A_690, %mul3A_692 : vector<5000xf32>
    %mul3A_694 = arith.mulf %mul3A_693, %sub3A_660 : vector<5000xf32>
    %add3A_695 = arith.addf %mul3A_676, %mul3A_694 : vector<5000xf32>
    %slice3A_696 = vector.extract_strided_slice %get3A_681 {offsets = [2, 0], sizes = [1, 5000], strides = [1, 1]} : vector<4x5000xf32> to vector<1x5000xf32>
    %squeeze3A_697 = vector.shape_cast %slice3A_696 : vector<1x5000xf32> to vector<5000xf32>
    %mul3A_698 = arith.constant 2.000000e-01 : f32
    %mul3A_699 = vector.broadcast %mul3A_698 : f32 to vector<5000xf32>
    %mul3A_700 = arith.mulf %squeeze3A_697, %mul3A_699 : vector<5000xf32>
    %exp3A_701 = math.exp %mul3A_700 : vector<5000xf32>
    %mul3A_702 = arith.mulf %sub3A_655, %exp3A_701 : vector<5000xf32>
    %slice3A_703 = vector.extract_strided_slice %get3A_681 {offsets = [3, 0], sizes = [1, 5000], strides = [1, 1]} : vector<4x5000xf32> to vector<1x5000xf32>
    %squeeze3A_704 = vector.shape_cast %slice3A_703 : vector<1x5000xf32> to vector<5000xf32>
    %mul3A_705 = arith.constant 2.000000e-01 : f32
    %mul3A_706 = vector.broadcast %mul3A_705 : f32 to vector<5000xf32>
    %mul3A_707 = arith.mulf %squeeze3A_704, %mul3A_706 : vector<5000xf32>
    %exp3A_708 = math.exp %mul3A_707 : vector<5000xf32>
    %mul3A_709 = arith.mulf %sub3A_660, %exp3A_708 : vector<5000xf32>
    %mul3A_710 = arith.constant 5.000000e-01 : f32
    %mul3A_711 = vector.broadcast %mul3A_710 : f32 to vector<5000xf32>
    %mul3A_712 = arith.mulf %mul3A_702, %mul3A_711 : vector<5000xf32>
    %sub3A_713 = arith.subf %add3A_688, %mul3A_712 : vector<5000xf32>
    %mul3A_714 = arith.constant 5.000000e-01 : f32
    %mul3A_715 = vector.broadcast %mul3A_714 : f32 to vector<5000xf32>
    %mul3A_716 = arith.mulf %mul3A_709, %mul3A_715 : vector<5000xf32>
    %sub3A_717 = arith.subf %add3A_695, %mul3A_716 : vector<5000xf32>
    %mul3A_718 = arith.constant 5.000000e-01 : f32
    %mul3A_719 = vector.broadcast %mul3A_718 : f32 to vector<5000xf32>
    %mul3A_720 = arith.mulf %mul3A_702, %mul3A_719 : vector<5000xf32>
    %add3A_721 = arith.addf %add3A_688, %mul3A_720 : vector<5000xf32>
    %mul3A_722 = arith.constant 5.000000e-01 : f32
    %mul3A_723 = vector.broadcast %mul3A_722 : f32 to vector<5000xf32>
    %mul3A_724 = arith.mulf %mul3A_709, %mul3A_723 : vector<5000xf32>
    %add3A_725 = arith.addf %add3A_695, %mul3A_724 : vector<5000xf32>
    %swap3A_726 = arith.constant 0 : index
    %swap3A_727 = arith.constant 0 : index
    %swap3A_728 = arith.constant 0 : index
    %swap3A_729 = vector.load %arg6[%swap3A_726, %swap3A_727, %swap3A_728] : memref<1x4x5000xf32, #tpu.memory_space<vmem>>, vector<1x1x5000xf32>
    %swap3A_730 = vector.shape_cast %swap3A_729 : vector<1x1x5000xf32> to vector<5000xf32>
    %swap3A_731 = vector.shape_cast %sub3A_713 : vector<5000xf32> to vector<1x1x5000xf32>
    tpu.vector_store %arg6[%swap3A_726, %swap3A_727, %swap3A_728], %swap3A_731 {strides = array<i32>} : memref<1x4x5000xf32, #tpu.memory_space<vmem>>, vector<1x1x5000xf32>,
    %swap3A_732 = arith.constant 0 : index
    %swap3A_733 = arith.constant 1 : index
    %swap3A_734 = arith.constant 0 : index
    %swap3A_735 = vector.load %arg6[%swap3A_732, %swap3A_733, %swap3A_734] : memref<1x4x5000xf32, #tpu.memory_space<vmem>>, vector<1x1x5000xf32>
    %swap3A_736 = vector.shape_cast %swap3A_735 : vector<1x1x5000xf32> to vector<5000xf32>
    %swap3A_737 = vector.shape_cast %sub3A_717 : vector<5000xf32> to vector<1x1x5000xf32>
    tpu.vector_store %arg6[%swap3A_732, %swap3A_733, %swap3A_734], %swap3A_737 {strides = array<i32>} : memref<1x4x5000xf32, #tpu.memory_space<vmem>>, vector<1x1x5000xf32>,
    %swap3A_738 = arith.constant 0 : index
    %swap3A_739 = arith.constant 2 : index
    %swap3A_740 = arith.constant 0 : index
    %swap3A_741 = vector.load %arg6[%swap3A_738, %swap3A_739, %swap3A_740] : memref<1x4x5000xf32, #tpu.memory_space<vmem>>, vector<1x1x5000xf32>
    %swap3A_742 = vector.shape_cast %swap3A_741 : vector<1x1x5000xf32> to vector<5000xf32>
    %swap3A_743 = vector.shape_cast %add3A_721 : vector<5000xf32> to vector<1x1x5000xf32>
    tpu.vector_store %arg6[%swap3A_738, %swap3A_739, %swap3A_740], %swap3A_743 {strides = array<i32>} : memref<1x4x5000xf32, #tpu.memory_space<vmem>>, vector<1x1x5000xf32>,
    %swap3A_744 = arith.constant 0 : index
    %swap3A_745 = arith.constant 3 : index
    %swap3A_746 = arith.constant 0 : index
    %swap3A_747 = vector.load %arg6[%swap3A_744, %swap3A_745, %swap3A_746] : memref<1x4x5000xf32, #tpu.memory_space<vmem>>, vector<1x1x5000xf32>
    %swap3A_748 = vector.shape_cast %swap3A_747 : vector<1x1x5000xf32> to vector<5000xf32>
    %swap3A_749 = vector.shape_cast %add3A_725 : vector<5000xf32> to vector<1x1x5000xf32>
    tpu.vector_store %arg6[%swap3A_744, %swap3A_745, %swap3A_746], %swap3A_749 {strides = array<i32>} : memref<1x4x5000xf32, #tpu.memory_space<vmem>>, vector<1x1x5000xf32>,
    return
  }
  func.func @transform_0(%arg0: i32) -> (i32, i32, i32) {
    %c0_i32 = arith.constant 0 : i32
    %c0_i32_0 = arith.constant 0 : i32
    %c0_i32_1 = arith.constant 0 : i32
    return %arg0, %c0_i32, %c0_i32_0 : i32, i32, i32
  }
  func.func @transform_1(%arg0: i32) -> (i32, i32, i32) {
    %c0_i32 = arith.constant 0 : i32
    %c0_i32_0 = arith.constant 0 : i32
    %c0_i32_1 = arith.constant 0 : i32
    return %arg0, %c0_i32, %c0_i32_0 : i32, i32, i32
  }
  func.func @transform_2(%arg0: i32) -> (i32, i32) {
    %c0_i32 = arith.constant 0 : i32
    %c0_i32_0 = arith.constant 0 : i32
    %c0_i32_1 = arith.constant 0 : i32
    return %c0_i32, %c0_i32_0 : i32, i32
  }
  func.func @transform_3(%arg0: i32) -> (i32, i32, i32) {
    %c0_i32 = arith.constant 0 : i32
    %c0_i32_0 = arith.constant 0 : i32
    %c0_i32_1 = arith.constant 0 : i32
    return %arg0, %c0_i32, %c0_i32_0 : i32, i32, i32
  }
  func.func @transform_4(%arg0: i32) -> (i32, i32, i32) {
    %c0_i32 = arith.constant 0 : i32
    %c0_i32_0 = arith.constant 0 : i32
    %c0_i32_1 = arith.constant 0 : i32
    return %arg0, %c0_i32, %c0_i32_0 : i32, i32, i32
  }
  func.func @transform_5(%arg0: i32) -> (i32, i32, i32) {
    %c0_i32 = arith.constant 0 : i32
    %c0_i32_0 = arith.constant 0 : i32
    %c0_i32_1 = arith.constant 0 : i32
    return %arg0, %c0_i32, %c0_i32_0 : i32, i32, i32
  }
  func.func @transform_6(%arg0: i32) -> (i32, i32, i32) {
    %c0_i32 = arith.constant 0 : i32
    %c0_i32_0 = arith.constant 0 : i32
    %c0_i32_1 = arith.constant 0 : i32
    return %arg0, %c0_i32, %c0_i32_0 : i32, i32, i32
  }
  func.func @transform_7(%arg0: i32) -> (i32, i32, i32) {
    %c0_i32 = arith.constant 0 : i32
    %c0_i32_0 = arith.constant 0 : i32
    %c0_i32_1 = arith.constant 0 : i32
    return %arg0, %c0_i32, %c0_i32_0 : i32, i32, i32
  }
}

</mosaic_0001>

<sc_bundles>
// kernel: kernel.4.cloned.1.call-start
scs
__scs_entry_jumppad:
0x0: {  	(pc) =	sbr.rel $0x88, $3  }
0x1: {  	(tag) =	ssettag $0x0;
	lr =	simm.s32 $0x1  }
0x2: {  	[smem:$0x3F9E] =	sst lr;
	_ =	strace $0xD0000000  }
0x3: {  	_ = 	snop  }
0x4: {  	_ = 	snop  }
0x5: {  	_ = 	snop  }
0x6: {  	_ = 	snop  }
0x7: {  	_ = 	snop  }
__scs_overlays_trampoline_lowered:
0x8: {  	[smem:$0x3FAD] =	sst s0  }
0x9: {  	[smem:$0x3FAE] =	sst s1  }
0xa: {  	[smem:$0x3FAF] =	sst s2  }
0xb: {  	[smem:$0x3FB0] =	sst s3  }
0xc: {  	[smem:$0x3FB1] =	sst s4  }
0xd: {  	[smem:$0x3FB2] =	sst s5  }
0xe: {  	[smem:$0x3FB3] =	sst s6  }
0xf: {  	[smem:$0x3FB4] =	sst s7  }
0x10: {  	[smem:$0x3FB5] =	sst s8  }
0x11: {  	[smem:$0x3FB6] =	sst s9;
	s0 =	simm.s32 @!p0 $0x0  }
0x12: {  	s1 =	sld [smem:$0x3F9C];
	s0 =	simm.s32 @p0 $0x1  }
0x13: {  	[smem:$0x3FB7] =	sst s0;
	s0 =	simm.s32 @!p1 $0x0  }
0x14: {  	s2 =	sld [smem:$0x3F9B];
	s0 =	simm.s32 @p1 $0x1  }
0x15: {  	[smem:$0x3FB8] =	sst s0;
	s0 =	simm.s32 @!p2 $0x0  }
0x16: {  	s3 =	sld [smem:$0x3FDB];
	s0 =	simm.s32 @p2 $0x1  }
0x17: {  	s4 =	simm.s32 $0x1BF5;
	[smem:$0x3FBA] =	sst s0  }
0x18: {  	s0 =	sld [smem:$0x3F9D];
	_ =	swait.ge [sflag:s4], $0x0  }
0x19: {  	s7 =	sld [smem:$0x3F9E]  }
0x1a: {  	s8 =	sadd.s32 $0xFFFFE003, lr  }
0x1b: {  	s9 =	sadd.s32 $0xFFFFFEF7, lr;
	s5 =	simm.s32 $0xFFFFFFFF;
	p2 =	slt.u32 s8, $0xFFFFF086  }
0x1c: {  	p1 =	slt.u32 s9, $0xF7A;
	s5 =	simm.s32 @!p2 $0x0  }
0x1d: {  	s5 =	simm.s32 @p1 $0x1;
	p0 =	seq.s32 s7, s2  }
0x1e: {  	s7 =	smul.u32 @!p0 $0xF7A, s2;
	p2 =	seq.s32 @!p0 s5, $0x0  }
0x1f: {  	s9 =	smul.u32 $0xF7A, s1;
	s8 =	simm.s32 @!p0 $0x1BF5;
	p2 =	por !p2, p0  }
0x20: {  	[sflag:s8] =	ssyncset.s32 @!p0 $0xFFFFF086;
	s6 =	sadd.s32 @!p0 s3, s7;
	s7 =	simm.s32 @!p0 $0x108  }
0x21: {  	s3 =	sadd.s32 s3, s9;
	s6 =	sadd.s32 @!p0 $0x88, s6;
	s7 =	simm.s32 @p2 $0x1082  }
0x22: {  	[simem:s7], [sflag:s8] =	dma.local @!p0 [hbm:s6], $0xF7A  }
0x23: {  	s9 =	sor.u32 $0xD0000000, s2;
	s6 =	simm.s32 $0x108;
	_ =	swait.ge @!p0 [sflag:s8], $0x0  }
0x24: {  	s3 =	sadd.s32 $0x88, s3;
	s6 =	simm.s32 @!p1 $0x1082;
	[sflag:s4] =	ssyncset.s32 $0xFFFFF086  }
0x25: {  	[simem:s6], [sflag:s4] =	dma.local [hbm:s3], $0xF7A  }
0x26: {  	[smem:$0x3F9E] =	sst s1;
	(tag) =	ssettag s2;
	_ =	strace s9  }
0x27: {  	s1 =	sld [smem:$0x3FAE]  }
0x28: {  	s2 =	sld [smem:$0x3FAF]  }
0x29: {  	s4 =	sld [smem:$0x3FB1]  }
0x2a: {  	p0 =	seq.s32 s5, $0x0;
	s5 =	sld [smem:$0x3FB2]  }
0x2b: {  	s6 =	sld [smem:$0x3FB3]  }
0x2c: {  	s7 =	sld [smem:$0x3FB4]  }
0x2d: {  	s3 =	simm.s32 $0x108;
	s8 =	sld [smem:$0x3FB5]  }
0x2e: {  	s3 =	simm.s32 @!p0 $0x1082;
	s9 =	sld [smem:$0x3FB6]  }
0x2f: {  	lr =	sadd.s32 s0, s3;
	s0 =	sld [smem:$0x3FAD]  }
0x30: {  	s3 =	sld [smem:$0x3FB0]  }
0x31: {  	[smem:$0x3FB9] =	sst s10  }
0x32: {  	s10 =	sld [smem:$0x3FB7];
	_ =	sdelay $0x3  }
0x33: {  	p0 =	seq.s32 s10, $0x1;
	s10 =	sld [smem:$0x3FB9];
	_ =	sdelay $0x3  }
0x34: {  	[smem:$0x3FB9] =	sst s10  }
0x35: {  	s10 =	sld [smem:$0x3FB8];
	_ =	sdelay $0x3  }
0x36: {  	p1 =	seq.s32 s10, $0x1;
	s10 =	sld [smem:$0x3FB9];
	_ =	sdelay $0x3  }
0x37: {  	[smem:$0x3FB9] =	sst s10  }
0x38: {  	s10 =	sld [smem:$0x3FBA]  }
0x39: {  	_ = 	snop;
	(pc) =	sbr.ind lr, $3  }
0x3a: {  	_ = 	snop  }
0x3b: {  	_ = 	snop  }
0x3c: {  	p2 =	seq.s32 s10, $0x1;
	s10 =	sld [smem:$0x3FB9]  }
0x3d: {  	_ =	shalt  }
0x3e: {  	_ =	shalt  }
0x3f: {  	_ =	shalt  }
0x40: {  	_ =	shalt  }
0x41: {  	_ =	shalt  }
0x42: {  	_ =	shalt  }
0x43: {  	_ =	shalt  }
0x44: {  	_ =	shalt  }
0x45: {  	_ =	shalt  }
0x46: {  	_ =	shalt  }
0x47: {  	_ =	shalt  }
0x48: {  	_ =	shalt  }
0x49: {  	_ =	shalt  }
0x4a: {  	_ =	shalt  }
0x4b: {  	_ =	shalt  }
0x4c: {  	_ =	shalt  }
0x4d: {  	_ =	shalt  }
0x4e: {  	_ =	shalt  }
0x4f: {  	_ =	shalt  }
0x50: {  	_ =	shalt  }
0x51: {  	_ =	shalt  }
0x52: {  	_ =	shalt  }
0x53: {  	_ =	shalt  }
0x54: {  	_ =	shalt  }
0x55: {  	_ =	shalt  }
0x56: {  	_ =	shalt  }
0x57: {  	_ =	shalt  }
0x58: {  	_ =	shalt  }
0x59: {  	_ =	shalt  }
0x5a: {  	_ =	shalt  }
0x5b: {  	_ =	shalt  }
0x5c: {  	_ =	shalt  }
0x5d: {  	_ =	shalt  }
0x5e: {  	_ =	shalt  }
0x5f: {  	_ =	shalt  }
0x60: {  	_ =	shalt  }
0x61: {  	_ =	shalt  }
0x62: {  	_ =	shalt  }
0x63: {  	_ =	shalt  }
0x64: {  	_ =	shalt  }
0x65: {  	_ =	shalt  }
0x66: {  	_ =	shalt  }
0x67: {  	_ =	shalt  }
0x68: {  	_ =	shalt  }
0x69: {  	_ =	shalt  }
0x6a: {  	_ =	shalt  }
0x6b: {  	_ =	shalt  }
0x6c: {  	_ =	shalt  }
0x6d: {  	_ =	shalt  }
0x6e: {  	_ =	shalt  }
0x6f: {  	_ =	shalt  }
0x70: {  	_ =	shalt  }
0x71: {  	_ =	shalt  }
0x72: {  	_ =	shalt  }
0x73: {  	_ =	shalt  }
0x74: {  	_ =	shalt  }
0x75: {  	_ =	shalt  }
0x76: {  	_ =	shalt  }
0x77: {  	_ =	shalt  }
0x78: {  	_ =	shalt  }
0x79: {  	_ =	shalt  }
0x7a: {  	_ =	shalt  }
0x7b: {  	_ =	shalt  }
0x7c: {  	_ =	shalt  }
0x7d: {  	_ =	shalt  }
0x7e: {  	_ =	shalt  }
0x7f: {  	_ =	shalt  }
0x80: {  	_ =	shalt  }
0x81: {  	_ =	shalt  }
0x82: {  	_ =	shalt  }
0x83: {  	_ =	shalt  }
0x84: {  	_ =	shalt  }
0x85: {  	_ =	shalt  }
0x86: {  	_ =	shalt  }
0x87: {  	_ =	shalt  }
.Lfunc_end0:
.L_simem_size_0:
called_computation_lowered:
.L_overlay_start_0:
0x88: {  	s2 =	sld [smem:$0x3FD9]  }
0x89: {  	s3 =	sld [smem:$0x3FFE];
	_ =	sdelay $0x1  }
0x8a: {  	s1 =	srdreg.scid  }
0x8b: {  	s0 =	sand.u32 $0x1, s1  }
0x8c: {  	s14 =	sshll.u32 s0, $0xA;
	s2 =	sadd.s32 s3, s2  }
0x8d: {  	s2 =	sadd.s32 s2, s14  }
0x8e: {  	[smem:$0x3FC5] =	sst s2  }
0x8f: {  	_ = 	snop  }
0x90: {  	s2 =	sld [smem:$0x3FD0];
	_ =	sdelay $0x2  }
0x91: {  	s15 =	simm.s32 $0xA;
	s4 =	simm.s32 $0x10  }
0x92: {  	[smem:s4], [sflag:s15] =	dma.local [hbm:s2], $0x1  }
0x93: {  	_ =	swait.eq [sflag:s15], $0x1  }
0x94: {  	[sflag:s15] =	ssyncset.done $0x0  }
0x95: {  	[sflag:s15] =	ssyncadd.s32 $0xFFFFFFFF  }
0x96: {  	s16 =	sld [smem:$0x12];
	(tm) =	ssettm $0x1  }
0x97: {  	s17 =	sld [smem:$0x3FFB];
	_ =	sdelay $0x3  }
0x98: {  	_ =	strace s17  }
0x99: {  	s3 =	sld [smem:$0x3FFC];
	_ =	sdelay $0x3  }
0x9a: {  	_ =	strace s3  }
0x9b: {  	s3 =	sld [smem:$0x3FFD];
	_ =	sdelay $0x3  }
0x9c: {  	_ =	strace s3  }
0x9d: {  	_ =	strace $0x8FFFFFFF  }
0x9e: {  	s18 =	sld [smem:$0x3FDB];
	_ =	sdelay $0x1  }
0x9f: {  	s19 =	simm.s32 $_scs_section_size  }
0xa0: {  	s5 =	simm.s32 $_size__tile_overlayer_lowered;
	s6 =	simm.s32 $_tile_overlayer_lowered  }
0xa1: {  	s22 =	simm.s32 $0x1BFF;
	s21 =	sshll.u32 s6, $0x1;
	s3 =	sadd.s32 s19, s18  }
0xa2: {  	s7 =	simm.s32 $0x0;
	s20 =	sshll.u32 s5, $0x1;
	s5 =	sadd.s32 s21, s3  }
0xa3: {  	[timem:s7], [sflag:s22] =	dma.local [hbm:s5], s20  }
0xa4: {  	_ =	swait.ge [sflag:s22], s20  }
0xa5: {  	s4 =	ssub.s32 $0x0, s20;
	[sflag:s22] =	ssyncset.done $0x0  }
0xa6: {  	[sflag:s22] =	ssyncadd.s32 s4;
	_ =	sdelay $0x1  }
0xa7: {  	s23 =	simm.s32 $0x1B8B  }
0xa8: {  	_ =	swait.ge [sflag:s23], $0x1  }
0xa9: {  	[sflag:s23] =	ssyncset.done $0x0  }
0xaa: {  	s25 =	simm.s32 $0x1B8E;
	s24 =	sld [smem:$0x3FFE];
	[sflag:s23] =	ssyncadd.s32 $0xFFFFFFFF  }
0xab: {  	s26 =	simm.s32 $execute0_lowered;
	[smem:$0x3FD2] =	sst s25  }
0xac: {  	s5 =	sshll.u32 s26, $0x1;
	_ =	strace $0x80000046;
	[dreg:$0x1] =	wrdreg $0xFFFFFFFF  }
0xad: {  	s28 =	simm.s32 $_size_execute0_lowered;
	s3 =	sadd.s32 s3, s5;
	[dreg:$0x0] =	wrdreg $0x0  }
0xae: {  	s5 =	sshll.u32 s28, $0x1;
	[dreg:$0x2] =	wrdreg s3  }
0xaf: {  	[dreg:$0x3] =	wrdreg s5  }
0xb0: {  	[dreg:$0x4] =	wrdreg $0xC0  }
0xb1: {  	_ =	task [dreg:s7], $0x5FFFF  }
0xb2: {  	[dreg:$0x1] =	wrdreg $0xFFFFFFFF  }
0xb3: {  	[dreg:$0x0] =	wrdreg $0x60  }
0xb4: {  	[dreg:$0x2] =	wrdreg s24  }
0xb5: {  	[dreg:$0x3] =	wrdreg s16  }
0xb6: {  	[dreg:$0x4] =	wrdreg $0x15A480  }
0xb7: {  	[dreg:$0x5] =	wrdreg $0x9  }
0xb8: {  	_ =	task.clear_ibuf [dreg:s7], $0x6FFFF;
	_ =	strace $0x90000046  }
0xb9: {  	s29 =	simm.s32 $0x9;
	_ =	strace $0x80000048  }
0xba: {  	_ =	swait.ge [sflag:s29], $0x1  }
0xbb: {  	[sflag:s29] =	ssyncadd.s32 $0xFFFFFFFF  }
0xbc: {  	_ =	strace $0x90000048  }
0xbd: {  	_ =	sfence  }
0xbe: {  	s30 =	sld [smem:$0x0];
	_ =	sdelay $0x2  }
0xbf: {  	s31 =	sshll.u32 s1, $0xD;
	s1 =	sshrl.u32 s1, $0x2  }
0xc0: {  	s3 =	sand.u32 $0x4000, s31;
	s1 =	sadd.s32 s1, s30  }
0xc1: {  	s0 =	sor.u32 s3, s0;
	s1 =	sshll.u32 s1, $0x11  }
0xc2: {  	s0 =	sor.u32 s1, s0  }
0xc3: {  	s0 =	sadd.s32 $0x8F2B, s0  }
0xc4: {  	[sflag:s0] =	ssyncadd.remote.s32 $0x1  }
0xc5: {  	_ =	sfence.sel $0xFFFF  }
0xc6: {  	[dreg:$0x0] =	wrdreg $0xFFFFFFFF;
	(pc) =	sbr.abs _section_cstart, $3  }
0xc7: {  	[dreg:$0x1] =	wrdreg $0xFFFFFFFF  }
0xc8: {  	_ =	task.clear_ibuf [dreg:s7], $0x2FFFF;
	_ =	strace $0x9FFFFFFF  }
0xc9: {  	(tm) =	ssettm $0x7FFFFFFF  }
tec
execute0_lowered:
.L_overlay_start_1:
0x0: {  	(tag) =	ssettag $0x1  }
0x1: {  	s0 =	srdreg.scid;
	s1 =	rddreg [dreg:$0x0]  }
0x2: {  	s11 =	stileid.u32;
	s4 =	rddreg [dreg:$0x1]  }
0x3: {  	s5 =	rddreg [dreg:$0x2];
	s26 =	simm.s32 $0x2;
	s0 =	sand.u32 $0x1, s0  }
0x4: {  	s28 =	simm.s32 $0x8948;
	s3 =	sshrl.u32 s11, $0x2;
	s2 =	sshll.u32 s0, $0x2  }
0x5: {  	s29 =	simm.s32 $0x1;
	s30 =	simm.s32 $0x89A8;
	s6 =	sor.u32 s3, s2  }
0x6: {  	s31 =	simm.s32 $0xA3A8;
	s0 =	ssub.s32 $0x2, s0;
	s3 =	smul.u32 $0x271, s6  }
0x7: {  	s2 =	simm.s32 $0x0;
	s8 =	sshrl.u32 s0, $0x1;
	s7 =	smul.u32 $0x64, s6  }
0x8: {  	[smem:$0x7FF] =	sst s2;
	s9 =	smul.u32 $0x4E20, s6;
	s0 =	ssub.s32 s0, s8  }
0x9: {  	s6 =	smul.u32 $0xB, s6;
	_ =	strace $0x80000047;
	s0 =	smax.u32 s0, $0x1  }
0xa: {  	[dreg:$0x4] =	wrdreg s26;
	s26 =	simm.s32 $0x88F0;
	s10 =	sadd.s32 s3, s1  }
0xb: {  	s7 =	sadd.s32 s7, s1;
	s3 =	sand.u32 $0x3, s11;
	s14 =	sshrl.u32 s9, $0x3  }
0xc: {  	s16 =	sadd.s32 $0x1388, s9;
	s4 =	sadd.s32 s4, s6;
	[dreg:$0x14] =	wrdreg s0  }
0xd: {  	s9 =	sadd.s32 $0x3A98, s9;
	s13 =	sadd.s32 $0x7800, s10;
	[dreg:$0xc] =	wrdreg s4  }
0xe: {  	s11 =	smul.u32 $0xC80, s11;
	s12 =	sadd.s32 $0x6400, s10;
	[dreg:$0x5] =	wrdreg s13  }
0xf: {  	s0 =	simm.s32 $0xD7A8;
	s15 =	sadd.s32 s1, s14;
	[dreg:$0x6] =	wrdreg s12  }
0x10: {  	s8 =	sshrl.u32 s16, $0x3;
	s20 =	sadd.s32 $0x5000, s10;
	[dreg:$0x7] =	wrdreg s15  }
0x11: {  	s17 =	sshrl.u32 s9, $0x3;
	s23 =	sadd.s32 $0x8C00, s7;
	[dreg:$0xb] =	wrdreg s20  }
0x12: {  	s24 =	sadd.s32 $0x9000, s7;
	s25 =	sadd.s32 $0x9400, s7;
	[dreg:$0x11] =	wrdreg s23  }
0x13: {  	p4 =	sne.s32 s3, $0x0;
	s14 =	simm.s32 $0x10BA8;
	[dreg:$0x12] =	wrdreg s24  }
0x14: {  	s16 =	simm.s32 $0x14148;
	s8 =	sadd.s32 s1, s8;
	[dreg:$0x13] =	wrdreg s25  }
0x15: {  	s18 =	sadd.s32 $0x4E2, s15;
	s1 =	sadd.s32 s1, s17;
	[dreg:$0x8] =	wrdreg s8  }
0x16: {  	v0 =	vimm.s32 $0x76543210;
	s19 =	sshrl.u32 s11, $0x2;
	s13 =	simm.s32 $0xF1A8;
	[dreg:$0x9] =	wrdreg s18  }
0x17: {  	vm0 =	vmmov $0xff;
	v2 =	vimm.f32 $-1.000000000e+00;
	v3 =	vlaneseq.u32;
	s4 =	simm.s32 @!p4 $0x0;
	[dreg:$0xa] =	wrdreg s1;
	s1 =	sadd.s32 s19, s5  }
.Ltmp0:
0x18: {  	vm1 =	vcmask $0x1310;
	vm5 =	vcmask $0x3F1C;
	v5 =	vimm.f32 $0.0e+00;
	s4 =	simm.s32 @p4 $0x1;
	[dreg:$0xd] =	wrdreg s1;
	(pc) =	sbr.rel .LBB2_1-.Ltmp0, $4  }
0x19: {  	vm3 =	vcmask $0x130C;
	vm4 =	vcmask $0x1308;
	vm6 =	vcmask $0x1304;
	s15 =	simm.s32 $0x13FA8;
	s21 =	sadd.s32 $0x320, s1;
	[smem:$0x7FD] =	sst s4  }
0x1a: {  	v1 =	vunpack.c.l.s4.s8 v0;
	v0 =	vimm.s32 $0x0;
	v4 =	vor.u32 $0x80000000, v3;
	s17 =	simm.s32 $0x125A8;
	s22 =	sadd.s32 $0x640, s1;
	[dreg:$0xe] =	wrdreg s21  }
0x1b: {  	vm2 =	vmor vm1, vm5;
	vm3 =	vmor vm3, vm5;
	vm4 =	vmor vm4, vm5;
	s20 =	simm.s32 $0x0;
	s1 =	sadd.s32 $0x960, s1;
	[dreg:$0xf] =	wrdreg s22  }
0x1c: {  	vm5 =	vmor vm6, vm5;
	v6 =	vand.u32 $0x7, v3;
	v1 =	vunpack.c.0.s8.s32 v1;
	s18 =	simm.s32 $0x14468;
	[dreg:$0x10] =	wrdreg s1;
	s1 =	simm.s32 $0xBDA8  }
.LBB2_27:
0x1d: {  	s4 =	rddreg [dreg:$0xd]  }
0x1e: {  	[spmem:s4] =	stream.linear.scatter [tilespmem:s16], [sflag:$0x1], $0x320, $0x38;
	[tilespmem:$0x15D68] =	vst v63  }
.Ltmp1:
0x1f: {  	_ =	swait.ge [sflag:s29], $0x320;
	(pc) =	sbr.rel @!p4 .LBB2_28-.Ltmp1, $3  }
0x20: {  	[sflag:s29] =	ssyncset.done $0x0  }
0x21: {  	[sflag:s29] =	ssyncadd.s32 $0xFFFFFCE0  }
0x22: {  	[bflag:$0x0] =	sbarrier.arrive $0xFFFF;
	_ =	sdelay $0x1  }
.LBB2_33:
0x23: {  	s20 =	sadd.s32 $0x1, s20;
	s4 =	rddreg [dreg:$0x14]  }
0x24: {  	p0 =	sne.s32 s20, s4  }
.Ltmp2:
0x25: {  	_ = 	snop;
	(pc) =	sbr.rel @!p0 .LBB2_34-.Ltmp2, $1  }
0x26: {  	_ =	sdelay $0x3  }
.LBB2_1:
0x27: {  	s4 =	rddreg [dreg:$0x5]  }
0x28: {  	[tilespmem:s2], [sflag:$0x1] =	stream.linear.gather [hbm4b:s4+s2], $0x1388, $0x38;
	[tilespmem:$0x15D68] =	vst v63  }
0x29: {  	_ =	swait.ge [sflag:s29], $0x1388  }
0x2a: {  	[sflag:s29] =	ssyncset.done $0x0  }
0x2b: {  	s5 =	simm.s32 $0x1390;
	s12 =	rddreg [dreg:$0x6];
	[sflag:s29] =	ssyncadd.s32 $0xFFFFEC78  }
0x2c: {  	[tilespmem:s5], [sflag:$0x1] =	stream.linear.gather [hbm4b:s12+s2], $0x1388, $0x38;
	[tilespmem:$0x15D68] =	vst v63  }
0x2d: {  	_ =	swait.ge [sflag:s29], $0x1388  }
0x2e: {  	[sflag:s29] =	ssyncset.done $0x0  }
0x2f: {  	s21 =	simm.s32 $0x2720;
	s19 =	rddreg [dreg:$0x7];
	[sflag:s29] =	ssyncadd.s32 $0xFFFFEC78  }
0x30: {  	[tilespmem:s21], [sflag:$0x1] =	stream.linear.gather [hbm4b:s19+s2], $0x1388, $0x38;
	[tilespmem:$0x15D68] =	vst v63  }
0x31: {  	_ =	swait.ge [sflag:s29], $0x1388  }
0x32: {  	[sflag:s29] =	ssyncset.done $0x0  }
0x33: {  	s23 =	simm.s32 $0x3AB0;
	s22 =	rddreg [dreg:$0x8];
	[sflag:s29] =	ssyncadd.s32 $0xFFFFEC78  }
0x34: {  	[tilespmem:s23], [sflag:$0x1] =	stream.linear.gather [hbm4b:s22+s2], $0x1388, $0x38;
	[tilespmem:$0x15D68] =	vst v63  }
0x35: {  	_ =	swait.ge [sflag:s29], $0x1388  }
0x36: {  	[sflag:s29] =	ssyncset.done $0x0  }
0x37: {  	s25 =	simm.s32 $0x4E40;
	s24 =	rddreg [dreg:$0x9];
	[sflag:s29] =	ssyncadd.s32 $0xFFFFEC78  }
0x38: {  	[tilespmem:s25], [sflag:$0x1] =	stream.linear.gather [hbm4b:s24+s2], $0x1388, $0x38;
	[tilespmem:$0x15D68] =	vst v63  }
0x39: {  	_ =	swait.ge [sflag:s29], $0x1388  }
0x3a: {  	[sflag:s29] =	ssyncset.done $0x0  }
0x3b: {  	s7 =	simm.s32 $0x61D0;
	s6 =	rddreg [dreg:$0xa];
	[sflag:s29] =	ssyncadd.s32 $0xFFFFEC78  }
0x3c: {  	[tilespmem:s7], [sflag:$0x1] =	stream.linear.gather [hbm4b:s6+s2], $0x1388, $0x38;
	[tilespmem:$0x15D68] =	vst v63  }
0x3d: {  	_ =	swait.ge [sflag:s29], $0x1388  }
0x3e: {  	[sflag:s29] =	ssyncset.done $0x0  }
0x3f: {  	s9 =	simm.s32 $0x7560;
	s8 =	rddreg [dreg:$0xb];
	[sflag:s29] =	ssyncadd.s32 $0xFFFFEC78  }
0x40: {  	[tilespmem:s9], [sflag:$0x1] =	stream.linear.gather [hbm4b:s8+s2], $0x1388, $0x38;
	[tilespmem:$0x15D68] =	vst v63  }
0x41: {  	_ =	swait.ge [sflag:s29], $0x1388  }
0x42: {  	[sflag:s29] =	ssyncset.done $0x0  }
0x43: {  	s10 =	rddreg [dreg:$0xc];
	[sflag:s29] =	ssyncadd.s32 $0xFFFFEC78  }
0x44: {  	[tilespmem:s26], [sflag:$0x1] =	stream.linear.gather [hbm4b:s10+s2], $0x58, $0x38;
	[tilespmem:$0x15D68] =	vst v63  }
0x45: {  	_ =	swait.ge [sflag:s29], $0x58  }
0x46: {  	[sflag:s29] =	ssyncset.done $0x0  }
0x47: {  	[sflag:s29] =	ssyncadd.s32 $0xFFFFFFA8  }
0x48: {  	v7 =	vld.msk [tilespmem:s26+$0x0], $0xffff  }
0x49: {  	v8 =	vld [tilespmem:$0x2710]  }
0x4a: {  	v9 =	vld [tilespmem:$0x1380]  }
0x4b: {  	v10 =	vld [tilespmem:$0x3AA0]  }
0x4c: {  	v11 =	vld [tilespmem:$0x4E30]  }
0x4d: {  	v12 =	vld [tilespmem:$0x61C0]  }
0x4e: {  	v13 =	vld [tilespmem:$0x7550];
	v8 =	vnsel vm0, $0x0, v8  }
0x4f: {  	[tilespmem:$0x2710] =	vst v8;
	v8 =	vnsel vm0, $0xBF800000, v9;
	v9 =	vld [tilespmem:$0x88E0]  }
0x50: {  	[tilespmem:$0x1380] =	vst v8;
	v8 =	vnsel vm0, $0x0, v10  }
0x51: {  	v7 =	vbroadcast v7, $0x0;
	[tilespmem:$0x3AA0] =	vst v8;
	v8 =	vnsel vm0, $0x0, v11  }
0x52: {  	[tilespmem:$0x4E30] =	vst v8;
	v8 =	vnsel vm0, $0x0, v12  }
0x53: {  	v7 =	vadd.s32 v1, v7;
	[tilespmem:$0x61C0] =	vst v8;
	v8 =	vnsel vm0, $0x0, v13  }
0x54: {  	[tilespmem:$0x7550] =	vst v8;
	v7 =	vsel vm0, v9, v7  }
0x55: {  	[tilespmem:$0x88E0] =	vst v7  }
0x56: {  	v7 =	vld.msk [tilespmem:s26+$0x0], $0xffff;
	_ =	sdelay $0x4  }
0x57: {  	(v2sf) =	vpush v7, $0x0;
	_ =	sdelay $0x3  }
0x58: {  	v8 =	vmov s29;
	_ =	sdelay $0x3  }
0x59: {  	[tilespmem:v0+s28+$0x0] =	vst.idx.msk $0x1, v0  }
0x5a: {  	v7 =	vld.idx.msk [tilespmem:v8+s26+$0x0], $0xffff;
	_ =	sdelay $0x4  }
0x5b: {  	(v2sf) =	vpush v7, $0x0  }
0x5c: {  	s11 =	spop (v2sf)  }
0x5d: {  	s12 =	sadd.s32 $0x17, s11  }
0x5e: {  	s7 =	sand.u32 $0xF, s12  }
0x5f: {  	s6 =	sshra.s32 s12, $0x1F;
	p1 =	slt.s32 s12, $0x1;
	p2 =	sne.s32 s7, $0x0  }
0x60: {  	s19 =	simm.s32 $0x2;
	s6 =	sshrl.u32 s6, $0x1C;
	p1 =	por !p1, !p2  }
0x61: {  	s5 =	sadd.s32 s6, s12;
	s6 =	simm.s32 $0x1;
	p1 =	por !p1, !p1  }
0x62: {  	v7 =	vmov s19;
	s5 =	sshrl.u32 s5, $0x4;
	s6 =	simm.s32 @!p1 $0x0  }
0x63: {  	s5 =	ssub.s32 s5, s6  }
0x64: {  	s5 =	sshll.u32 s5, $0x4  }
0x65: {  	v9 =	vmov s5  }
0x66: {  	[tilespmem:v8+s28+$0x0] =	vst.idx.msk $0x1, v9  }
0x67: {  	v8 =	vld.idx.msk [tilespmem:v7+s26+$0x0], $0xffff;
	_ =	sdelay $0x2  }
0x68: {  	s21 =	spop (v2sf)  }
0x69: {  	s4 =	sadd.s32 $0x8, s11;
	s22 =	sadd.s32 $0xF, s21  }
0x6a: {  	[smem:$0x0] =	sst s4;
	s4 =	simm.s32 $0x61;
	s23 =	sand.u32 $0xF, s22;
	(v2sf) =	vpush v8, $0x0  }
0x6b: {  	s8 =	sshra.s32 s22, $0x1F;
	p5 =	slt.s32 s22, $0x1;
	p6 =	sne.s32 s23, $0x0  }
0x6c: {  	[smem:$0x60] =	sst s2;
	s8 =	sshrl.u32 s8, $0x1C;
	p1 =	por !p5, !p6  }
0x6d: {  	s7 =	sadd.s32 s8, s22;
	s8 =	simm.s32 $0x1;
	p1 =	por !p1, !p1  }
0x6e: {  	[smem:s29] =	sst s21;
	s24 =	sshrl.u32 s7, $0x4;
	s8 =	simm.s32 @!p1 $0x0  }
0x6f: {  	s25 =	simm.s32 $0x3;
	[smem:s4] =	sst s5;
	s6 =	ssub.s32 s24, s8  }
0x70: {  	s7 =	simm.s32 $0x4;
	s8 =	sshll.u32 s6, $0x4;
	s6 =	simm.s32 $0x1;
	v8 =	vmov s25  }
.LBB2_2:
0x71: {  	p1 =	sne.s32 s7, $0x50;
	s5 =	sadd.s32 s5, s8  }
0x72: {  	v9 =	vmov s5  }
0x73: {  	[tilespmem:v7+s28+$0x0] =	vst.idx.msk $0x1, v9;
	v7 =	vmov v8;
	_ =	sdelay $0x1  }
0x74: {  	v8 =	vld.idx.msk [tilespmem:v8+s26+$0x0], $0xffff;
	_ =	sdelay $0x3  }
0x75: {  	s6 =	sadd.s32 $0x1, s6;
	s8 =	spop (v2sf)  }
0x76: {  	s4 =	sadd.s32 $0x1, s4;
	[smem:s6] =	sst s8;
	s8 =	sadd.s32 $0xF, s8  }
0x77: {  	(v2sf) =	vpush v8, $0x0;
	[smem:s4] =	sst s5;
	s9 =	sand.u32 $0xF, s8  }
0x78: {  	s10 =	sshra.s32 s8, $0x1F;
	p2 =	slt.s32 s8, $0x1;
	p3 =	sne.s32 s9, $0x0  }
.Ltmp3:
0x79: {  	s9 =	sshrl.u32 s10, $0x1C;
	p2 =	por !p2, !p3;
	(pc) =	sbr.rel @p1 .LBB2_2-.Ltmp3, $4  }
0x7a: {  	s8 =	sadd.s32 s9, s8;
	s9 =	simm.s32 $0x1;
	p2 =	por !p2, !p2  }
0x7b: {  	s8 =	sshrl.u32 s8, $0x4;
	s9 =	simm.s32 @!p2 $0x0  }
0x7c: {  	s8 =	ssub.s32 s8, s9  }
0x7d: {  	v8 =	vmov s7;
	s7 =	sadd.s32 $0x1, s7;
	s8 =	sshll.u32 s8, $0x4  }
0x7e: {  	_ =	sdelay $0x1  }
0x7f: {  	s5 =	sadd.s32 s5, s8  }
0x80: {  	v9 =	vmov s5  }
0x81: {  	[tilespmem:v7+s28+$0x0] =	vst.idx.msk $0x1, v9  }
0x82: {  	v7 =	vld.idx.msk [tilespmem:v8+s26+$0x0], $0xffff;
	_ =	sdelay $0x4  }
0x83: {  	(v2sf) =	vpush v7, $0x0;
	_ =	sdelay $0x5  }
0x84: {  	s7 =	spop (v2sf)  }
0x85: {  	s22 =	sadd.s32 $0xF, s7  }
0x86: {  	s6 =	sadd.s32 $0x1, s6;
	s9 =	sand.u32 $0xF, s22  }
0x87: {  	s23 =	sshra.s32 s22, $0x1F;
	p2 =	slt.s32 s22, $0x1;
	p1 =	sne.s32 s9, $0x0  }
0x88: {  	s8 =	simm.s32 $0x1;
	s24 =	sshrl.u32 s23, $0x1C;
	p1 =	por !p2, !p1  }
0x89: {  	[smem:s6] =	sst s7;
	s7 =	sadd.s32 s24, s22;
	p1 =	por !p1, !p1  }
0x8a: {  	s7 =	sshrl.u32 s7, $0x4;
	s8 =	simm.s32 @!p1 $0x0  }
0x8b: {  	s7 =	ssub.s32 s7, s8  }
0x8c: {  	s4 =	sadd.s32 $0x1, s4;
	s6 =	sadd.s32 $0x1, s6;
	s7 =	sshll.u32 s7, $0x4  }
0x8d: {  	[smem:s4] =	sst s5;
	s5 =	sadd.s32 s5, s7;
	s25 =	spop (v2sf)  }
0x8e: {  	s4 =	sadd.s32 $0x1, s4;
	v7 =	vmov s5;
	[smem:s6] =	sst s25;
	s6 =	simm.s32 $0x0  }
0x8f: {  	[tilespmem:v8+s28+$0x0] =	vst.idx.msk $0x1, v7;
	[smem:s4] =	sst s5;
	s4 =	simm.s32 $0x0;
	s5 =	simm.s32 $0x40  }
.LBB2_4:
0x90: {  	p1 =	sne.s32 s5, $0x67C0;
	[tilespmem:s6+$0x89A8] =	vst v2;
	s7 =	smov.u32 s5;
	s5 =	sadd.s32 $0x40, s5  }
.Ltmp4:
0x91: {  	[tilespmem:s6+$0x125A8] =	vst v2;
	(pc) =	sbr.rel @p1 .LBB2_4-.Ltmp4, $2  }
0x92: {  	_ =	sdelay $0x2  }
0x93: {  	s6 =	sshra.s32 s7, $0x2  }
0x94: {  	[tilespmem:s6+$0x89A8] =	vst v2  }
0x95: {  	[tilespmem:s6+$0x125A8] =	vst v2  }
.LBB2_6:
0x96: {  	s5 =	sshra.s32 s4, $0x2  }
0x97: {  	v7 =	vld [tilespmem:s5+$0x1390];
	_ =	sdelay $0x6  }
0x98: {  	v8 =	vld [tilespmem:s5+$0x7560]  }
0x99: {  	v7 =	vld.idx.msk [tilespmem:v7+s28+$0x0], $0xffff;
	_ =	sdelay $0x4  }
0x9a: {  	v7 =	vadd.s32 v7, v8;
	v8 =	vld [tilespmem:s5+$0x0];
	_ =	sdelay $0x4  }
0x9b: {  	[tilespmem:v7+s30+$0x0] =	vst.idx.msk $0xffff, v8  }
0x9c: {  	v8 =	vld [tilespmem:s5+$0x1390];
	_ =	sdelay $0x4  }
0x9d: {  	[tilespmem:v7+s31+$0x0] =	vst.idx.msk $0xffff, v8  }
0x9e: {  	v8 =	vld [tilespmem:s5+$0x2720];
	_ =	sdelay $0x4  }
0x9f: {  	[tilespmem:v7+s1+$0x0] =	vst.idx.msk $0xffff, v8  }
0xa0: {  	v8 =	vld [tilespmem:s5+$0x3AB0];
	_ =	sdelay $0x4  }
0xa1: {  	[tilespmem:v7+s0+$0x0] =	vst.idx.msk $0xffff, v8  }
0xa2: {  	v8 =	vld [tilespmem:s5+$0x4E40];
	_ =	sdelay $0x4  }
0xa3: {  	[tilespmem:v7+s13+$0x0] =	vst.idx.msk $0xffff, v8  }
0xa4: {  	p1 =	sne.s32 s4, $0x4E00;
	v8 =	vld [tilespmem:s5+$0x61D0]  }
.Ltmp5:
0xa5: {  	_ = 	snop;
	(pc) =	sbr.rel @p1 .LBB2_6-.Ltmp5, $2  }
0xa6: {  	_ =	sdelay $0x2  }
0xa7: {  	s4 =	sadd.s32 $0x40, s4;
	[tilespmem:v7+s14+$0x0] =	vst.idx.msk $0xffff, v8  }
.Ltmp6:
0xa8: {  	(pc) =	sbr.rel .LBB2_8-.Ltmp6, $2  }
0xa9: {  	_ =	sdelay $0x2  }
0xaa: {  	s4 =	simm.s32 $0x1  }
.LBB2_16:
0xab: {  	s4 =	sadd.s32 $0x1, s4  }
0xac: {  	p1 =	sne.s32 s4, $0x51  }
.Ltmp7:
0xad: {  	_ = 	snop;
	(pc) =	sbr.rel @!p1 .LBB2_17-.Ltmp7, $1  }
0xae: {  	_ =	sdelay $0x3  }
.LBB2_8:
0xaf: {  	s5 =	sand.u32 $0x3, s4  }
0xb0: {  	p1 =	sne.s32 s5, s3  }
.Ltmp8:
0xb1: {  	_ = 	snop;
	(pc) =	sbr.rel @p1 .LBB2_16-.Ltmp8, $1  }
0xb2: {  	_ =	sdelay $0x3  }
0xb3: {  	s5 =	sld [smem:s4+$0x60]  }
0xb4: {  	s6 =	sld [smem:s4+$0x0]  }
0xb5: {  	s11 =	simm.f32 $0.0e+00  }
0xb6: {  	s19 =	simm.f32 $0.0e+00;
	s7 =	sshra.s32 s5, $0x1F;
	s8 =	sand.u32 $0xF, s5  }
0xb7: {  	p1 =	slt.s32 s5, $0x1;
	s6 =	sadd.s32 $0xF, s6;
	s7 =	sshrl.u32 s7, $0x1C  }
0xb8: {  	p2 =	sne.s32 s8, $0x0;
	s23 =	sand.u32 $0xF, s6;
	s9 =	sshra.s32 s6, $0x1F  }
0xb9: {  	p5 =	slt.s32 s6, $0x1;
	s8 =	simm.f32 $0.0e+00;
	s5 =	sadd.s32 s7, s5  }
0xba: {  	p1 =	por !p1, !p2;
	s7 =	simm.s32 $0x1;
	p6 =	sne.s32 s23, $0x0  }
0xbb: {  	s24 =	sshrl.u32 s9, $0x1C;
	s9 =	simm.f32 $0.0e+00;
	p1 =	por !p1, !p1  }
0xbc: {  	s5 =	sshra.s32 s5, $0x4;
	s7 =	simm.s32 @!p1 $0x0;
	p1 =	por !p5, !p6  }
0xbd: {  	s10 =	ssub.s32 s5, s7;
	s5 =	sadd.s32 s24, s6;
	p1 =	por !p1, !p1  }
.Ltmp9:
0xbe: {  	s6 =	simm.s32 $0x1;
	s5 =	sshra.s32 s5, $0x4;
	(pc) =	sbr.rel .LBB2_10-.Ltmp9, $4  }
0xbf: {  	s6 =	simm.s32 @!p1 $0x0;
	s7 =	sshll.u32 s10, $0x6;
	v7 =	vmov s10;
	s10 =	simm.f32 $0.0e+00  }
0xc0: {  	s5 =	ssub.s32 s5, s6;
	s25 =	sshra.s32 s7, $0x2;
	s7 =	simm.s32 $0x0  }
0xc1: {  	s12 =	sadd.s32 $0x89A8, s25;
	s22 =	sadd.s32 $0xBDA8, s25;
	s23 =	sadd.s32 $0xD7A8, s25  }
0xc2: {  	s24 =	sadd.s32 $0xF1A8, s25;
	s6 =	sadd.s32 $0x10BA8, s25;
	p1 =	slt.s32 s5, $0x1  }
.LBB2_11:
0xc3: {  	v9 =	vimm.s32 $0x0;
	v8 =	vimm.f32 $-1.000000000e+00  }
.LBB2_15:
0xc4: {  	(xrf0) =	vmax.scan.msk.f32 $0xffff, v8;
	_ =	sdelay $0x5  }
0xc5: {  	v10, _, _ =	vpop (xrf0)  }
0xc6: {  	v9 =	vadd.s32 v7, v9;
	v11 =	vbroadcast v10, $0xF  }
0xc7: {  	v9 =	vshll.u32 v9, $0x4  }
0xc8: {  	vm6 =	veq.f32 v8, v11;
	v8 =	vxor.u32 v4, v9  }
0xc9: {  	v8 =	vnsel vm6, $0xC0000000, v8  }
0xca: {  	(xrf0) =	vmin.scan.msk.u32 $0xffff, v8;
	_ =	sdelay $0x5  }
0xcb: {  	(v2sf) =	vpush v10, $0xF;
	v8, _, _ =	vpop (xrf0)  }
0xcc: {  	(v2sf) =	vpush v8, $0xF;
	_ =	sdelay $0xd  }
0xcd: {  	s8 =	spop (v2sf)  }
0xce: {  	s9 =	spop (v2sf)  }
0xcf: {  	s9 =	sxor.u32 $0x80000000, s9  }
0xd0: {  	p2 =	slt.s32 s9, $0x19FF  }
0xd1: {  	s9 =	simm.s32 @!p2 $0x19FF  }
0xd2: {  	v8 =	vmov s9  }
0xd3: {  	p2 =	sgt.f32 s8, $0.0e+00;
	_ =	sdelay $0x1  }
0xd4: {  	v9 =	vadd.f32 @p2 $0.0e+00, v11  }
0xd5: {  	s9 =	simm.s32 @p2 $0x125A8  }
0xd6: {  	[tilespmem:v8+s9+$0x0] =	vst.idx.msk @p2 $0x1, v9;
	v9 =	vimm.f32 @p2 $-1.000000000e+00;
	s9 =	simm.s32 @p2 $0x89A8  }
0xd7: {  	[tilespmem:v8+s9+$0x0] =	vst.idx.msk @p2 $0x1, v9  }
0xd8: {  	v9 =	vld.idx.msk [tilespmem:v8+s1+$0x0], $0xffff  }
0xd9: {  	v62 =	vld.idx.msk [tilespmem:v8+s0+$0x0], $0xffff  }
0xda: {  	v63 =	vld.idx.msk [tilespmem:v8+s13+$0x0], $0xffff  }
0xdb: {  	v8 =	vld.idx.msk [tilespmem:v8+s14+$0x0], $0xffff;
	_ =	sdelay $0x1  }
0xdc: {  	(v2sf) =	vpush v9, $0x0  }
0xdd: {  	(v2sf) =	vpush v62, $0x0  }
0xde: {  	(v2sf) =	vpush v63, $0x0  }
0xdf: {  	(v2sf) =	vpush v8, $0x0;
	_ =	sdelay $0x6  }
0xe0: {  	s9 =	simm.s32 $0x1  }
0xe1: {  	s9 =	simm.s32 @!p2 $0x0  }
0xe2: {  	s7 =	sadd.s32 s9, s7  }
0xe3: {  	p2 =	sgt.u32 s7, $0x63  }
0xe4: {  	p3 =	sgt.f32 @!p2 s8, $0.0e+00  }
0xe5: {  	s19 =	spop (v2sf)  }
0xe6: {  	p2 =	por p2, !p3;
	s11 =	spop (v2sf)  }
.Ltmp10:
0xe7: {  	s10 =	spop (v2sf);
	(pc) =	sbr.rel @p2 .LBB2_16-.Ltmp10, $3  }
0xe8: {  	s9 =	spop (v2sf);
	s21 =	ssub.f32 s10, s19  }
0xe9: {  	s25 =	ssub.f32 s9, s11;
	_ =	sdelay $0x1  }
0xea: {  	s8 =	smul.f32 s25, s21  }
.LBB2_10:
.Ltmp11:
0xeb: {  	(pc) =	sbr.rel @p1 .LBB2_11-.Ltmp11, $1  }
0xec: {  	_ =	sdelay $0x3  }
0xed: {  	v12 =	vld [tilespmem:s22+$0x0]  }
0xee: {  	v13 =	vld [tilespmem:s24+$0x0]  }
0xef: {  	v14 =	vld [tilespmem:s23+$0x0]  }
0xf0: {  	v15 =	vld [tilespmem:s6+$0x0];
	_ =	sdelay $0x1  }
0xf1: {  	v8 =	vmov s19  }
0xf2: {  	v9 =	vmov s11;
	v10 =	vmov s10;
	v11 =	vmov s9  }
0xf3: {  	v16 =	vmax.f32 v8, v12;
	v17 =	vmin.f32 v10, v13;
	v12 =	vsub.f32 v13, v12  }
0xf4: {  	v13 =	vmax.f32 v9, v14;
	v18 =	vmin.f32 v11, v15;
	v14 =	vsub.f32 v15, v14  }
0xf5: {  	v15 =	vsub.f32 v17, v16;
	v13 =	vsub.f32 v18, v13  }
0xf6: {  	v14 =	vmul.f32 v14, v12  }
0xf7: {  	v12 =	vmov s8;
	v15 =	vmax.f32 v15, $0.0e+00;
	v13 =	vmax.f32 v13, $0.0e+00  }
0xf8: {  	v13 =	vmul.f32 v13, v15;
	v14 =	vadd.f32 v14, v12;
	_ =	sdelay $0x1  }
0xf9: {  	v14 =	vsub.f32 v14, v13  }
0xfa: {  	v15 =	vld [tilespmem:s12+$0x0]  }
0xfb: {  	p2 =	sne.s32 s5, $0x1;
	v14 =	vmax.f32 v14, $9.999999930e-09  }
.Ltmp12:
0xfc: {  	v14 =	vmul.f32 $3.000000120e-01, v14;
	(pc) =	sbr.rel @!p2 .LBB2_14-.Ltmp12, $4  }
0xfd: {  	_ = 	snop  }
0xfe: {  	s9 =	simm.s32 $0x1;
	vm6 =	vle.f32 v13, v14  }
0xff: {  	s10 =	sadd.s32 $0x10, s22;
	s11 =	smov.u32 s24;
	s19 =	smov.u32 s23;
	v13 =	vimm.f32 $-1.000000000e+00;
	v15 =	vnsel vm6, $0xBF800000, v15  }
0x100: {  	s25 =	smov.u32 s6;
	s21 =	smov.u32 s12;
	s8 =	simm.s32 $0x0;
	v14 =	vimm.s32 $0x0;
	[tilespmem:s12+$0x0] =	vst v15;
	vm6 =	vgt.f32 v15, v13  }
.LBB2_13:
0x101: {  	v16 =	vld [tilespmem:s10+$0x0];
	v13 =	vsel vm6, v15, v13;
	v14 =	vsel vm6, s8, v14;
	s11 =	sadd.s32 $0x10, s11;
	s8 =	smov.u32 s9  }
0x102: {  	s19 =	sadd.s32 $0x10, s19;
	v15 =	vld [tilespmem:s11+$0x0]  }
0x103: {  	s9 =	sadd.s32 $0x1, s9;
	s25 =	sadd.s32 $0x10, s25;
	v17 =	vld [tilespmem:s19+$0x0]  }
0x104: {  	p2 =	sne.s32 s5, s9;
	v18 =	vld [tilespmem:s25+$0x0];
	_ =	sdelay $0x3  }
0x105: {  	v19 =	vmax.f32 v8, v16;
	v20 =	vmin.f32 v10, v15;
	v15 =	vsub.f32 v15, v16  }
0x106: {  	v16 =	vmax.f32 v9, v17;
	v21 =	vmin.f32 v11, v18;
	v17 =	vsub.f32 v18, v17  }
0x107: {  	v18 =	vsub.f32 v20, v19;
	v16 =	vsub.f32 v21, v16  }
0x108: {  	v15 =	vmul.f32 v17, v15  }
0x109: {  	v17 =	vmax.f32 v18, $0.0e+00;
	v16 =	vmax.f32 v16, $0.0e+00  }
0x10a: {  	v16 =	vmul.f32 v16, v17;
	v15 =	vadd.f32 v15, v12;
	_ =	sdelay $0x1  }
0x10b: {  	s21 =	sadd.s32 $0x10, s21;
	v15 =	vsub.f32 v15, v16  }
0x10c: {  	v17 =	vld [tilespmem:s21+$0x0]  }
0x10d: {  	v15 =	vmax.f32 v15, $9.999999930e-09  }
.Ltmp13:
0x10e: {  	v15 =	vmul.f32 $3.000000120e-01, v15;
	(pc) =	sbr.rel @p2 .LBB2_13-.Ltmp13, $4  }
0x10f: {  	_ = 	snop  }
0x110: {  	vm6 =	vle.f32 v16, v15  }
0x111: {  	v15 =	vnsel vm6, $0xBF800000, v17  }
0x112: {  	s10 =	sadd.s32 $0x10, s10;
	[tilespmem:s21+$0x0] =	vst v15;
	vm6 =	vgt.f32 v15, v13  }
.LBB2_14:
.Ltmp14:
0x113: {  	(pc) =	sbr.rel .LBB2_15-.Ltmp14, $2  }
0x114: {  	_ =	sdelay $0x2  }
0x115: {  	v8 =	vsel vm6, v15, v13;
	v9 =	vsel vm6, s8, v14  }
.LBB2_17:
0x116: {  	s4 =	simm.s32 $0x125A8  }
0x117: {  	s5 =	simm.s32 $0x0;
	s6 =	simm.s32 $0x1;
	v7 =	vld [tilespmem:s4+$0x0]  }
.LBB2_18:
0x118: {  	p1 =	sne.s32 s6, $0x19F;
	_ =	sdelay $0x3  }
0x119: {  	(xrf0) =	vmax.scan.msk.f32 $0xffff, v7;
	_ =	sdelay $0x5  }
0x11a: {  	v7 =	vmov s5;
	s5 =	smov.u32 s6;
	v8, _, _ =	vpop (xrf0)  }
0x11b: {  	v8 =	vadd.f32 $0.0e+00, v8  }
.Ltmp15:
0x11c: {  	(pc) =	sbr.rel @p1 .LBB2_18-.Ltmp15, $3  }
0x11d: {  	v8 =	vbroadcast v8, $0xF;
	_ =	sdelay $0x1  }
0x11e: {  	s4 =	sadd.s32 $0x10, s4;
	[tilespmem:v7+s15+$0x0] =	vst.idx.msk $0x1, v8  }
0x11f: {  	s6 =	sadd.s32 $0x1, s6;
	v7 =	vld [tilespmem:s4+$0x0]  }
0x120: {  	_ =	sdelay $0x3  }
0x121: {  	(xrf0) =	vmax.scan.msk.f32 $0xffff, v7;
	_ =	sdelay $0x5  }
0x122: {  	v7 =	vmov s5;
	v8, _, _ =	vpop (xrf0)  }
0x123: {  	v8 =	vadd.f32 $0.0e+00, v8;
	_ =	sdelay $0x1  }
0x124: {  	v8 =	vbroadcast v8, $0xF;
	_ =	sdelay $0x1  }
0x125: {  	s4 =	simm.s32 $0x40;
	s5 =	simm.s32 $0x0;
	[tilespmem:v7+s15+$0x0] =	vst.idx.msk $0x1, v8  }
.LBB2_20:
0x126: {  	p1 =	sne.s32 s4, $0xC40;
	[tilespmem:s5+$0x14148] =	vst v5;
	s5 =	smov.u32 s4;
	s4 =	sadd.s32 $0x40, s4  }
.Ltmp16:
0x127: {  	(pc) =	sbr.rel @p1 .LBB2_20-.Ltmp16, $2  }
0x128: {  	_ =	sdelay $0x2  }
0x129: {  	s5 =	sshra.s32 s5, $0x2  }
.Ltmp17:
0x12a: {  	(pc) =	sbr.rel .LBB2_22-.Ltmp17, $2  }
0x12b: {  	_ =	sdelay $0x2  }
0x12c: {  	[tilespmem:s5+$0x14148] =	vst v5;
	s4 =	simm.s32 $0x0  }
.LBB2_26:
0x12d: {  	s4 =	sadd.s32 $0x1, s4  }
0x12e: {  	p1 =	sne.s32 s4, $0x64  }
.Ltmp18:
0x12f: {  	_ = 	snop;
	(pc) =	sbr.rel @!p1 .LBB2_27-.Ltmp18, $1  }
0x130: {  	_ =	sdelay $0x3  }
.LBB2_22:
0x131: {  	s5 =	simm.s32 $0x13FA8  }
0x132: {  	v8 =	vld [tilespmem:s5+$0x0];
	_ =	sdelay $0x3  }
0x133: {  	v9 =	vimm.f32 $-1.000000000e+00  }
0x134: {  	v7 =	vimm.s32 $0x0;
	s6 =	simm.s32 $0x1;
	s7 =	simm.s32 $0x13FB8;
	s5 =	simm.s32 $0x0;
	vm6 =	vgt.f32 v8, v9  }
.LBB2_23:
0x135: {  	p1 =	sne.s32 s6, $0x19;
	v9 =	vsel vm6, v8, v9;
	v8 =	vld [tilespmem:s7+$0x0];
	v7 =	vsel vm6, s5, v7;
	s5 =	smov.u32 s6;
	s6 =	sadd.s32 $0x1, s6  }
.Ltmp19:
0x136: {  	(pc) =	sbr.rel @p1 .LBB2_23-.Ltmp19, $2  }
0x137: {  	_ =	sdelay $0x2  }
0x138: {  	s7 =	sadd.s32 $0x10, s7;
	vm6 =	vgt.f32 v8, v9  }
0x139: {  	v8 =	vsel vm6, v8, v9  }
0x13a: {  	(xrf0) =	vmax.scan.msk.f32 $0xffff, v8;
	_ =	sdelay $0x5  }
0x13b: {  	v9, _, _ =	vpop (xrf0)  }
0x13c: {  	(v2sf) =	vpush v9, $0xF;
	_ =	sdelay $0xe  }
0x13d: {  	s6 =	spop (v2sf)  }
0x13e: {  	p1 =	sgt.f32 s6, $0.0e+00  }
.Ltmp20:
0x13f: {  	_ = 	snop;
	(pc) =	sbr.rel @!p1 .LBB2_26-.Ltmp20, $2  }
0x140: {  	_ =	sdelay $0x2  }
0x141: {  	v7 =	vsel vm6, s5, v7  }
0x142: {  	v9 =	vbroadcast v9, $0xF  }
0x143: {  	v7 =	vshll.u32 v7, $0x4  }
0x144: {  	v7 =	vxor.u32 v4, v7;
	vm6 =	veq.f32 v8, v9  }
0x145: {  	v7 =	vnsel vm6, $0xC0000000, v7  }
0x146: {  	(xrf0) =	vmin.scan.msk.u32 $0xffff, v7;
	_ =	sdelay $0x5  }
0x147: {  	v7, _, _ =	vpop (xrf0)  }
0x148: {  	(v2sf) =	vpush v7, $0xF;
	_ =	sdelay $0xe  }
0x149: {  	s5 =	spop (v2sf)  }
0x14a: {  	s5 =	sxor.u32 $0x80000000, s5  }
0x14b: {  	p1 =	slt.s32 s5, $0x19F  }
0x14c: {  	s5 =	simm.s32 @!p1 $0x19F  }
0x14d: {  	s6 =	sshll.u32 s5, $0x4  }
0x14e: {  	v7 =	vld [tilespmem:s6+$0x125A8];
	_ =	sdelay $0x3  }
0x14f: {  	v8 =	vor.u32 s6, v3  }
0x150: {  	vm6 =	veq.f32 v7, v9;
	v7 =	vxor.u32 $0x80000000, v8  }
0x151: {  	v7 =	vnsel vm6, $0xC0000000, v7  }
0x152: {  	(xrf0) =	vmin.scan.msk.u32 $0xffff, v7;
	_ =	sdelay $0x5  }
0x153: {  	v7, _, _ =	vpop (xrf0)  }
0x154: {  	(v2sf) =	vpush v7, $0xF;
	_ =	sdelay $0xe  }
0x155: {  	s7 =	spop (v2sf)  }
0x156: {  	s7 =	sxor.u32 $0x80000000, s7  }
0x157: {  	p1 =	slt.s32 s7, $0x19FF  }
0x158: {  	s7 =	simm.s32 @!p1 $0x19FF  }
0x159: {  	v7 =	vmov s7;
	_ =	sdelay $0x4  }
0x15a: {  	v10 =	vld.idx.msk [tilespmem:v7+s31+$0x0], $0xffff;
	_ =	sdelay $0x4  }
0x15b: {  	(v2sf) =	vpush v10, $0x0;
	_ =	sdelay $0x5  }
0x15c: {  	v60 =	vld.idx.msk [tilespmem:v7+s14+$0x0], $0xffff  }
0x15d: {  	v11 =	vld.idx.msk [tilespmem:v7+s13+$0x0], $0xffff  }
0x15e: {  	v12 =	vld.idx.msk [tilespmem:v7+s0+$0x0], $0xffff  }
0x15f: {  	v13 =	vld.idx.msk [tilespmem:v7+s1+$0x0], $0xffff;
	_ =	sdelay $0x1  }
0x160: {  	v10 =	vbroadcast v60, $0x0  }
0x161: {  	s8 =	sshll.u32 s4, $0x3;
	v11 =	vbroadcast v11, $0x0  }
0x162: {  	v14 =	vadd.s32 s8, v3;
	v12 =	vbroadcast v12, $0x0;
	v10 =	vnsel vm1, $0x0, v10  }
0x163: {  	v62 =	vand.u32 $0x7F8, v14;
	v61 =	vbroadcast v13, $0x0;
	v10 =	vsel vm2, v10, v11  }
0x164: {  	v63 =	vor.u32 v6, v62;
	v10 =	vsel vm3, v10, v12;
	s25 =	spop (v2sf)  }
0x165: {  	v10 =	vsel vm4, v10, v61;
	s8 =	scvt.s32.f32 s25  }
0x166: {  	vm6 =	veq.s32 v3, $0x5;
	s9 =	scvt.s32.f32 s7;
	v9 =	vsel vm5, v10, v9  }
0x167: {  	v9 =	vsel vm6, s8, v9;
	vm6 =	veq.s32 v3, $0x6  }
0x168: {  	v9 =	vsel vm6, s9, v9  }
0x169: {  	[tilespmem:v63+s16+$0x0] =	vst.idx.msk $0xff, v9  }
0x16a: {  	[tilespmem:v7+s17+$0x0] =	vst.idx.msk $0x1, v2  }
0x16b: {  	v7 =	vld [tilespmem:s6+$0x125A8];
	_ =	sdelay $0x3  }
0x16c: {  	vm6 =	veq.s32 v8, s7  }
0x16d: {  	v7 =	vsel vm6, $0xBF800000, v7  }
0x16e: {  	(xrf0) =	vmax.scan.msk.f32 $0xffff, v7;
	_ =	sdelay $0x5  }
0x16f: {  	v8 =	vmov s5;
	v7, _, _ =	vpop (xrf0)  }
.Ltmp21:
0x170: {  	v7 =	vadd.f32 $0.0e+00, v7;
	(pc) =	sbr.rel .LBB2_26-.Ltmp21, $3  }
0x171: {  	_ = 	snop  }
0x172: {  	v7 =	vbroadcast v7, $0xF;
	_ =	sdelay $0x1  }
0x173: {  	[tilespmem:v8+s15+$0x0] =	vst.idx.msk $0x1, v7  }
.LBB2_28:
0x174: {  	s4 =	rddreg [dreg:$0xd]  }
0x175: {  	[tilespmem:s18], [sflag:$0x1] =	stream.linear.gather [spmem:s4], $0x320, $0x38;
	[tilespmem:$0x15D68] =	vst v63  }
0x176: {  	_ =	swait.ge [sflag:s29], $0x320  }
0x177: {  	[sflag:s29] =	ssyncset.done $0x0  }
0x178: {  	s5 =	simm.s32 $0x14788;
	s21 =	rddreg [dreg:$0xe];
	[sflag:s29] =	ssyncadd.s32 $0xFFFFFCE0  }
0x179: {  	[tilespmem:s5], [sflag:$0x1] =	stream.linear.gather [spmem:s21], $0x320, $0x38;
	[tilespmem:$0x15D68] =	vst v63  }
0x17a: {  	_ =	swait.ge [sflag:s29], $0x320  }
0x17b: {  	[sflag:s29] =	ssyncset.done $0x0  }
0x17c: {  	s23 =	simm.s32 $0x14AA8;
	s22 =	rddreg [dreg:$0xf];
	[sflag:s29] =	ssyncadd.s32 $0xFFFFFCE0  }
0x17d: {  	[tilespmem:s23], [sflag:$0x1] =	stream.linear.gather [spmem:s22], $0x320, $0x38;
	[tilespmem:$0x15D68] =	vst v63  }
0x17e: {  	_ =	swait.ge [sflag:s29], $0x320  }
0x17f: {  	[sflag:s29] =	ssyncset.done $0x0  }
0x180: {  	s25 =	simm.s32 $0x14DC8;
	s24 =	rddreg [dreg:$0x10];
	[sflag:s29] =	ssyncadd.s32 $0xFFFFFCE0  }
0x181: {  	[tilespmem:s25], [sflag:$0x1] =	stream.linear.gather [spmem:s24], $0x320, $0x38;
	[tilespmem:$0x15D68] =	vst v63  }
0x182: {  	_ =	swait.ge [sflag:s29], $0x320  }
0x183: {  	s4 =	simm.s32 $0x0;
	[sflag:s29] =	ssyncset.done $0x0  }
0x184: {  	s5 =	simm.s32 $0x40;
	s22 =	simm.s32 $0x0;
	[sflag:s29] =	ssyncadd.s32 $0xFFFFFCE0  }
.LBB2_29:
0x185: {  	p1 =	sne.s32 s5, $0xC40;
	[tilespmem:s4+$0x15728] =	vst v0;
	s6 =	smov.u32 s5;
	s5 =	sadd.s32 $0x40, s5  }
.Ltmp22:
0x186: {  	[tilespmem:s4+$0x150E8] =	vst v5;
	(pc) =	sbr.rel @p1 .LBB2_29-.Ltmp22, $2  }
0x187: {  	[tilespmem:s4+$0x15408] =	vst v5;
	_ =	sdelay $0x2  }
0x188: {  	s4 =	sshra.s32 s6, $0x2  }
0x189: {  	p1 =	por $0x1, $0x1;
	s5 =	simm.s32 $0x0  }
0x18a: {  	s5 =	simm.s32 @!p1 $0x63  }
0x18b: {  	s5 =	sshll.u32 s5, $0x3  }
0x18c: {  	s6 =	sadd.s32 $0x320, s5;
	v7 =	vadd.s32 s5, v3  }
0x18d: {  	v8 =	vadd.s32 s6, v3;
	v7 =	vand.u32 $0xFFFFFFF8, v7  }
0x18e: {  	v8 =	vand.u32 $0xFFFFFFF8, v8;
	v7 =	vor.u32 v6, v7  }
0x18f: {  	s25 =	sadd.s32 $0x640, s5;
	v8 =	vor.u32 v6, v8  }
0x190: {  	[tilespmem:s4+$0x15728] =	vst v0;
	s5 =	sadd.s32 $0x960, s5;
	v9 =	vadd.s32 s25, v3  }
0x191: {  	[tilespmem:s4+$0x150E8] =	vst v5;
	v10 =	vadd.s32 s5, v3;
	v9 =	vand.u32 $0xFFFFFFF8, v9  }
0x192: {  	[tilespmem:s4+$0x15408] =	vst v5;
	v10 =	vand.u32 $0xFFFFFFF8, v10;
	v9 =	vor.u32 v6, v9  }
0x193: {  	v10 =	vor.u32 v6, v10;
	v7 =	vld.idx.msk [tilespmem:v7+s18+$0x0], $0xffff  }
0x194: {  	v8 =	vld.idx.msk [tilespmem:v8+s18+$0x0], $0xffff;
	_ =	sdelay $0x2  }
0x195: {  	v9 =	vld.idx.msk [tilespmem:v9+s18+$0x0], $0xffff  }
0x196: {  	v10 =	vld.idx.msk [tilespmem:v10+s18+$0x0], $0xffff;
	(v2sf) =	vpush v7, $0x0  }
0x197: {  	(v2sf) =	vpush v8, $0x6  }
0x198: {  	(v2sf) =	vpush v7, $0x6  }
0x199: {  	(v2sf) =	vpush v8, $0x0  }
0x19a: {  	(v2sf) =	vpush v9, $0x6  }
0x19b: {  	(v2sf) =	vpush v10, $0x6  }
0x19c: {  	(v2sf) =	vpush v10, $0x0  }
0x19d: {  	(v2sf) =	vpush v9, $0x0;
	_ =	sdelay $0x7  }
0x19e: {  	s7 =	spop (v2sf)  }
0x19f: {  	s4 =	spop (v2sf)  }
0x1a0: {  	s10 =	spop (v2sf)  }
0x1a1: {  	s21 =	simm.s32 $0x8;
	p1 =	por $0x1, $0x1;
	s8 =	spop (v2sf)  }
0x1a2: {  	s23 =	simm.s32 $0x0;
	s7 =	simm.s32 @!p1 $0xBF800000;
	s11 =	spop (v2sf)  }
0x1a3: {  	p2 =	slt.f32 s10, s4;
	s8 =	simm.s32 @!p1 $0xBF800000;
	s19 =	spop (v2sf)  }
0x1a4: {  	s24 =	simm.s32 $0x0;
	p3 =	sgt.f32 s7, s8;
	s9 =	spop (v2sf)  }
0x1a5: {  	p5 =	sne.f32 s7, s8;
	p2 =	por !p2, !p2;
	s6 =	spop (v2sf)  }
0x1a6: {  	p4 =	slt.f32 s11, s19;
	s9 =	simm.s32 @!p1 $0xBF800000;
	s6 =	simm.s32 @!p1 $0xBF800000  }
0x1a7: {  	p6 =	por !p3, !p3;
	p1 =	por p2, p5;
	p0 =	seq.f32 s6, s9  }
0x1a8: {  	s5 =	simm.s32 $0x10;
	s25 =	simm.s32 $0x0;
	p1 =	por !p6, !p1  }
0x1a9: {  	p3 =	sgt.f32 s6, s9;
	p2 =	por !p1, !p1;
	p6 =	por !p4, !p0  }
0x1aa: {  	s10 =	smov.u32 @p2 s4;
	s4 =	simm.s32 $0x0;
	p4 =	por !p6, !p6  }
.LBB2_31:
0x1ab: {  	_ = 	snop  }
0x1ac: {  	p3 =	por p3, p4  }
0x1ad: {  	s7 =	smov.u32 @p2 s8;
	s9 =	smov.u32 @p3 s6;
	s19 =	smov.u32 @p3 s11  }
0x1ae: {  	p0 =	seq.f32 s7, s9;
	p5 =	slt.f32 s10, s19  }
0x1af: {  	_ = 	snop  }
0x1b0: {  	p6 =	sgt.f32 s7, s9;
	p4 =	por !p0, !p5  }
0x1b1: {  	s6 =	rddreg [dreg:$0x4];
	p4 =	por !p4, !p4  }
0x1b2: {  	s10 =	simm.s32 $0x1;
	s6 =	simm.s32 @!p3 $0x3;
	p4 =	por p6, p4  }
0x1b3: {  	s10 =	simm.s32 @!p2 $0x0;
	s9 =	smov.u32 @p4 s7;
	p6 =	por !p2, !p4  }
0x1b4: {  	p0 =	por !p4, !p4;
	s6 =	smov.u32 @p4 s10;
	s10 =	smov.u32 s25  }
0x1b5: {  	p3 =	por !p3, !p0;
	p2 =	sgt.f32 s9, $0.0e+00;
	p5 =	por !p6, !p6  }
0x1b6: {  	s9 =	smov.u32 s23;
	p0 =	seq.s32 s6, $0x0;
	p3 =	por !p3, !p3  }
0x1b7: {  	p6 =	seq.s32 @p2 s6, $0x0;
	p4 =	por !p3, !p2;
	s7 =	smul.u32 @p2 $0x320, s6  }
0x1b8: {  	p3 =	por !p5, !p2;
	p5 =	seq.s32 s6, $0x3;
	s9 =	smov.u32 @p4 s22  }
0x1b9: {  	s6 =	smov.u32 s24;
	p6 =	por !p6, !p2;
	s10 =	smov.u32 @p3 s9  }
0x1ba: {  	p0 =	por !p2, !p0;
	s6 =	smov.u32 @p6 s10  }
0x1bb: {  	p0 =	por !p0, !p0;
	s6 =	sshll.u32 @p2 s6, $0x3  }
0x1bc: {  	v7 =	vlaneseq.u32 @p2;
	p5 =	por !p2, !p5;
	s6 =	sadd.s32 @p2 s7, s6;
	s7 =	simm.s32 $0x1  }
0x1bd: {  	v9 =	vand.u32 @p2 $0x7, v7;
	s7 =	simm.s32 @!p0 $0x0;
	p0 =	por !p5, !p5;
	v8 =	vadd.s32 @p2 s6, v7;
	v7 =	vadd.s32 @p2 s4, v7;
	s4 =	simm.s32 $0x1  }
0x1be: {  	s4 =	simm.s32 @!p0 $0x0  }
0x1bf: {  	v8 =	vand.u32 @p2 $0xFFFFFFF8, v8;
	s22 =	sadd.s32 s4, s22  }
0x1c0: {  	v8 =	vor.u32 @p2 v9, v8;
	p0 =	slt.s32 s22, $0x63;
	s4 =	smov.u32 s22  }
0x1c1: {  	s4 =	simm.s32 @!p0 $0x63  }
0x1c2: {  	s4 =	sshll.u32 s4, $0x3  }
0x1c3: {  	s4 =	sadd.s32 $0x960, s4  }
0x1c4: {  	v10 =	vadd.s32 s4, v3;
	s4 =	simm.s32 @p2 $0x14468  }
0x1c5: {  	v8 =	vld.idx.msk @p2 [tilespmem:v8+s4+$0x0], $0xffff;
	_ =	sdelay $0x4  }
0x1c6: {  	(v2sf) =	vpush @p2 v8, $0x5;
	_ =	sdelay $0x1  }
0x1c7: {  	p3 =	por !p3, !p3;
	s6 =	simm.s32 $0x1  }
0x1c8: {  	s6 =	simm.s32 @!p3 $0x0  }
0x1c9: {  	s25 =	sadd.s32 s6, s25  }
0x1ca: {  	p3 =	slt.s32 s25, $0x63;
	s6 =	smov.u32 s25  }
0x1cb: {  	vm6 =	vcmask @p2 $0x1310;
	s6 =	simm.s32 @!p3 $0x63  }
0x1cc: {  	v14 =	vimm.f32 @p2 $0.0e+00;
	vm7 =	vcmask @p2 $0xF0C;
	v7 =	vand.u32 @p2 $0x7F8, v7;
	s6 =	sshll.u32 s6, $0x3  }
0x1cd: {  	vm8 =	vmmov @p2 $0x1;
	v7 =	vor.u32 @p2 v9, v7;
	s6 =	sadd.s32 $0x320, s6;
	v9 =	vbroadcast @p2 v8, $0x4  }
0x1ce: {  	v15 =	vsel @p2 vm6, $0x3F800000, v14;
	s24 =	sadd.s32 s7, s24;
	v11 =	vadd.s32 s6, v3;
	v16 =	vbroadcast @p2 v8, $0x3  }
0x1cf: {  	p0 =	slt.s32 s24, $0x63;
	s6 =	smov.u32 s24;
	v17 =	vbroadcast @p2 v8, $0x2;
	v9 =	vsel @p2 vm7, v9, v15;
	vm7 =	vcmask @p2 $0x3F0C  }
0x1d0: {  	s6 =	simm.s32 @!p0 $0x63;
	v18 =	vbroadcast @p2 v8, $0x1;
	v9 =	vsel @p2 vm7, v9, v16;
	vm7 =	vcmask @p2 $0x3F08  }
0x1d1: {  	p4 =	por !p4, !p4;
	vm6 =	vcmask @p2 $0x704;
	s7 =	simm.s32 $0x1;
	s6 =	sshll.u32 s6, $0x3;
	v9 =	vsel @p2 vm7, v9, v17;
	vm7 =	vcmask @p2 $0x3F04  }
0x1d2: {  	v14 =	vsel @p2 vm6, $0x3F800000, v14;
	s7 =	simm.s32 @!p4 $0x0;
	v13 =	vadd.s32 s6, v3;
	s6 =	simm.s32 @p2 $0x150E8;
	v9 =	vsel @p2 vm7, v9, v18  }
0x1d3: {  	s23 =	sadd.s32 s7, s23;
	v8 =	vsel @p2 vm8, v8, v14;
	[tilespmem:v7+s6+$0x0] =	vst.idx.msk @p2 $0xff, v9;
	s6 =	simm.s32 @p2 $0x15408  }
0x1d4: {  	p4 =	slt.s32 s23, $0x63;
	s7 =	smov.u32 s23;
	[tilespmem:v7+s6+$0x0] =	vst.idx.msk @p2 $0xff, v8;
	s6 =	spop @p2 (v2sf)  }
0x1d5: {  	s7 =	simm.s32 @!p4 $0x63;
	v8 =	vand.u32 $0xFFFFFFF8, v13;
	s6 =	scvt.f32.s32 @p2 s6  }
0x1d6: {  	s7 =	sshll.u32 s7, $0x3;
	v11 =	vand.u32 $0xFFFFFFF8, v11;
	v8 =	vor.u32 v6, v8  }
0x1d7: {  	s7 =	sadd.s32 $0x640, s7;
	v62 =	vor.u32 v6, v11;
	vm7 =	vcmask @p2 $0x300;
	v11 =	vmov @p2 s6  }
0x1d8: {  	v12 =	vadd.s32 s7, v3;
	v11 =	vnsel @p2 vm7, $0x0, v11  }
0x1d9: {  	v12 =	vand.u32 $0xFFFFFFF8, v12;
	s6 =	simm.s32 @p2 $0x15728;
	v11 =	vsel @p2 vm6, $0x1, v11  }
0x1da: {  	v10 =	vand.u32 $0xFFFFFFF8, v10;
	v12 =	vor.u32 v6, v12;
	[tilespmem:v7+s6+$0x0] =	vst.idx.msk @p2 $0xff, v11  }
0x1db: {  	v10 =	vor.u32 v6, v10;
	v7 =	vld.idx.msk [tilespmem:v8+s18+$0x0], $0xffff  }
0x1dc: {  	v8 =	vld.idx.msk [tilespmem:v62+s18+$0x0], $0xffff;
	_ =	sdelay $0x2  }
0x1dd: {  	v63 =	vld.idx.msk [tilespmem:v12+s18+$0x0], $0xffff  }
0x1de: {  	v10 =	vld.idx.msk [tilespmem:v10+s18+$0x0], $0xffff;
	(v2sf) =	vpush v7, $0x0  }
0x1df: {  	(v2sf) =	vpush v8, $0x6  }
0x1e0: {  	(v2sf) =	vpush v7, $0x6  }
0x1e1: {  	(v2sf) =	vpush v8, $0x0  }
0x1e2: {  	(v2sf) =	vpush v63, $0x6  }
0x1e3: {  	(v2sf) =	vpush v10, $0x6  }
0x1e4: {  	(v2sf) =	vpush v10, $0x0  }
0x1e5: {  	(v2sf) =	vpush v63, $0x0;
	_ =	sdelay $0x7  }
0x1e6: {  	s12 =	smov.u32 s5;
	s5 =	sadd.s32 $0x8, s5;
	s7 =	spop (v2sf)  }
0x1e7: {  	s4 =	smov.u32 s21;
	s21 =	smov.u32 s12;
	s12 =	spop (v2sf)  }
0x1e8: {  	p1 =	sne.s32 s5, $0x320;
	p0 =	slt.s32 s24, $0x64;
	s10 =	spop (v2sf)  }
0x1e9: {  	s7 =	simm.s32 @!p0 $0xBF800000;
	p0 =	slt.s32 s25, $0x64;
	s8 =	spop (v2sf)  }
0x1ea: {  	p2 =	slt.f32 s10, s12;
	s8 =	simm.s32 @!p0 $0xBF800000;
	s11 =	spop (v2sf)  }
0x1eb: {  	p5 =	slt.s32 s23, $0x64;
	p6 =	sgt.f32 s7, s8;
	s19 =	spop (v2sf)  }
0x1ec: {  	p0 =	slt.s32 s22, $0x64;
	p3 =	sne.f32 s7, s8;
	s9 =	spop (v2sf)  }
0x1ed: {  	p4 =	slt.f32 s11, s19;
	s6 =	spop (v2sf);
	s9 =	simm.s32 @!p0 $0xBF800000  }
.Ltmp23:
0x1ee: {  	s6 =	simm.s32 @!p5 $0xBF800000;
	p5 =	por !p2, !p2;
	(pc) =	sbr.rel @p1 .LBB2_31-.Ltmp23, $4  }
0x1ef: {  	p6 =	por !p6, !p6;
	p0 =	por p5, p3;
	p5 =	seq.f32 s6, s9  }
0x1f0: {  	p0 =	por !p6, !p0  }
0x1f1: {  	p2 =	por !p0, !p0;
	p6 =	por !p4, !p5  }
0x1f2: {  	p3 =	sgt.f32 s6, s9;
	s10 =	smov.u32 @p2 s12;
	p4 =	por !p6, !p6  }
0x1f3: {  	_ = 	snop  }
0x1f4: {  	p3 =	por p3, p4  }
0x1f5: {  	s7 =	smov.u32 @p2 s8;
	s9 =	smov.u32 @p3 s6;
	s19 =	smov.u32 @p3 s11  }
0x1f6: {  	p0 =	seq.f32 s7, s9;
	p1 =	slt.f32 s10, s19  }
0x1f7: {  	_ = 	snop  }
0x1f8: {  	p6 =	sgt.f32 s7, s9;
	p0 =	por !p0, !p1  }
0x1f9: {  	s5 =	simm.s32 $0x1;
	p0 =	por !p0, !p0  }
0x1fa: {  	s5 =	simm.s32 @!p2 $0x0;
	s6 =	rddreg [dreg:$0x4];
	p0 =	por p6, p0  }
0x1fb: {  	s6 =	simm.s32 @!p3 $0x3;
	s9 =	smov.u32 @p0 s7;
	p4 =	por !p0, !p0  }
0x1fc: {  	p6 =	por !p2, !p0;
	p5 =	por !p3, !p4;
	p1 =	sgt.f32 s9, $0.0e+00  }
0x1fd: {  	s6 =	smov.u32 @p0 s5;
	s5 =	smov.u32 s23;
	p5 =	por !p5, !p5  }
0x1fe: {  	s7 =	smov.u32 s25;
	p6 =	por !p6, !p6;
	p2 =	por !p5, !p1  }
0x1ff: {  	p4 =	seq.s32 @p1 s6, $0x0;
	p3 =	por !p6, !p1;
	s5 =	smov.u32 @p2 s22  }
0x200: {  	p0 =	por !p4, !p1;
	s7 =	smov.u32 @p3 s5;
	s5 =	smov.u32 s24  }
0x201: {  	s8 =	smul.u32 @p1 $0x320, s6;
	s5 =	smov.u32 @p0 s7  }
0x202: {  	s5 =	sshll.u32 @p1 s5, $0x3  }
0x203: {  	v7 =	vlaneseq.u32 @p1;
	s5 =	sadd.s32 @p1 s8, s5  }
0x204: {  	v8 =	vadd.s32 @p1 s5, v7  }
0x205: {  	v9 =	vand.u32 @p1 $0x7, v7;
	v8 =	vand.u32 @p1 $0xFFFFFFF8, v8  }
0x206: {  	v8 =	vor.u32 @p1 v9, v8;
	_ =	sdelay $0x3  }
0x207: {  	s5 =	simm.s32 @p1 $0x14468  }
0x208: {  	v8 =	vld.idx.msk @p1 [tilespmem:v8+s5+$0x0], $0xffff;
	_ =	sdelay $0x4  }
0x209: {  	(v2sf) =	vpush @p1 v8, $0x5;
	_ =	sdelay $0x3  }
0x20a: {  	p5 =	seq.s32 s6, $0x0;
	p3 =	por !p3, !p3;
	s5 =	simm.s32 $0x1  }
0x20b: {  	p0 =	por !p1, !p5;
	s5 =	simm.s32 @!p3 $0x0  }
0x20c: {  	s7 =	simm.s32 $0x1;
	p0 =	por !p0, !p0;
	s5 =	sadd.s32 s5, s25  }
0x20d: {  	s7 =	simm.s32 @!p0 $0x0;
	p0 =	slt.s32 s5, $0x63;
	s8 =	smov.u32 s5  }
0x20e: {  	p6 =	seq.s32 s6, $0x3;
	s8 =	simm.s32 @!p0 $0x63  }
0x20f: {  	vm6 =	vcmask @p1 $0x1310;
	v11 =	vimm.f32 @p1 $0.0e+00;
	p2 =	por !p2, !p2;
	s7 =	sadd.s32 s7, s24;
	s25 =	sshll.u32 s8, $0x3  }
0x210: {  	vm7 =	vcmask @p1 $0xF0C;
	vm8 =	vmmov @p1 $0x1;
	v7 =	vadd.s32 @p1 s4, v7;
	p0 =	slt.s32 s7, $0x63;
	s8 =	smov.u32 s7;
	s4 =	sadd.s32 $0x320, s25  }
0x211: {  	v13 =	vsel @p1 vm6, $0x3F800000, v11;
	vm6 =	vcmask @p1 $0x704;
	s8 =	simm.s32 @!p0 $0x63;
	p0 =	por !p1, !p6;
	v10 =	vadd.s32 s4, v3;
	s4 =	simm.s32 $0x1  }
0x212: {  	s6 =	simm.s32 $0x1;
	v11 =	vsel @p1 vm6, $0x3F800000, v11;
	v7 =	vand.u32 @p1 $0x7F8, v7;
	v14 =	vbroadcast @p1 v8, $0x4;
	p0 =	por !p0, !p0;
	s4 =	simm.s32 @!p2 $0x0  }
0x213: {  	v7 =	vor.u32 @p1 v9, v7;
	v9 =	vbroadcast @p1 v8, $0x3;
	v15 =	vbroadcast @p1 v8, $0x2;
	s6 =	simm.s32 @!p0 $0x0;
	s4 =	sadd.s32 s4, s23  }
0x214: {  	s9 =	sshll.u32 s8, $0x3;
	v13 =	vsel @p1 vm7, v14, v13;
	vm7 =	vcmask @p1 $0x3F0C;
	v14 =	vbroadcast @p1 v8, $0x1;
	s8 =	sadd.s32 s6, s22;
	p0 =	slt.s32 s4, $0x63  }
0x215: {  	v12 =	vadd.s32 s9, v3;
	v9 =	vsel @p1 vm7, v13, v9;
	vm7 =	vcmask @p1 $0x3F08;
	s6 =	smov.u32 s4;
	p2 =	slt.s32 s8, $0x63;
	s9 =	spop @p1 (v2sf)  }
0x216: {  	v10 =	vand.u32 $0xFFFFFFF8, v10;
	v9 =	vsel @p1 vm7, v9, v15;
	v12 =	vand.u32 $0xFFFFFFF8, v12;
	s10 =	smov.u32 s8;
	s6 =	simm.s32 @!p0 $0x63;
	s9 =	scvt.f32.s32 @p1 s9  }
0x217: {  	vm7 =	vcmask @p1 $0x3F04;
	v10 =	vor.u32 v6, v10;
	v12 =	vor.u32 v6, v12;
	s10 =	simm.s32 @!p2 $0x63;
	s6 =	sshll.u32 s6, $0x3  }
0x218: {  	s11 =	simm.s32 @p1 $0x150E8;
	v9 =	vsel @p1 vm7, v9, v14;
	vm7 =	vcmask @p1 $0x300;
	s10 =	sshll.u32 s10, $0x3;
	s6 =	sadd.s32 $0x640, s6;
	v13 =	vmov @p1 s9  }
0x219: {  	v8 =	vsel @p1 vm8, v8, v11;
	[tilespmem:v7+s11+$0x0] =	vst.idx.msk @p1 $0xff, v9;
	s10 =	sadd.s32 $0x960, s10;
	v57 =	vadd.s32 s6, v3;
	s6 =	simm.s32 @p1 $0x15408;
	v9 =	vnsel @p1 vm7, $0x0, v13  }
0x21a: {  	v58 =	vadd.s32 s10, v3;
	v59 =	vand.u32 $0xFFFFFFF8, v57;
	[tilespmem:v7+s6+$0x0] =	vst.idx.msk @p1 $0xff, v8;
	s6 =	simm.s32 @p1 $0x15728;
	v8 =	vsel @p1 vm6, $0x1, v9  }
0x21b: {  	v60 =	vand.u32 $0xFFFFFFF8, v58;
	v61 =	vor.u32 v6, v59;
	[tilespmem:v7+s6+$0x0] =	vst.idx.msk @p1 $0xff, v8  }
0x21c: {  	v7 =	vor.u32 v6, v60;
	v8 =	vld.idx.msk [tilespmem:v12+s18+$0x0], $0xffff  }
0x21d: {  	v62 =	vld.idx.msk [tilespmem:v10+s18+$0x0], $0xffff;
	_ =	sdelay $0x2  }
0x21e: {  	v63 =	vld.idx.msk [tilespmem:v61+s18+$0x0], $0xffff  }
0x21f: {  	v7 =	vld.idx.msk [tilespmem:v7+s18+$0x0], $0xffff;
	(v2sf) =	vpush v8, $0x0  }
0x220: {  	(v2sf) =	vpush v62, $0x6  }
0x221: {  	(v2sf) =	vpush v8, $0x6  }
0x222: {  	(v2sf) =	vpush v62, $0x0  }
0x223: {  	(v2sf) =	vpush v63, $0x6  }
0x224: {  	(v2sf) =	vpush v7, $0x6  }
0x225: {  	(v2sf) =	vpush v7, $0x0  }
0x226: {  	(v2sf) =	vpush v63, $0x0;
	_ =	sdelay $0x7  }
0x227: {  	s6 =	spop (v2sf)  }
0x228: {  	s9 =	spop (v2sf)  }
0x229: {  	s10 =	spop (v2sf)  }
0x22a: {  	s11 =	spop (v2sf)  }
0x22b: {  	p3 =	slt.s32 s4, $0x64;
	p0 =	slt.s32 s7, $0x64;
	s12 =	spop (v2sf)  }
0x22c: {  	s6 =	simm.s32 @!p0 $0xBF800000;
	p0 =	slt.s32 s5, $0x64;
	s19 =	spop (v2sf)  }
0x22d: {  	p2 =	slt.f32 s10, s9;
	s11 =	simm.s32 @!p0 $0xBF800000;
	s22 =	spop (v2sf)  }
0x22e: {  	p0 =	slt.s32 s8, $0x64;
	p4 =	sgt.f32 s6, s11;
	s23 =	spop (v2sf)  }
0x22f: {  	p6 =	sne.f32 s6, s11;
	s22 =	simm.s32 @!p0 $0xBF800000;
	s23 =	simm.s32 @!p3 $0xBF800000  }
0x230: {  	p1 =	por !p2, !p2;
	p5 =	slt.f32 s12, s19;
	p3 =	seq.f32 s23, s22  }
0x231: {  	p2 =	por !p4, !p4;
	p1 =	por p1, p6  }
0x232: {  	p1 =	por !p2, !p1;
	p6 =	sgt.f32 s23, s22;
	p0 =	por !p5, !p3  }
0x233: {  	p2 =	por !p1, !p1;
	p0 =	por !p0, !p0  }
0x234: {  	s10 =	smov.u32 @p2 s9;
	p3 =	por p6, p0  }
0x235: {  	s6 =	smov.u32 @p2 s11;
	s22 =	smov.u32 @p3 s23;
	s19 =	smov.u32 @p3 s12  }
0x236: {  	p4 =	seq.f32 s6, s22;
	p5 =	slt.f32 s10, s19  }
0x237: {  	_ = 	snop  }
0x238: {  	p6 =	sgt.f32 s6, s22;
	p0 =	por !p4, !p5  }
0x239: {  	p0 =	por !p0, !p0  }
0x23a: {  	s9 =	rddreg [dreg:$0x4];
	p0 =	por p6, p0  }
0x23b: {  	s9 =	simm.s32 @!p3 $0x3;
	s22 =	smov.u32 @p0 s6;
	p5 =	por !p0, !p0  }
0x23c: {  	s10 =	simm.s32 $0x1;
	p6 =	por !p3, !p5;
	p1 =	sgt.f32 s22, $0.0e+00  }
0x23d: {  	s10 =	simm.s32 @!p2 $0x0;
	p2 =	por !p2, !p0;
	p5 =	por !p6, !p6  }
0x23e: {  	s9 =	smov.u32 @p0 s10;
	p6 =	por !p2, !p2;
	p2 =	por !p5, !p1  }
0x23f: {  	p3 =	seq.s32 @p1 s9, $0x0;
	p0 =	por !p6, !p1;
	s4 =	smov.u32 @p2 s8  }
0x240: {  	s5 =	smov.u32 @p0 s4;
	p0 =	por !p3, !p1  }
0x241: {  	s4 =	smul.u32 @p1 $0x320, s9;
	s7 =	smov.u32 @p0 s5  }
0x242: {  	s5 =	sshll.u32 @p1 s7, $0x3  }
0x243: {  	v7 =	vlaneseq.u32 @p1;
	s4 =	sadd.s32 @p1 s4, s5  }
0x244: {  	v8 =	vadd.s32 @p1 s4, v7  }
0x245: {  	v9 =	vand.u32 @p1 $0x7, v7;
	v8 =	vand.u32 @p1 $0xFFFFFFF8, v8  }
0x246: {  	v8 =	vor.u32 @p1 v9, v8;
	_ =	sdelay $0x3  }
0x247: {  	s4 =	simm.s32 @p1 $0x14468  }
0x248: {  	v8 =	vld.idx.msk @p1 [tilespmem:v8+s4+$0x0], $0xffff;
	_ =	sdelay $0x4  }
0x249: {  	(v2sf) =	vpush @p1 v8, $0x5;
	_ =	sdelay $0xa  }
0x24a: {  	vm6 =	vcmask @p1 $0x1310;
	v10 =	vimm.f32 @p1 $0.0e+00  }
0x24b: {  	vm7 =	vcmask @p1 $0x704;
	vm8 =	vmmov @p1 $0x1;
	v7 =	vadd.s32 @p1 s21, v7  }
0x24c: {  	v11 =	vsel @p1 vm6, $0x3F800000, v10;
	v7 =	vand.u32 @p1 $0x7F8, v7;
	v12 =	vbroadcast @p1 v8, $0x4  }
0x24d: {  	vm6 =	vcmask @p1 $0xF0C;
	v7 =	vor.u32 @p1 v9, v7;
	v9 =	vbroadcast @p1 v8, $0x3  }
0x24e: {  	v13 =	vbroadcast @p1 v8, $0x2;
	v11 =	vsel @p1 vm6, v12, v11;
	vm6 =	vcmask @p1 $0x3F0C;
	s4 =	spop @p1 (v2sf)  }
0x24f: {  	v12 =	vbroadcast @p1 v8, $0x1;
	v9 =	vsel @p1 vm6, v11, v9;
	vm6 =	vcmask @p1 $0x3F08;
	s4 =	scvt.f32.s32 @p1 s4  }
0x250: {  	v10 =	vsel @p1 vm7, $0x3F800000, v10;
	v9 =	vsel @p1 vm6, v9, v13;
	vm6 =	vcmask @p1 $0x3F04  }
0x251: {  	s5 =	simm.s32 @p1 $0x150E8;
	v9 =	vsel @p1 vm6, v9, v12;
	vm6 =	vcmask @p1 $0x300;
	v11 =	vmov @p1 s4  }
0x252: {  	v8 =	vsel @p1 vm8, v8, v10;
	[tilespmem:v7+s5+$0x0] =	vst.idx.msk @p1 $0xff, v9;
	s4 =	simm.s32 @p1 $0x15408;
	v9 =	vnsel @p1 vm6, $0x0, v11  }
0x253: {  	[tilespmem:v7+s4+$0x0] =	vst.idx.msk @p1 $0xff, v8;
	s4 =	simm.s32 @p1 $0x15728;
	v8 =	vsel @p1 vm7, $0x1, v9  }
0x254: {  	s12 =	rddreg [dreg:$0x11];
	s19 =	simm.s32 $0x150E8;
	[tilespmem:v7+s4+$0x0] =	vst.idx.msk @p1 $0xff, v8  }
0x255: {  	[hbm4b:s12+s2] =	stream.linear.scatter [tilespmem:s19], [sflag:$0x1], $0x320, $0x38;
	[tilespmem:$0x15D68] =	vst v63  }
0x256: {  	_ =	swait.ge [sflag:s29], $0x320  }
0x257: {  	[sflag:s29] =	ssyncset.done $0x0  }
0x258: {  	s22 =	simm.s32 $0x15408;
	s21 =	rddreg [dreg:$0x12];
	[sflag:s29] =	ssyncadd.s32 $0xFFFFFCE0  }
0x259: {  	[hbm4b:s21+s2] =	stream.linear.scatter [tilespmem:s22], [sflag:$0x1], $0x320, $0x38;
	[tilespmem:$0x15D68] =	vst v63  }
0x25a: {  	_ =	swait.ge [sflag:s29], $0x320  }
0x25b: {  	[sflag:s29] =	ssyncset.done $0x0  }
0x25c: {  	s24 =	simm.s32 $0x15728;
	s23 =	rddreg [dreg:$0x13];
	[sflag:s29] =	ssyncadd.s32 $0xFFFFFCE0  }
0x25d: {  	[hbm4b:s23+s2] =	stream.linear.scatter [tilespmem:s24], [sflag:$0x1], $0x320, $0x38;
	[tilespmem:$0x15D68] =	vst v63  }
.Ltmp24:
0x25e: {  	_ =	swait.ge [sflag:s29], $0x320;
	(pc) =	sbr.rel .LBB2_33-.Ltmp24, $3  }
0x25f: {  	s25 =	sld [smem:$0x7FD];
	_ =	sdelay $0x1  }
0x260: {  	[sflag:s29] =	ssyncset.done $0x0  }
0x261: {  	[sflag:s29] =	ssyncadd.s32 $0xFFFFFCE0;
	p4 =	seq.s32 s25, $0x1  }
.LBB2_34:
0x262: {  	_ =	sfence.sel $0x180000  }
0x263: {  	[bflag:$0x0] =	sbarrier.arrive $0xFFFF  }
0x264: {  	_ =	strace $0x90000047  }
0x265: {  	s0 =	stileid.u32;
	[bflag:$0x2] =	sbarrier.arrive $0xFFFF  }
0x266: {  	p0 =	sne.s32 s0, $0x0;
	s0 =	rddreg [dreg:$0x3]  }
0x267: {  	s0 =	sadd.s32 @!p0 $0x100000, s0  }
0x268: {  	[sflag:s0] =	ssyncadd.tile.s32 @!p0 $0x1;
	_ =	shalt  }
.Lfunc_end2:
_tile_overlayer_lowered:
.L_overlay_start_2:
0x269: {  	(tag) =	ssettag $0x2  }
0x26a: {  	s0 =	rddreg [dreg:$0x0];
	s2 =	stileid.u32  }
0x26b: {  	s1 =	rddreg [dreg:$0x1];
	p0 =	sne.s32 s2, $0x0  }
0x26c: {  	s3 =	rddreg [dreg:$0x2];
	[bflag:$0x3] =	sbarrier.arrive $0xFFFF;
	s2 =	simm.s32 @!p0 $0x1C01  }
0x26d: {  	[timem:s3], [sflag:s2] =	dma.local @!p0 [hbm:s0], s1  }
0x26e: {  	s0 =	simm.s32 @!p0 $0x1  }
0x26f: {  	_ =	swait.ge @!p0 [sflag:s0], s1  }
0x270: {  	s1 =	ssub.s32 @!p0 $0x0, s1;
	[sflag:s0] =	ssyncset.done @!p0 $0x0  }
0x271: {  	[sflag:s0] =	ssyncadd.s32 @!p0 s1  }
0x272: {  	[bflag:$0x3] =	sbarrier.arrive $0xFFFF  }
0x273: {  	_ =	shalt  }

</sc_bundles>
